<compile_context>
chip_gen: v7x
topology: tpu7x:2x2x1
jax: 0.10.2.dev20260603
libtpu: 0.0.44.dev20260713+nightly
codegen_flags: <defaults>
</compile_context>

<pallas_src>
import functools

import jax
import jax.numpy as jnp
from jax import lax
from jax.experimental import pallas as pl
from jax.experimental.pallas import tpu as pltpu
from jax.experimental.pallas import tpu_sc as plsc


def _mlp_t_body(tab_ref, w1_ref, w2_ref, out_ref):
    h = jnp.maximum(
        jnp.dot(tab_ref[...], w1_ref[...], preferred_element_type=jnp.float32),
        0.0,
    )
    t = lax.dot_general(
        w2_ref[...], h, (((0,), (1,)), ((), ())),
        preferred_element_type=jnp.float32,
    )
    out_ref[...] = jnp.concatenate(
        [t, jnp.zeros((t.shape[0], out_ref.shape[1] - t.shape[1]), jnp.float32)],
        axis=1,
    )


def _compute_logits_t(table, W1, W2, Vpad):
    V = table.shape[0]
    F = W2.shape[1]
    return pl.pallas_call(
        _mlp_t_body,
        out_shape=jax.ShapeDtypeStruct((F, Vpad), jnp.float32),
    )(table, W1, W2)


@functools.lru_cache(maxsize=None)
def _make_sc_tgather(L, F, BB, Vpad):
    info = plsc.get_sparse_core_info()
    nc, ns = info.num_cores, info.num_subcores
    nw = nc * ns
    NWIN = BB // 128
    NG = nw // NWIN
    CH = 64
    FG = 256
    NCH = FG // CH
    assert Vpad == 1024 and BB % 128 == 0 and NG * FG >= F and F >= FG

    mesh = plsc.VectorSubcoreMesh(core_axis_name="c", subcore_axis_name="s")

    @functools.partial(
        pl.kernel,
        mesh=mesh,
        out_type=jax.ShapeDtypeStruct((L, F, BB), jnp.float32),
        scratch_types=[
            pltpu.VMEM((L, 128), jnp.int32),
            pltpu.VMEM((CH * Vpad,), jnp.float32),
            pltpu.VMEM((2, CH, 128), jnp.float32),
            [pltpu.SemaphoreType.DMA] * 2,
        ],
        compiler_params=pltpu.CompilerParams(needs_layout_passes=False),
    )
    def gk(idxt_hbm, ltabt_hbm, out_hbm, idx_v, src_v, stg_v, wsems):
        wid = lax.axis_index("s") * nc + lax.axis_index("c")
        grp = wid // NWIN
        win = lax.rem(wid, NWIN)
        f0 = lax.min(grp * FG, F - FG)
        bb0 = win * 128

        pltpu.sync_copy(idxt_hbm.at[:, pl.ds(bb0, 128)], idx_v)

        def chunk_body(c, carry):
            fc = f0 + c * CH
            pltpu.sync_copy(ltabt_hbm.at[pl.ds(fc * Vpad, CH * Vpad)], src_v)

            def emit_l(l, par):
                t = c * L + l

                @pl.when(t >= 2)
                def _():
                    pltpu.make_async_copy(
                        stg_v.at[par],
                        out_hbm.at[0, pl.ds(f0, CH), pl.ds(bb0, 128)],
                        wsems[par],
                    ).wait()

                ivrow = idx_v.at[l]
                ivs = [ivrow[pl.ds(16 * j, 16)] for j in range(8)]

                def f_body(k, fcarry):
                    f = 8 * k
                    gs = []
                    for u in range(8):
                        base = (f + u) * Vpad
                        for j in range(8):
                            gs.append(plsc.load_gather(src_v, [ivs[j] + base]))
                    for u in range(8):
                        srow = stg_v.at[par, f + u]
                        for j in range(8):
                            srow[pl.ds(16 * j, 16)] = gs[8 * u + j]
                    return fcarry

                lax.fori_loop(0, CH // 8, f_body, 0)
                pltpu.async_copy(
                    stg_v.at[par],
                    out_hbm.at[l, pl.ds(fc, CH), pl.ds(bb0, 128)],
                    wsems[par],
                )

            def l_body(i, lcarry):
                emit_l(2 * i, 0)
                emit_l(2 * i + 1, 1)
                return lcarry

            lax.fori_loop(0, L // 2, l_body, 0)
            return carry

        lax.fori_loop(0, NCH, chunk_body, 0)
        for par in range(2):
            pltpu.make_async_copy(
                stg_v.at[par],
                out_hbm.at[0, pl.ds(f0, CH), pl.ds(bb0, 128)],
                wsems[par],
            ).wait()

    return gk


def kernel(idx, table, W1, W2):
    B, L = idx.shape
    F = W2.shape[1]
    V = table.shape[0]
    Vpad = (V + 127) // 128 * 128
    ltabt = _compute_logits_t(table, W1, W2, Vpad)
    idxt = jnp.transpose(idx.astype(jnp.int32), (1, 0))
    out = _make_sc_tgather(L, F, B, Vpad)(idxt, ltabt.reshape(-1))
    return jnp.transpose(out, (2, 0, 1))

# --- scband reference (transcript-rebuilt; emitter-appended) ---
"""Pipeline reference for scband-initial-model-73203422593563 (READ-ONLY COPY).

The authoritative reference and input builder live on the scoring server;
editing this copy changes nothing except your own understanding.
"""

import jax, jax.numpy as jnp
import numpy as np

VOCAB = 1000
N_EMBD = 128
B = 1024
L = 50

def setup_inputs(seed: int = 0) -> dict:
    key = jax.random.key(seed)
    k_idx, k_tab, k_w1, k_w2 = jax.random.split(key, 4)
    idx = jax.random.randint(k_idx, (B, L), 0, VOCAB, dtype=jnp.int64 if jax.config.jax_enable_x64 else jnp.int32)
    table = jax.random.normal(k_tab, (VOCAB, N_EMBD), dtype=jnp.float32) * 0.02
    W1 = jax.random.normal(k_w1, (N_EMBD, N_EMBD), dtype=jnp.float32) * (1.0 / np.sqrt(N_EMBD))
    W2 = jax.random.normal(k_w2, (N_EMBD, VOCAB), dtype=jnp.float32) * (1.0 / np.sqrt(N_EMBD))
    return {"idx": idx, "table": table, "W1": W1, "W2": W2}

def reference(idx, table, W1, W2):
    # Embedding lookup: gather rows of the table
    x = jnp.take(table, idx, axis=0)           # [B, L, n_embd]
    # Dense(n_embd, use_bias=False) -> ReLU -> Dense(vocab, use_bias=False)
    h = jnp.maximum(jnp.einsum('ble,ef->blf', x, W1), 0.0)
    logits = jnp.einsum('blf,fv->blv', h, W2)  # [B, L, vocab]
    return logits

if __name__ == "__main__":
    import jax
    _d = setup_inputs()
    print(jax.jit(kernel)(*tuple(_d.values())))

</pallas_src>

<mosaic_0001>
#map = affine_map<(d0, d1) -> (0, 0)>
#map1 = affine_map<(d0, d1) -> (0)>
#map2 = affine_map<(d0, d1) -> (0, 0, 0)>
module attributes {stable_mosaic.version = 14 : i64} {
  func.func @gk(%arg0: i32, %arg1: i32, %arg2: memref<50x1024xi32, #tpu.memory_space<hbm>>, %arg3: memref<1024000xf32, #tpu.memory_space<hbm>>, %arg4: memref<50x1000x1024xf32, #tpu.memory_space<hbm>>, %arg5: memref<50x128xi32, #tpu.memory_space<vmem>>, %arg6: memref<65536xf32, #tpu.memory_space<vmem>>, %arg7: memref<2x64x128xf32, #tpu.memory_space<vmem>>, %arg8: memref<!tpu.dma_semaphore, #tpu.memory_space<semaphore_mem>>, %arg9: memref<!tpu.dma_semaphore, #tpu.memory_space<semaphore_mem>>) attributes {dimension_semantics = [#tpu.dimension_semantics<core_parallel>, #tpu.dimension_semantics<subcore_parallel>], iteration_bounds = array<i64: 2, 16>, scalar_prefetch = 0 : i64, scratch_operands = 5 : i64, tpu.core_type = #tpu.core_type<sc_vector_subcore>, window_params = [{transform_indices = #map}, {transform_indices = #map1}, {transform_indices = #map2}]} {
    %mul3A = arith.constant 2 : i32
    %mul3A_0 = arith.muli %arg1, %mul3A : i32
    %add3A = arith.addi %mul3A_0, %arg0 : i32
    %jit3A = arith.constant 8 : i32
    %div3A = arith.divsi %add3A, %jit3A : i32
    %sign3A = arith.constant 0 : i32
    %sign3A_1 = arith.cmpi sgt, %add3A, %sign3A : i32
    %sign3A_2 = arith.extui %sign3A_1 : i1 to i32
    %sign3A_3 = arith.constant 0 : i32
    %sign3A_4 = arith.cmpi slt, %add3A, %sign3A_3 : i32
    %sign3A_5 = arith.extui %sign3A_4 : i1 to i32
    %sign3A_6 = arith.subi %sign3A_2, %sign3A_5 : i32
    %sign3A_7 = arith.constant 0 : i32
    %sign3A_8 = arith.cmpi sgt, %jit3A, %sign3A_7 : i32
    %sign3A_9 = arith.extui %sign3A_8 : i1 to i32
    %sign3A_10 = arith.constant 0 : i32
    %sign3A_11 = arith.cmpi slt, %jit3A, %sign3A_10 : i32
    %sign3A_12 = arith.extui %sign3A_11 : i1 to i32
    %sign3A_13 = arith.subi %sign3A_9, %sign3A_12 : i32
    %ne3A = arith.cmpi ne, %sign3A_6, %sign3A_13 : i32
    %rem3A = arith.remsi %add3A, %jit3A : i32
    %ne3A_14 = arith.constant 0 : i32
    %ne3A_15 = arith.cmpi ne, %rem3A, %ne3A_14 : i32
    %and3A = arith.andi %ne3A, %ne3A_15 : i1
    %sub3A = arith.constant 1 : i32
    %sub3A_16 = arith.subi %div3A, %sub3A : i32
    %select_n3A = arith.select %and3A, %sub3A_16, %div3A : i32
    %rem3A_17 = arith.constant 8 : i32
    %rem3A_18 = arith.remsi %add3A, %rem3A_17 : i32
    %mul3A_19 = arith.constant 256 : i32
    %mul3A_20 = arith.muli %select_n3A, %mul3A_19 : i32
    %min3A = arith.constant 744 : i32
    %min3A_21 = arith.minsi %mul3A_20, %min3A : i32
    %mul3A_22 = arith.constant 128 : i32
    %mul3A_23 = arith.muli %rem3A_18, %mul3A_22 : i32
    "tpu.region"() ({
      %run_scoped3A = tpu.sem_alloc : memref<!tpu.dma_semaphore, #tpu.memory_space<semaphore_mem>>
      %dma_start3A = arith.constant 0 : i32
      %dma_start3A_56 = tpu.memref_slice %arg2[%dma_start3A, %mul3A_23] : memref<50x1024xi32, #tpu.memory_space<hbm>> -> memref<50x128xi32, #tpu.memory_space<hbm>>
      %dma_start3A_57 = arith.constant 0 : i32
      %dma_start3A_58 = tpu.memref_slice %arg2[%dma_start3A_57, %mul3A_23] : memref<50x1024xi32, #tpu.memory_space<hbm>> -> memref<50x128xi32, #tpu.memory_space<hbm>>
      tpu.enqueue_dma source(%dma_start3A_58 : memref<50x128xi32, #tpu.memory_space<hbm>>) target(%arg5 : memref<50x128xi32, #tpu.memory_space<vmem>>) target_semaphore(%run_scoped3A : memref<!tpu.dma_semaphore, #tpu.memory_space<semaphore_mem>>)
      %dma_wait3A_59 = arith.constant 0 : i32
      %dma_wait3A_60 = tpu.memref_slice %arg2[%dma_wait3A_59, %mul3A_23] : memref<50x1024xi32, #tpu.memory_space<hbm>> -> memref<50x128xi32, #tpu.memory_space<hbm>>
      %dma_wait3A_61 = arith.constant 0 : i32
      %dma_wait3A_62 = tpu.memref_slice %arg2[%dma_wait3A_61, %mul3A_23] : memref<50x1024xi32, #tpu.memory_space<hbm>> -> memref<50x128xi32, #tpu.memory_space<hbm>>
      tpu.wait_dma2 semaphore(%run_scoped3A : memref<!tpu.dma_semaphore, #tpu.memory_space<semaphore_mem>>) src(%dma_wait3A_62 : memref<50x128xi32, #tpu.memory_space<hbm>>) dst(%arg5 : memref<50x128xi32, #tpu.memory_space<vmem>>)
      tpu.yield
    }) : () -> ()
    %scan3A = arith.constant 0 : i32
    %scan3A_24 = arith.constant 0 : i32
    %scan3A_25 = arith.constant 4 : i32
    %scan3A_26 = arith.addi %scan3A_24, %scan3A_25 : i32
    %scan3A_27 = arith.constant 1 : i32
    scf.for %scan3A_56 = %scan3A_24 to %scan3A_26 step %scan3A_27  : i32 {
      %mul3A_57 = arith.constant 64 : i32
      %mul3A_58 = arith.muli %scan3A_56, %mul3A_57 : i32
      %add3A_59 = arith.addi %min3A_21, %mul3A_58 : i32
      %mul3A_60 = arith.constant 1024 : i32
      %mul3A_61 = arith.muli %add3A_59, %mul3A_60 : i32
      "tpu.region"() ({
        %run_scoped3A = tpu.sem_alloc : memref<!tpu.dma_semaphore, #tpu.memory_space<semaphore_mem>>
        %dma_start3A = tpu.memref_slice %arg3[%mul3A_61] : memref<1024000xf32, #tpu.memory_space<hbm>> -> memref<65536xf32, #tpu.memory_space<hbm>>
        %dma_start3A_68 = tpu.memref_slice %arg3[%mul3A_61] : memref<1024000xf32, #tpu.memory_space<hbm>> -> memref<65536xf32, #tpu.memory_space<hbm>>
        tpu.enqueue_dma source(%dma_start3A_68 : memref<65536xf32, #tpu.memory_space<hbm>>) target(%arg6 : memref<65536xf32, #tpu.memory_space<vmem>>) target_semaphore(%run_scoped3A : memref<!tpu.dma_semaphore, #tpu.memory_space<semaphore_mem>>)
        %dma_wait3A_69 = tpu.memref_slice %arg3[%mul3A_61] : memref<1024000xf32, #tpu.memory_space<hbm>> -> memref<65536xf32, #tpu.memory_space<hbm>>
        %dma_wait3A_70 = tpu.memref_slice %arg3[%mul3A_61] : memref<1024000xf32, #tpu.memory_space<hbm>> -> memref<65536xf32, #tpu.memory_space<hbm>>
        tpu.wait_dma2 semaphore(%run_scoped3A : memref<!tpu.dma_semaphore, #tpu.memory_space<semaphore_mem>>) src(%dma_wait3A_70 : memref<65536xf32, #tpu.memory_space<hbm>>) dst(%arg6 : memref<65536xf32, #tpu.memory_space<vmem>>)
        tpu.yield
      }) : () -> ()
      %scan3A_62 = arith.constant 0 : i32
      %scan3A_63 = arith.constant 0 : i32
      %scan3A_64 = arith.constant 25 : i32
      %scan3A_65 = arith.addi %scan3A_63, %scan3A_64 : i32
      %scan3A_66 = arith.constant 1 : i32
      scf.for %scan3A_68 = %scan3A_63 to %scan3A_65 step %scan3A_66  : i32 {
        %mul3A_69 = arith.constant 2 : i32
        %mul3A_70 = arith.muli %mul3A_69, %scan3A_68 : i32
        %mul3A_71 = arith.constant 50 : i32
        %mul3A_72 = arith.muli %scan3A_56, %mul3A_71 : i32
        %add3A_73 = arith.addi %mul3A_72, %mul3A_70 : i32
        %ge3A = arith.constant 2 : i32
        %ge3A_74 = arith.cmpi sge, %add3A_73, %ge3A : i32
        %convert_element_type3A = arith.extui %ge3A_74 : i1 to i32
        %cond3A = arith.constant 0 : i32
        %cond3A_75 = arith.cmpi ne, %convert_element_type3A, %cond3A : i32
        scf.if %cond3A_75 {
          %dma_wait3A_204 = arith.constant 0 : i32
          %dma_wait3A_205 = arith.constant 0 : i32
          %dma_wait3A_206 = arith.constant 0 : i32
          %dma_wait3A_207 = arith.constant 0 : i32
          %dma_wait3A_208 = tpu.memref_slice %arg7[%dma_wait3A_204, %dma_wait3A_206, %dma_wait3A_207] : memref<2x64x128xf32, #tpu.memory_space<vmem>> -> memref<1x64x128xf32, #tpu.memory_space<vmem>>
          %dma_wait3A_209 = tpu.memref_squeeze %dma_wait3A_208 : memref<1x64x128xf32, #tpu.memory_space<vmem>> -> memref<64x128xf32, #tpu.memory_space<vmem>>
          %dma_wait3A_210 = tpu.memref_slice %arg4[%dma_wait3A_205, %min3A_21, %mul3A_23] : memref<50x1000x1024xf32, #tpu.memory_space<hbm>> -> memref<1x64x128xf32, #tpu.memory_space<hbm>>
          %dma_wait3A_211 = tpu.memref_squeeze %dma_wait3A_210 : memref<1x64x128xf32, #tpu.memory_space<hbm>> -> memref<64x128xf32, #tpu.memory_space<hbm>>
          %dma_wait3A_212 = tpu.memref_slice %arg4[%dma_wait3A_205, %min3A_21, %mul3A_23] : memref<50x1000x1024xf32, #tpu.memory_space<hbm>> -> memref<1x64x128xf32, #tpu.memory_space<hbm>>
          %dma_wait3A_213 = tpu.memref_squeeze %dma_wait3A_212 : memref<1x64x128xf32, #tpu.memory_space<hbm>> -> memref<64x128xf32, #tpu.memory_space<hbm>>
          %dma_wait3A_214 = arith.constant 0 : i32
          %dma_wait3A_215 = arith.constant 0 : i32
          %dma_wait3A_216 = tpu.memref_slice %arg7[%dma_wait3A_204, %dma_wait3A_214, %dma_wait3A_215] : memref<2x64x128xf32, #tpu.memory_space<vmem>> -> memref<1x64x128xf32, #tpu.memory_space<vmem>>
          %dma_wait3A_217 = tpu.memref_squeeze %dma_wait3A_216 : memref<1x64x128xf32, #tpu.memory_space<vmem>> -> memref<64x128xf32, #tpu.memory_space<vmem>>
          tpu.wait_dma2 semaphore(%arg8 : memref<!tpu.dma_semaphore, #tpu.memory_space<semaphore_mem>>) src(%dma_wait3A_217 : memref<64x128xf32, #tpu.memory_space<vmem>>) dst(%dma_wait3A_213 : memref<64x128xf32, #tpu.memory_space<hbm>>)
        } else {
        }
        %get3A = arith.constant 0 : i32
        %get3A_76 = tpu.memref_slice %arg5[%mul3A_70, %get3A] : memref<50x128xi32, #tpu.memory_space<vmem>> -> memref<1x128xi32, #tpu.memory_space<vmem>>
        %get3A_77 = tpu.memref_squeeze %get3A_76 : memref<1x128xi32, #tpu.memory_space<vmem>> -> memref<128xi32, #tpu.memory_space<vmem>>
        %get3A_78 = arith.constant 0 : index
        %get3A_79 = tpu.vector_load %get3A_77[%get3A_78] {strides = array<i32>} : memref<128xi32, #tpu.memory_space<vmem>>, vector<16xi32>,
        %get3A_80 = arith.constant 0 : i32
        %get3A_81 = tpu.memref_slice %arg5[%mul3A_70, %get3A_80] : memref<50x128xi32, #tpu.memory_space<vmem>> -> memref<1x128xi32, #tpu.memory_space<vmem>>
        %get3A_82 = tpu.memref_squeeze %get3A_81 : memref<1x128xi32, #tpu.memory_space<vmem>> -> memref<128xi32, #tpu.memory_space<vmem>>
        %get3A_83 = arith.constant 16 : index
        %get3A_84 = tpu.vector_load %get3A_82[%get3A_83] {strides = array<i32>} : memref<128xi32, #tpu.memory_space<vmem>>, vector<16xi32>,
        %get3A_85 = arith.constant 0 : i32
        %get3A_86 = tpu.memref_slice %arg5[%mul3A_70, %get3A_85] : memref<50x128xi32, #tpu.memory_space<vmem>> -> memref<1x128xi32, #tpu.memory_space<vmem>>
        %get3A_87 = tpu.memref_squeeze %get3A_86 : memref<1x128xi32, #tpu.memory_space<vmem>> -> memref<128xi32, #tpu.memory_space<vmem>>
        %get3A_88 = arith.constant 32 : index
        %get3A_89 = tpu.vector_load %get3A_87[%get3A_88] {strides = array<i32>} : memref<128xi32, #tpu.memory_space<vmem>>, vector<16xi32>,
        %get3A_90 = arith.constant 0 : i32
        %get3A_91 = tpu.memref_slice %arg5[%mul3A_70, %get3A_90] : memref<50x128xi32, #tpu.memory_space<vmem>> -> memref<1x128xi32, #tpu.memory_space<vmem>>
        %get3A_92 = tpu.memref_squeeze %get3A_91 : memref<1x128xi32, #tpu.memory_space<vmem>> -> memref<128xi32, #tpu.memory_space<vmem>>
        %get3A_93 = arith.constant 48 : index
        %get3A_94 = tpu.vector_load %get3A_92[%get3A_93] {strides = array<i32>} : memref<128xi32, #tpu.memory_space<vmem>>, vector<16xi32>,
        %get3A_95 = arith.constant 0 : i32
        %get3A_96 = tpu.memref_slice %arg5[%mul3A_70, %get3A_95] : memref<50x128xi32, #tpu.memory_space<vmem>> -> memref<1x128xi32, #tpu.memory_space<vmem>>
        %get3A_97 = tpu.memref_squeeze %get3A_96 : memref<1x128xi32, #tpu.memory_space<vmem>> -> memref<128xi32, #tpu.memory_space<vmem>>
        %get3A_98 = arith.constant 64 : index
        %get3A_99 = tpu.vector_load %get3A_97[%get3A_98] {strides = array<i32>} : memref<128xi32, #tpu.memory_space<vmem>>, vector<16xi32>,
        %get3A_100 = arith.constant 0 : i32
        %get3A_101 = tpu.memref_slice %arg5[%mul3A_70, %get3A_100] : memref<50x128xi32, #tpu.memory_space<vmem>> -> memref<1x128xi32, #tpu.memory_space<vmem>>
        %get3A_102 = tpu.memref_squeeze %get3A_101 : memref<1x128xi32, #tpu.memory_space<vmem>> -> memref<128xi32, #tpu.memory_space<vmem>>
        %get3A_103 = arith.constant 80 : index
        %get3A_104 = tpu.vector_load %get3A_102[%get3A_103] {strides = array<i32>} : memref<128xi32, #tpu.memory_space<vmem>>, vector<16xi32>,
        %get3A_105 = arith.constant 0 : i32
        %get3A_106 = tpu.memref_slice %arg5[%mul3A_70, %get3A_105] : memref<50x128xi32, #tpu.memory_space<vmem>> -> memref<1x128xi32, #tpu.memory_space<vmem>>
        %get3A_107 = tpu.memref_squeeze %get3A_106 : memref<1x128xi32, #tpu.memory_space<vmem>> -> memref<128xi32, #tpu.memory_space<vmem>>
        %get3A_108 = arith.constant 96 : index
        %get3A_109 = tpu.vector_load %get3A_107[%get3A_108] {strides = array<i32>} : memref<128xi32, #tpu.memory_space<vmem>>, vector<16xi32>,
        %get3A_110 = arith.constant 0 : i32
        %get3A_111 = tpu.memref_slice %arg5[%mul3A_70, %get3A_110] : memref<50x128xi32, #tpu.memory_space<vmem>> -> memref<1x128xi32, #tpu.memory_space<vmem>>
        %get3A_112 = tpu.memref_squeeze %get3A_111 : memref<1x128xi32, #tpu.memory_space<vmem>> -> memref<128xi32, #tpu.memory_space<vmem>>
        %get3A_113 = arith.constant 112 : index
        %get3A_114 = tpu.vector_load %get3A_112[%get3A_113] {strides = array<i32>} : memref<128xi32, #tpu.memory_space<vmem>>, vector<16xi32>,
        %scan3A_115 = arith.constant 0 : i32
        %scan3A_116 = arith.constant 0 : i32
        %scan3A_117 = arith.constant 8 : i32
        %scan3A_118 = arith.addi %scan3A_116, %scan3A_117 : i32
        %scan3A_119 = arith.constant 1 : i32
        scf.for %scan3A_204 = %scan3A_116 to %scan3A_118 step %scan3A_119  : i32 {
          %mul3A_205 = arith.constant 8 : i32
          %mul3A_206 = arith.muli %mul3A_205, %scan3A_204 : i32
          %add3A_207 = arith.constant 0 : i32
          %add3A_208 = arith.addi %mul3A_206, %add3A_207 : i32
          %mul3A_209 = arith.constant 1024 : i32
          %mul3A_210 = arith.muli %add3A_208, %mul3A_209 : i32
          %add3A_211 = vector.broadcast %mul3A_210 : i32 to vector<16xi32>
          %add3A_212 = arith.addi %get3A_79, %add3A_211 : vector<16xi32>
          %gather3A = tpu.vector_load_idx %arg6[%add3A_212] : memref<65536xf32, #tpu.memory_space<vmem>>[vector<16xi32>], vector<16xf32>,
          %add3A_213 = vector.broadcast %mul3A_210 : i32 to vector<16xi32>
          %add3A_214 = arith.addi %get3A_84, %add3A_213 : vector<16xi32>
          %gather3A_215 = tpu.vector_load_idx %arg6[%add3A_214] : memref<65536xf32, #tpu.memory_space<vmem>>[vector<16xi32>], vector<16xf32>,
          %add3A_216 = vector.broadcast %mul3A_210 : i32 to vector<16xi32>
          %add3A_217 = arith.addi %get3A_89, %add3A_216 : vector<16xi32>
          %gather3A_218 = tpu.vector_load_idx %arg6[%add3A_217] : memref<65536xf32, #tpu.memory_space<vmem>>[vector<16xi32>], vector<16xf32>,
          %add3A_219 = vector.broadcast %mul3A_210 : i32 to vector<16xi32>
          %add3A_220 = arith.addi %get3A_94, %add3A_219 : vector<16xi32>
          %gather3A_221 = tpu.vector_load_idx %arg6[%add3A_220] : memref<65536xf32, #tpu.memory_space<vmem>>[vector<16xi32>], vector<16xf32>,
          %add3A_222 = vector.broadcast %mul3A_210 : i32 to vector<16xi32>
          %add3A_223 = arith.addi %get3A_99, %add3A_222 : vector<16xi32>
          %gather3A_224 = tpu.vector_load_idx %arg6[%add3A_223] : memref<65536xf32, #tpu.memory_space<vmem>>[vector<16xi32>], vector<16xf32>,
          %add3A_225 = vector.broadcast %mul3A_210 : i32 to vector<16xi32>
          %add3A_226 = arith.addi %get3A_104, %add3A_225 : vector<16xi32>
          %gather3A_227 = tpu.vector_load_idx %arg6[%add3A_226] : memref<65536xf32, #tpu.memory_space<vmem>>[vector<16xi32>], vector<16xf32>,
          %add3A_228 = vector.broadcast %mul3A_210 : i32 to vector<16xi32>
          %add3A_229 = arith.addi %get3A_109, %add3A_228 : vector<16xi32>
          %gather3A_230 = tpu.vector_load_idx %arg6[%add3A_229] : memref<65536xf32, #tpu.memory_space<vmem>>[vector<16xi32>], vector<16xf32>,
          %add3A_231 = vector.broadcast %mul3A_210 : i32 to vector<16xi32>
          %add3A_232 = arith.addi %get3A_114, %add3A_231 : vector<16xi32>
          %gather3A_233 = tpu.vector_load_idx %arg6[%add3A_232] : memref<65536xf32, #tpu.memory_space<vmem>>[vector<16xi32>], vector<16xf32>,
          %add3A_234 = arith.constant 1 : i32
          %add3A_235 = arith.addi %mul3A_206, %add3A_234 : i32
          %mul3A_236 = arith.constant 1024 : i32
          %mul3A_237 = arith.muli %add3A_235, %mul3A_236 : i32
          %add3A_238 = vector.broadcast %mul3A_237 : i32 to vector<16xi32>
          %add3A_239 = arith.addi %get3A_79, %add3A_238 : vector<16xi32>
          %gather3A_240 = tpu.vector_load_idx %arg6[%add3A_239] : memref<65536xf32, #tpu.memory_space<vmem>>[vector<16xi32>], vector<16xf32>,
          %add3A_241 = vector.broadcast %mul3A_237 : i32 to vector<16xi32>
          %add3A_242 = arith.addi %get3A_84, %add3A_241 : vector<16xi32>
          %gather3A_243 = tpu.vector_load_idx %arg6[%add3A_242] : memref<65536xf32, #tpu.memory_space<vmem>>[vector<16xi32>], vector<16xf32>,
          %add3A_244 = vector.broadcast %mul3A_237 : i32 to vector<16xi32>
          %add3A_245 = arith.addi %get3A_89, %add3A_244 : vector<16xi32>
          %gather3A_246 = tpu.vector_load_idx %arg6[%add3A_245] : memref<65536xf32, #tpu.memory_space<vmem>>[vector<16xi32>], vector<16xf32>,
          %add3A_247 = vector.broadcast %mul3A_237 : i32 to vector<16xi32>
          %add3A_248 = arith.addi %get3A_94, %add3A_247 : vector<16xi32>
          %gather3A_249 = tpu.vector_load_idx %arg6[%add3A_248] : memref<65536xf32, #tpu.memory_space<vmem>>[vector<16xi32>], vector<16xf32>,
          %add3A_250 = vector.broadcast %mul3A_237 : i32 to vector<16xi32>
          %add3A_251 = arith.addi %get3A_99, %add3A_250 : vector<16xi32>
          %gather3A_252 = tpu.vector_load_idx %arg6[%add3A_251] : memref<65536xf32, #tpu.memory_space<vmem>>[vector<16xi32>], vector<16xf32>,
          %add3A_253 = vector.broadcast %mul3A_237 : i32 to vector<16xi32>
          %add3A_254 = arith.addi %get3A_104, %add3A_253 : vector<16xi32>
          %gather3A_255 = tpu.vector_load_idx %arg6[%add3A_254] : memref<65536xf32, #tpu.memory_space<vmem>>[vector<16xi32>], vector<16xf32>,
          %add3A_256 = vector.broadcast %mul3A_237 : i32 to vector<16xi32>
          %add3A_257 = arith.addi %get3A_109, %add3A_256 : vector<16xi32>
          %gather3A_258 = tpu.vector_load_idx %arg6[%add3A_257] : memref<65536xf32, #tpu.memory_space<vmem>>[vector<16xi32>], vector<16xf32>,
          %add3A_259 = vector.broadcast %mul3A_237 : i32 to vector<16xi32>
          %add3A_260 = arith.addi %get3A_114, %add3A_259 : vector<16xi32>
          %gather3A_261 = tpu.vector_load_idx %arg6[%add3A_260] : memref<65536xf32, #tpu.memory_space<vmem>>[vector<16xi32>], vector<16xf32>,
          %add3A_262 = arith.constant 2 : i32
          %add3A_263 = arith.addi %mul3A_206, %add3A_262 : i32
          %mul3A_264 = arith.constant 1024 : i32
          %mul3A_265 = arith.muli %add3A_263, %mul3A_264 : i32
          %add3A_266 = vector.broadcast %mul3A_265 : i32 to vector<16xi32>
          %add3A_267 = arith.addi %get3A_79, %add3A_266 : vector<16xi32>
          %gather3A_268 = tpu.vector_load_idx %arg6[%add3A_267] : memref<65536xf32, #tpu.memory_space<vmem>>[vector<16xi32>], vector<16xf32>,
          %add3A_269 = vector.broadcast %mul3A_265 : i32 to vector<16xi32>
          %add3A_270 = arith.addi %get3A_84, %add3A_269 : vector<16xi32>
          %gather3A_271 = tpu.vector_load_idx %arg6[%add3A_270] : memref<65536xf32, #tpu.memory_space<vmem>>[vector<16xi32>], vector<16xf32>,
          %add3A_272 = vector.broadcast %mul3A_265 : i32 to vector<16xi32>
          %add3A_273 = arith.addi %get3A_89, %add3A_272 : vector<16xi32>
          %gather3A_274 = tpu.vector_load_idx %arg6[%add3A_273] : memref<65536xf32, #tpu.memory_space<vmem>>[vector<16xi32>], vector<16xf32>,
          %add3A_275 = vector.broadcast %mul3A_265 : i32 to vector<16xi32>
          %add3A_276 = arith.addi %get3A_94, %add3A_275 : vector<16xi32>
          %gather3A_277 = tpu.vector_load_idx %arg6[%add3A_276] : memref<65536xf32, #tpu.memory_space<vmem>>[vector<16xi32>], vector<16xf32>,
          %add3A_278 = vector.broadcast %mul3A_265 : i32 to vector<16xi32>
          %add3A_279 = arith.addi %get3A_99, %add3A_278 : vector<16xi32>
          %gather3A_280 = tpu.vector_load_idx %arg6[%add3A_279] : memref<65536xf32, #tpu.memory_space<vmem>>[vector<16xi32>], vector<16xf32>,
          %add3A_281 = vector.broadcast %mul3A_265 : i32 to vector<16xi32>
          %add3A_282 = arith.addi %get3A_104, %add3A_281 : vector<16xi32>
          %gather3A_283 = tpu.vector_load_idx %arg6[%add3A_282] : memref<65536xf32, #tpu.memory_space<vmem>>[vector<16xi32>], vector<16xf32>,
          %add3A_284 = vector.broadcast %mul3A_265 : i32 to vector<16xi32>
          %add3A_285 = arith.addi %get3A_109, %add3A_284 : vector<16xi32>
          %gather3A_286 = tpu.vector_load_idx %arg6[%add3A_285] : memref<65536xf32, #tpu.memory_space<vmem>>[vector<16xi32>], vector<16xf32>,
          %add3A_287 = vector.broadcast %mul3A_265 : i32 to vector<16xi32>
          %add3A_288 = arith.addi %get3A_114, %add3A_287 : vector<16xi32>
          %gather3A_289 = tpu.vector_load_idx %arg6[%add3A_288] : memref<65536xf32, #tpu.memory_space<vmem>>[vector<16xi32>], vector<16xf32>,
          %add3A_290 = arith.constant 3 : i32
          %add3A_291 = arith.addi %mul3A_206, %add3A_290 : i32
          %mul3A_292 = arith.constant 1024 : i32
          %mul3A_293 = arith.muli %add3A_291, %mul3A_292 : i32
          %add3A_294 = vector.broadcast %mul3A_293 : i32 to vector<16xi32>
          %add3A_295 = arith.addi %get3A_79, %add3A_294 : vector<16xi32>
          %gather3A_296 = tpu.vector_load_idx %arg6[%add3A_295] : memref<65536xf32, #tpu.memory_space<vmem>>[vector<16xi32>], vector<16xf32>,
          %add3A_297 = vector.broadcast %mul3A_293 : i32 to vector<16xi32>
          %add3A_298 = arith.addi %get3A_84, %add3A_297 : vector<16xi32>
          %gather3A_299 = tpu.vector_load_idx %arg6[%add3A_298] : memref<65536xf32, #tpu.memory_space<vmem>>[vector<16xi32>], vector<16xf32>,
          %add3A_300 = vector.broadcast %mul3A_293 : i32 to vector<16xi32>
          %add3A_301 = arith.addi %get3A_89, %add3A_300 : vector<16xi32>
          %gather3A_302 = tpu.vector_load_idx %arg6[%add3A_301] : memref<65536xf32, #tpu.memory_space<vmem>>[vector<16xi32>], vector<16xf32>,
          %add3A_303 = vector.broadcast %mul3A_293 : i32 to vector<16xi32>
          %add3A_304 = arith.addi %get3A_94, %add3A_303 : vector<16xi32>
          %gather3A_305 = tpu.vector_load_idx %arg6[%add3A_304] : memref<65536xf32, #tpu.memory_space<vmem>>[vector<16xi32>], vector<16xf32>,
          %add3A_306 = vector.broadcast %mul3A_293 : i32 to vector<16xi32>
          %add3A_307 = arith.addi %get3A_99, %add3A_306 : vector<16xi32>
          %gather3A_308 = tpu.vector_load_idx %arg6[%add3A_307] : memref<65536xf32, #tpu.memory_space<vmem>>[vector<16xi32>], vector<16xf32>,
          %add3A_309 = vector.broadcast %mul3A_293 : i32 to vector<16xi32>
          %add3A_310 = arith.addi %get3A_104, %add3A_309 : vector<16xi32>
          %gather3A_311 = tpu.vector_load_idx %arg6[%add3A_310] : memref<65536xf32, #tpu.memory_space<vmem>>[vector<16xi32>], vector<16xf32>,
          %add3A_312 = vector.broadcast %mul3A_293 : i32 to vector<16xi32>
          %add3A_313 = arith.addi %get3A_109, %add3A_312 : vector<16xi32>
          %gather3A_314 = tpu.vector_load_idx %arg6[%add3A_313] : memref<65536xf32, #tpu.memory_space<vmem>>[vector<16xi32>], vector<16xf32>,
          %add3A_315 = vector.broadcast %mul3A_293 : i32 to vector<16xi32>
          %add3A_316 = arith.addi %get3A_114, %add3A_315 : vector<16xi32>
          %gather3A_317 = tpu.vector_load_idx %arg6[%add3A_316] : memref<65536xf32, #tpu.memory_space<vmem>>[vector<16xi32>], vector<16xf32>,
          %add3A_318 = arith.constant 4 : i32
          %add3A_319 = arith.addi %mul3A_206, %add3A_318 : i32
          %mul3A_320 = arith.constant 1024 : i32
          %mul3A_321 = arith.muli %add3A_319, %mul3A_320 : i32
          %add3A_322 = vector.broadcast %mul3A_321 : i32 to vector<16xi32>
          %add3A_323 = arith.addi %get3A_79, %add3A_322 : vector<16xi32>
          %gather3A_324 = tpu.vector_load_idx %arg6[%add3A_323] : memref<65536xf32, #tpu.memory_space<vmem>>[vector<16xi32>], vector<16xf32>,
          %add3A_325 = vector.broadcast %mul3A_321 : i32 to vector<16xi32>
          %add3A_326 = arith.addi %get3A_84, %add3A_325 : vector<16xi32>
          %gather3A_327 = tpu.vector_load_idx %arg6[%add3A_326] : memref<65536xf32, #tpu.memory_space<vmem>>[vector<16xi32>], vector<16xf32>,
          %add3A_328 = vector.broadcast %mul3A_321 : i32 to vector<16xi32>
          %add3A_329 = arith.addi %get3A_89, %add3A_328 : vector<16xi32>
          %gather3A_330 = tpu.vector_load_idx %arg6[%add3A_329] : memref<65536xf32, #tpu.memory_space<vmem>>[vector<16xi32>], vector<16xf32>,
          %add3A_331 = vector.broadcast %mul3A_321 : i32 to vector<16xi32>
          %add3A_332 = arith.addi %get3A_94, %add3A_331 : vector<16xi32>
          %gather3A_333 = tpu.vector_load_idx %arg6[%add3A_332] : memref<65536xf32, #tpu.memory_space<vmem>>[vector<16xi32>], vector<16xf32>,
          %add3A_334 = vector.broadcast %mul3A_321 : i32 to vector<16xi32>
          %add3A_335 = arith.addi %get3A_99, %add3A_334 : vector<16xi32>
          %gather3A_336 = tpu.vector_load_idx %arg6[%add3A_335] : memref<65536xf32, #tpu.memory_space<vmem>>[vector<16xi32>], vector<16xf32>,
          %add3A_337 = vector.broadcast %mul3A_321 : i32 to vector<16xi32>
          %add3A_338 = arith.addi %get3A_104, %add3A_337 : vector<16xi32>
          %gather3A_339 = tpu.vector_load_idx %arg6[%add3A_338] : memref<65536xf32, #tpu.memory_space<vmem>>[vector<16xi32>], vector<16xf32>,
          %add3A_340 = vector.broadcast %mul3A_321 : i32 to vector<16xi32>
          %add3A_341 = arith.addi %get3A_109, %add3A_340 : vector<16xi32>
          %gather3A_342 = tpu.vector_load_idx %arg6[%add3A_341] : memref<65536xf32, #tpu.memory_space<vmem>>[vector<16xi32>], vector<16xf32>,
          %add3A_343 = vector.broadcast %mul3A_321 : i32 to vector<16xi32>
          %add3A_344 = arith.addi %get3A_114, %add3A_343 : vector<16xi32>
          %gather3A_345 = tpu.vector_load_idx %arg6[%add3A_344] : memref<65536xf32, #tpu.memory_space<vmem>>[vector<16xi32>], vector<16xf32>,
          %add3A_346 = arith.constant 5 : i32
          %add3A_347 = arith.addi %mul3A_206, %add3A_346 : i32
          %mul3A_348 = arith.constant 1024 : i32
          %mul3A_349 = arith.muli %add3A_347, %mul3A_348 : i32
          %add3A_350 = vector.broadcast %mul3A_349 : i32 to vector<16xi32>
          %add3A_351 = arith.addi %get3A_79, %add3A_350 : vector<16xi32>
          %gather3A_352 = tpu.vector_load_idx %arg6[%add3A_351] : memref<65536xf32, #tpu.memory_space<vmem>>[vector<16xi32>], vector<16xf32>,
          %add3A_353 = vector.broadcast %mul3A_349 : i32 to vector<16xi32>
          %add3A_354 = arith.addi %get3A_84, %add3A_353 : vector<16xi32>
          %gather3A_355 = tpu.vector_load_idx %arg6[%add3A_354] : memref<65536xf32, #tpu.memory_space<vmem>>[vector<16xi32>], vector<16xf32>,
          %add3A_356 = vector.broadcast %mul3A_349 : i32 to vector<16xi32>
          %add3A_357 = arith.addi %get3A_89, %add3A_356 : vector<16xi32>
          %gather3A_358 = tpu.vector_load_idx %arg6[%add3A_357] : memref<65536xf32, #tpu.memory_space<vmem>>[vector<16xi32>], vector<16xf32>,
          %add3A_359 = vector.broadcast %mul3A_349 : i32 to vector<16xi32>
          %add3A_360 = arith.addi %get3A_94, %add3A_359 : vector<16xi32>
          %gather3A_361 = tpu.vector_load_idx %arg6[%add3A_360] : memref<65536xf32, #tpu.memory_space<vmem>>[vector<16xi32>], vector<16xf32>,
          %add3A_362 = vector.broadcast %mul3A_349 : i32 to vector<16xi32>
          %add3A_363 = arith.addi %get3A_99, %add3A_362 : vector<16xi32>
          %gather3A_364 = tpu.vector_load_idx %arg6[%add3A_363] : memref<65536xf32, #tpu.memory_space<vmem>>[vector<16xi32>], vector<16xf32>,
          %add3A_365 = vector.broadcast %mul3A_349 : i32 to vector<16xi32>
          %add3A_366 = arith.addi %get3A_104, %add3A_365 : vector<16xi32>
          %gather3A_367 = tpu.vector_load_idx %arg6[%add3A_366] : memref<65536xf32, #tpu.memory_space<vmem>>[vector<16xi32>], vector<16xf32>,
          %add3A_368 = vector.broadcast %mul3A_349 : i32 to vector<16xi32>
          %add3A_369 = arith.addi %get3A_109, %add3A_368 : vector<16xi32>
          %gather3A_370 = tpu.vector_load_idx %arg6[%add3A_369] : memref<65536xf32, #tpu.memory_space<vmem>>[vector<16xi32>], vector<16xf32>,
          %add3A_371 = vector.broadcast %mul3A_349 : i32 to vector<16xi32>
          %add3A_372 = arith.addi %get3A_114, %add3A_371 : vector<16xi32>
          %gather3A_373 = tpu.vector_load_idx %arg6[%add3A_372] : memref<65536xf32, #tpu.memory_space<vmem>>[vector<16xi32>], vector<16xf32>,
          %add3A_374 = arith.constant 6 : i32
          %add3A_375 = arith.addi %mul3A_206, %add3A_374 : i32
          %mul3A_376 = arith.constant 1024 : i32
          %mul3A_377 = arith.muli %add3A_375, %mul3A_376 : i32
          %add3A_378 = vector.broadcast %mul3A_377 : i32 to vector<16xi32>
          %add3A_379 = arith.addi %get3A_79, %add3A_378 : vector<16xi32>
          %gather3A_380 = tpu.vector_load_idx %arg6[%add3A_379] : memref<65536xf32, #tpu.memory_space<vmem>>[vector<16xi32>], vector<16xf32>,
          %add3A_381 = vector.broadcast %mul3A_377 : i32 to vector<16xi32>
          %add3A_382 = arith.addi %get3A_84, %add3A_381 : vector<16xi32>
          %gather3A_383 = tpu.vector_load_idx %arg6[%add3A_382] : memref<65536xf32, #tpu.memory_space<vmem>>[vector<16xi32>], vector<16xf32>,
          %add3A_384 = vector.broadcast %mul3A_377 : i32 to vector<16xi32>
          %add3A_385 = arith.addi %get3A_89, %add3A_384 : vector<16xi32>
          %gather3A_386 = tpu.vector_load_idx %arg6[%add3A_385] : memref<65536xf32, #tpu.memory_space<vmem>>[vector<16xi32>], vector<16xf32>,
          %add3A_387 = vector.broadcast %mul3A_377 : i32 to vector<16xi32>
          %add3A_388 = arith.addi %get3A_94, %add3A_387 : vector<16xi32>
          %gather3A_389 = tpu.vector_load_idx %arg6[%add3A_388] : memref<65536xf32, #tpu.memory_space<vmem>>[vector<16xi32>], vector<16xf32>,
          %add3A_390 = vector.broadcast %mul3A_377 : i32 to vector<16xi32>
          %add3A_391 = arith.addi %get3A_99, %add3A_390 : vector<16xi32>
          %gather3A_392 = tpu.vector_load_idx %arg6[%add3A_391] : memref<65536xf32, #tpu.memory_space<vmem>>[vector<16xi32>], vector<16xf32>,
          %add3A_393 = vector.broadcast %mul3A_377 : i32 to vector<16xi32>
          %add3A_394 = arith.addi %get3A_104, %add3A_393 : vector<16xi32>
          %gather3A_395 = tpu.vector_load_idx %arg6[%add3A_394] : memref<65536xf32, #tpu.memory_space<vmem>>[vector<16xi32>], vector<16xf32>,
          %add3A_396 = vector.broadcast %mul3A_377 : i32 to vector<16xi32>
          %add3A_397 = arith.addi %get3A_109, %add3A_396 : vector<16xi32>
          %gather3A_398 = tpu.vector_load_idx %arg6[%add3A_397] : memref<65536xf32, #tpu.memory_space<vmem>>[vector<16xi32>], vector<16xf32>,
          %add3A_399 = vector.broadcast %mul3A_377 : i32 to vector<16xi32>
          %add3A_400 = arith.addi %get3A_114, %add3A_399 : vector<16xi32>
          %gather3A_401 = tpu.vector_load_idx %arg6[%add3A_400] : memref<65536xf32, #tpu.memory_space<vmem>>[vector<16xi32>], vector<16xf32>,
          %add3A_402 = arith.constant 7 : i32
          %add3A_403 = arith.addi %mul3A_206, %add3A_402 : i32
          %mul3A_404 = arith.constant 1024 : i32
          %mul3A_405 = arith.muli %add3A_403, %mul3A_404 : i32
          %add3A_406 = vector.broadcast %mul3A_405 : i32 to vector<16xi32>
          %add3A_407 = arith.addi %get3A_79, %add3A_406 : vector<16xi32>
          %gather3A_408 = tpu.vector_load_idx %arg6[%add3A_407] : memref<65536xf32, #tpu.memory_space<vmem>>[vector<16xi32>], vector<16xf32>,
          %add3A_409 = vector.broadcast %mul3A_405 : i32 to vector<16xi32>
          %add3A_410 = arith.addi %get3A_84, %add3A_409 : vector<16xi32>
          %gather3A_411 = tpu.vector_load_idx %arg6[%add3A_410] : memref<65536xf32, #tpu.memory_space<vmem>>[vector<16xi32>], vector<16xf32>,
          %add3A_412 = vector.broadcast %mul3A_405 : i32 to vector<16xi32>
          %add3A_413 = arith.addi %get3A_89, %add3A_412 : vector<16xi32>
          %gather3A_414 = tpu.vector_load_idx %arg6[%add3A_413] : memref<65536xf32, #tpu.memory_space<vmem>>[vector<16xi32>], vector<16xf32>,
          %add3A_415 = vector.broadcast %mul3A_405 : i32 to vector<16xi32>
          %add3A_416 = arith.addi %get3A_94, %add3A_415 : vector<16xi32>
          %gather3A_417 = tpu.vector_load_idx %arg6[%add3A_416] : memref<65536xf32, #tpu.memory_space<vmem>>[vector<16xi32>], vector<16xf32>,
          %add3A_418 = vector.broadcast %mul3A_405 : i32 to vector<16xi32>
          %add3A_419 = arith.addi %get3A_99, %add3A_418 : vector<16xi32>
          %gather3A_420 = tpu.vector_load_idx %arg6[%add3A_419] : memref<65536xf32, #tpu.memory_space<vmem>>[vector<16xi32>], vector<16xf32>,
          %add3A_421 = vector.broadcast %mul3A_405 : i32 to vector<16xi32>
          %add3A_422 = arith.addi %get3A_104, %add3A_421 : vector<16xi32>
          %gather3A_423 = tpu.vector_load_idx %arg6[%add3A_422] : memref<65536xf32, #tpu.memory_space<vmem>>[vector<16xi32>], vector<16xf32>,
          %add3A_424 = vector.broadcast %mul3A_405 : i32 to vector<16xi32>
          %add3A_425 = arith.addi %get3A_109, %add3A_424 : vector<16xi32>
          %gather3A_426 = tpu.vector_load_idx %arg6[%add3A_425] : memref<65536xf32, #tpu.memory_space<vmem>>[vector<16xi32>], vector<16xf32>,
          %add3A_427 = vector.broadcast %mul3A_405 : i32 to vector<16xi32>
          %add3A_428 = arith.addi %get3A_114, %add3A_427 : vector<16xi32>
          %gather3A_429 = tpu.vector_load_idx %arg6[%add3A_428] : memref<65536xf32, #tpu.memory_space<vmem>>[vector<16xi32>], vector<16xf32>,
          %add3A_430 = arith.constant 0 : i32
          %add3A_431 = arith.addi %mul3A_206, %add3A_430 : i32
          %swap3A = arith.constant 0 : i32
          %swap3A_432 = arith.constant 0 : i32
          %swap3A_433 = tpu.memref_slice %arg7[%swap3A, %add3A_431, %swap3A_432] : memref<2x64x128xf32, #tpu.memory_space<vmem>> -> memref<1x1x128xf32, #tpu.memory_space<vmem>>
          %swap3A_434 = tpu.memref_squeeze %swap3A_433 : memref<1x1x128xf32, #tpu.memory_space<vmem>> -> memref<128xf32, #tpu.memory_space<vmem>>
          %swap3A_435 = arith.constant 0 : index
          %swap3A_436 = tpu.vector_load %swap3A_434[%swap3A_435] {strides = array<i32>} : memref<128xf32, #tpu.memory_space<vmem>>, vector<16xf32>,
          tpu.vector_store %swap3A_434[%swap3A_435], %gather3A {strides = array<i32>} : memref<128xf32, #tpu.memory_space<vmem>>, vector<16xf32>,
          %swap3A_437 = arith.constant 0 : i32
          %swap3A_438 = arith.constant 0 : i32
          %swap3A_439 = tpu.memref_slice %arg7[%swap3A_437, %add3A_431, %swap3A_438] : memref<2x64x128xf32, #tpu.memory_space<vmem>> -> memref<1x1x128xf32, #tpu.memory_space<vmem>>
          %swap3A_440 = tpu.memref_squeeze %swap3A_439 : memref<1x1x128xf32, #tpu.memory_space<vmem>> -> memref<128xf32, #tpu.memory_space<vmem>>
          %swap3A_441 = arith.constant 16 : index
          %swap3A_442 = tpu.vector_load %swap3A_440[%swap3A_441] {strides = array<i32>} : memref<128xf32, #tpu.memory_space<vmem>>, vector<16xf32>,
          tpu.vector_store %swap3A_440[%swap3A_441], %gather3A_215 {strides = array<i32>} : memref<128xf32, #tpu.memory_space<vmem>>, vector<16xf32>,
          %swap3A_443 = arith.constant 0 : i32
          %swap3A_444 = arith.constant 0 : i32
          %swap3A_445 = tpu.memref_slice %arg7[%swap3A_443, %add3A_431, %swap3A_444] : memref<2x64x128xf32, #tpu.memory_space<vmem>> -> memref<1x1x128xf32, #tpu.memory_space<vmem>>
          %swap3A_446 = tpu.memref_squeeze %swap3A_445 : memref<1x1x128xf32, #tpu.memory_space<vmem>> -> memref<128xf32, #tpu.memory_space<vmem>>
          %swap3A_447 = arith.constant 32 : index
          %swap3A_448 = tpu.vector_load %swap3A_446[%swap3A_447] {strides = array<i32>} : memref<128xf32, #tpu.memory_space<vmem>>, vector<16xf32>,
          tpu.vector_store %swap3A_446[%swap3A_447], %gather3A_218 {strides = array<i32>} : memref<128xf32, #tpu.memory_space<vmem>>, vector<16xf32>,
          %swap3A_449 = arith.constant 0 : i32
          %swap3A_450 = arith.constant 0 : i32
          %swap3A_451 = tpu.memref_slice %arg7[%swap3A_449, %add3A_431, %swap3A_450] : memref<2x64x128xf32, #tpu.memory_space<vmem>> -> memref<1x1x128xf32, #tpu.memory_space<vmem>>
          %swap3A_452 = tpu.memref_squeeze %swap3A_451 : memref<1x1x128xf32, #tpu.memory_space<vmem>> -> memref<128xf32, #tpu.memory_space<vmem>>
          %swap3A_453 = arith.constant 48 : index
          %swap3A_454 = tpu.vector_load %swap3A_452[%swap3A_453] {strides = array<i32>} : memref<128xf32, #tpu.memory_space<vmem>>, vector<16xf32>,
          tpu.vector_store %swap3A_452[%swap3A_453], %gather3A_221 {strides = array<i32>} : memref<128xf32, #tpu.memory_space<vmem>>, vector<16xf32>,
          %swap3A_455 = arith.constant 0 : i32
          %swap3A_456 = arith.constant 0 : i32
          %swap3A_457 = tpu.memref_slice %arg7[%swap3A_455, %add3A_431, %swap3A_456] : memref<2x64x128xf32, #tpu.memory_space<vmem>> -> memref<1x1x128xf32, #tpu.memory_space<vmem>>
          %swap3A_458 = tpu.memref_squeeze %swap3A_457 : memref<1x1x128xf32, #tpu.memory_space<vmem>> -> memref<128xf32, #tpu.memory_space<vmem>>
          %swap3A_459 = arith.constant 64 : index
          %swap3A_460 = tpu.vector_load %swap3A_458[%swap3A_459] {strides = array<i32>} : memref<128xf32, #tpu.memory_space<vmem>>, vector<16xf32>,
          tpu.vector_store %swap3A_458[%swap3A_459], %gather3A_224 {strides = array<i32>} : memref<128xf32, #tpu.memory_space<vmem>>, vector<16xf32>,
          %swap3A_461 = arith.constant 0 : i32
          %swap3A_462 = arith.constant 0 : i32
          %swap3A_463 = tpu.memref_slice %arg7[%swap3A_461, %add3A_431, %swap3A_462] : memref<2x64x128xf32, #tpu.memory_space<vmem>> -> memref<1x1x128xf32, #tpu.memory_space<vmem>>
          %swap3A_464 = tpu.memref_squeeze %swap3A_463 : memref<1x1x128xf32, #tpu.memory_space<vmem>> -> memref<128xf32, #tpu.memory_space<vmem>>
          %swap3A_465 = arith.constant 80 : index
          %swap3A_466 = tpu.vector_load %swap3A_464[%swap3A_465] {strides = array<i32>} : memref<128xf32, #tpu.memory_space<vmem>>, vector<16xf32>,
          tpu.vector_store %swap3A_464[%swap3A_465], %gather3A_227 {strides = array<i32>} : memref<128xf32, #tpu.memory_space<vmem>>, vector<16xf32>,
          %swap3A_467 = arith.constant 0 : i32
          %swap3A_468 = arith.constant 0 : i32
          %swap3A_469 = tpu.memref_slice %arg7[%swap3A_467, %add3A_431, %swap3A_468] : memref<2x64x128xf32, #tpu.memory_space<vmem>> -> memref<1x1x128xf32, #tpu.memory_space<vmem>>
          %swap3A_470 = tpu.memref_squeeze %swap3A_469 : memref<1x1x128xf32, #tpu.memory_space<vmem>> -> memref<128xf32, #tpu.memory_space<vmem>>
          %swap3A_471 = arith.constant 96 : index
          %swap3A_472 = tpu.vector_load %swap3A_470[%swap3A_471] {strides = array<i32>} : memref<128xf32, #tpu.memory_space<vmem>>, vector<16xf32>,
          tpu.vector_store %swap3A_470[%swap3A_471], %gather3A_230 {strides = array<i32>} : memref<128xf32, #tpu.memory_space<vmem>>, vector<16xf32>,
          %swap3A_473 = arith.constant 0 : i32
          %swap3A_474 = arith.constant 0 : i32
          %swap3A_475 = tpu.memref_slice %arg7[%swap3A_473, %add3A_431, %swap3A_474] : memref<2x64x128xf32, #tpu.memory_space<vmem>> -> memref<1x1x128xf32, #tpu.memory_space<vmem>>
          %swap3A_476 = tpu.memref_squeeze %swap3A_475 : memref<1x1x128xf32, #tpu.memory_space<vmem>> -> memref<128xf32, #tpu.memory_space<vmem>>
          %swap3A_477 = arith.constant 112 : index
          %swap3A_478 = tpu.vector_load %swap3A_476[%swap3A_477] {strides = array<i32>} : memref<128xf32, #tpu.memory_space<vmem>>, vector<16xf32>,
          tpu.vector_store %swap3A_476[%swap3A_477], %gather3A_233 {strides = array<i32>} : memref<128xf32, #tpu.memory_space<vmem>>, vector<16xf32>,
          %add3A_479 = arith.constant 1 : i32
          %add3A_480 = arith.addi %mul3A_206, %add3A_479 : i32
          %swap3A_481 = arith.constant 0 : i32
          %swap3A_482 = arith.constant 0 : i32
          %swap3A_483 = tpu.memref_slice %arg7[%swap3A_481, %add3A_480, %swap3A_482] : memref<2x64x128xf32, #tpu.memory_space<vmem>> -> memref<1x1x128xf32, #tpu.memory_space<vmem>>
          %swap3A_484 = tpu.memref_squeeze %swap3A_483 : memref<1x1x128xf32, #tpu.memory_space<vmem>> -> memref<128xf32, #tpu.memory_space<vmem>>
          %swap3A_485 = arith.constant 0 : index
          %swap3A_486 = tpu.vector_load %swap3A_484[%swap3A_485] {strides = array<i32>} : memref<128xf32, #tpu.memory_space<vmem>>, vector<16xf32>,
          tpu.vector_store %swap3A_484[%swap3A_485], %gather3A_240 {strides = array<i32>} : memref<128xf32, #tpu.memory_space<vmem>>, vector<16xf32>,
          %swap3A_487 = arith.constant 0 : i32
          %swap3A_488 = arith.constant 0 : i32
          %swap3A_489 = tpu.memref_slice %arg7[%swap3A_487, %add3A_480, %swap3A_488] : memref<2x64x128xf32, #tpu.memory_space<vmem>> -> memref<1x1x128xf32, #tpu.memory_space<vmem>>
          %swap3A_490 = tpu.memref_squeeze %swap3A_489 : memref<1x1x128xf32, #tpu.memory_space<vmem>> -> memref<128xf32, #tpu.memory_space<vmem>>
          %swap3A_491 = arith.constant 16 : index
          %swap3A_492 = tpu.vector_load %swap3A_490[%swap3A_491] {strides = array<i32>} : memref<128xf32, #tpu.memory_space<vmem>>, vector<16xf32>,
          tpu.vector_store %swap3A_490[%swap3A_491], %gather3A_243 {strides = array<i32>} : memref<128xf32, #tpu.memory_space<vmem>>, vector<16xf32>,
          %swap3A_493 = arith.constant 0 : i32
          %swap3A_494 = arith.constant 0 : i32
          %swap3A_495 = tpu.memref_slice %arg7[%swap3A_493, %add3A_480, %swap3A_494] : memref<2x64x128xf32, #tpu.memory_space<vmem>> -> memref<1x1x128xf32, #tpu.memory_space<vmem>>
          %swap3A_496 = tpu.memref_squeeze %swap3A_495 : memref<1x1x128xf32, #tpu.memory_space<vmem>> -> memref<128xf32, #tpu.memory_space<vmem>>
          %swap3A_497 = arith.constant 32 : index
          %swap3A_498 = tpu.vector_load %swap3A_496[%swap3A_497] {strides = array<i32>} : memref<128xf32, #tpu.memory_space<vmem>>, vector<16xf32>,
          tpu.vector_store %swap3A_496[%swap3A_497], %gather3A_246 {strides = array<i32>} : memref<128xf32, #tpu.memory_space<vmem>>, vector<16xf32>,
          %swap3A_499 = arith.constant 0 : i32
          %swap3A_500 = arith.constant 0 : i32
          %swap3A_501 = tpu.memref_slice %arg7[%swap3A_499, %add3A_480, %swap3A_500] : memref<2x64x128xf32, #tpu.memory_space<vmem>> -> memref<1x1x128xf32, #tpu.memory_space<vmem>>
          %swap3A_502 = tpu.memref_squeeze %swap3A_501 : memref<1x1x128xf32, #tpu.memory_space<vmem>> -> memref<128xf32, #tpu.memory_space<vmem>>
          %swap3A_503 = arith.constant 48 : index
          %swap3A_504 = tpu.vector_load %swap3A_502[%swap3A_503] {strides = array<i32>} : memref<128xf32, #tpu.memory_space<vmem>>, vector<16xf32>,
          tpu.vector_store %swap3A_502[%swap3A_503], %gather3A_249 {strides = array<i32>} : memref<128xf32, #tpu.memory_space<vmem>>, vector<16xf32>,
          %swap3A_505 = arith.constant 0 : i32
          %swap3A_506 = arith.constant 0 : i32
          %swap3A_507 = tpu.memref_slice %arg7[%swap3A_505, %add3A_480, %swap3A_506] : memref<2x64x128xf32, #tpu.memory_space<vmem>> -> memref<1x1x128xf32, #tpu.memory_space<vmem>>
          %swap3A_508 = tpu.memref_squeeze %swap3A_507 : memref<1x1x128xf32, #tpu.memory_space<vmem>> -> memref<128xf32, #tpu.memory_space<vmem>>
          %swap3A_509 = arith.constant 64 : index
          %swap3A_510 = tpu.vector_load %swap3A_508[%swap3A_509] {strides = array<i32>} : memref<128xf32, #tpu.memory_space<vmem>>, vector<16xf32>,
          tpu.vector_store %swap3A_508[%swap3A_509], %gather3A_252 {strides = array<i32>} : memref<128xf32, #tpu.memory_space<vmem>>, vector<16xf32>,
          %swap3A_511 = arith.constant 0 : i32
          %swap3A_512 = arith.constant 0 : i32
          %swap3A_513 = tpu.memref_slice %arg7[%swap3A_511, %add3A_480, %swap3A_512] : memref<2x64x128xf32, #tpu.memory_space<vmem>> -> memref<1x1x128xf32, #tpu.memory_space<vmem>>
          %swap3A_514 = tpu.memref_squeeze %swap3A_513 : memref<1x1x128xf32, #tpu.memory_space<vmem>> -> memref<128xf32, #tpu.memory_space<vmem>>
          %swap3A_515 = arith.constant 80 : index
          %swap3A_516 = tpu.vector_load %swap3A_514[%swap3A_515] {strides = array<i32>} : memref<128xf32, #tpu.memory_space<vmem>>, vector<16xf32>,
          tpu.vector_store %swap3A_514[%swap3A_515], %gather3A_255 {strides = array<i32>} : memref<128xf32, #tpu.memory_space<vmem>>, vector<16xf32>,
          %swap3A_517 = arith.constant 0 : i32
          %swap3A_518 = arith.constant 0 : i32
          %swap3A_519 = tpu.memref_slice %arg7[%swap3A_517, %add3A_480, %swap3A_518] : memref<2x64x128xf32, #tpu.memory_space<vmem>> -> memref<1x1x128xf32, #tpu.memory_space<vmem>>
          %swap3A_520 = tpu.memref_squeeze %swap3A_519 : memref<1x1x128xf32, #tpu.memory_space<vmem>> -> memref<128xf32, #tpu.memory_space<vmem>>
          %swap3A_521 = arith.constant 96 : index
          %swap3A_522 = tpu.vector_load %swap3A_520[%swap3A_521] {strides = array<i32>} : memref<128xf32, #tpu.memory_space<vmem>>, vector<16xf32>,
          tpu.vector_store %swap3A_520[%swap3A_521], %gather3A_258 {strides = array<i32>} : memref<128xf32, #tpu.memory_space<vmem>>, vector<16xf32>,
          %swap3A_523 = arith.constant 0 : i32
          %swap3A_524 = arith.constant 0 : i32
          %swap3A_525 = tpu.memref_slice %arg7[%swap3A_523, %add3A_480, %swap3A_524] : memref<2x64x128xf32, #tpu.memory_space<vmem>> -> memref<1x1x128xf32, #tpu.memory_space<vmem>>
          %swap3A_526 = tpu.memref_squeeze %swap3A_525 : memref<1x1x128xf32, #tpu.memory_space<vmem>> -> memref<128xf32, #tpu.memory_space<vmem>>
          %swap3A_527 = arith.constant 112 : index
          %swap3A_528 = tpu.vector_load %swap3A_526[%swap3A_527] {strides = array<i32>} : memref<128xf32, #tpu.memory_space<vmem>>, vector<16xf32>,
          tpu.vector_store %swap3A_526[%swap3A_527], %gather3A_261 {strides = array<i32>} : memref<128xf32, #tpu.memory_space<vmem>>, vector<16xf32>,
          %add3A_529 = arith.constant 2 : i32
          %add3A_530 = arith.addi %mul3A_206, %add3A_529 : i32
          %swap3A_531 = arith.constant 0 : i32
          %swap3A_532 = arith.constant 0 : i32
          %swap3A_533 = tpu.memref_slice %arg7[%swap3A_531, %add3A_530, %swap3A_532] : memref<2x64x128xf32, #tpu.memory_space<vmem>> -> memref<1x1x128xf32, #tpu.memory_space<vmem>>
          %swap3A_534 = tpu.memref_squeeze %swap3A_533 : memref<1x1x128xf32, #tpu.memory_space<vmem>> -> memref<128xf32, #tpu.memory_space<vmem>>
          %swap3A_535 = arith.constant 0 : index
          %swap3A_536 = tpu.vector_load %swap3A_534[%swap3A_535] {strides = array<i32>} : memref<128xf32, #tpu.memory_space<vmem>>, vector<16xf32>,
          tpu.vector_store %swap3A_534[%swap3A_535], %gather3A_268 {strides = array<i32>} : memref<128xf32, #tpu.memory_space<vmem>>, vector<16xf32>,
          %swap3A_537 = arith.constant 0 : i32
          %swap3A_538 = arith.constant 0 : i32
          %swap3A_539 = tpu.memref_slice %arg7[%swap3A_537, %add3A_530, %swap3A_538] : memref<2x64x128xf32, #tpu.memory_space<vmem>> -> memref<1x1x128xf32, #tpu.memory_space<vmem>>
          %swap3A_540 = tpu.memref_squeeze %swap3A_539 : memref<1x1x128xf32, #tpu.memory_space<vmem>> -> memref<128xf32, #tpu.memory_space<vmem>>
          %swap3A_541 = arith.constant 16 : index
          %swap3A_542 = tpu.vector_load %swap3A_540[%swap3A_541] {strides = array<i32>} : memref<128xf32, #tpu.memory_space<vmem>>, vector<16xf32>,
          tpu.vector_store %swap3A_540[%swap3A_541], %gather3A_271 {strides = array<i32>} : memref<128xf32, #tpu.memory_space<vmem>>, vector<16xf32>,
          %swap3A_543 = arith.constant 0 : i32
          %swap3A_544 = arith.constant 0 : i32
          %swap3A_545 = tpu.memref_slice %arg7[%swap3A_543, %add3A_530, %swap3A_544] : memref<2x64x128xf32, #tpu.memory_space<vmem>> -> memref<1x1x128xf32, #tpu.memory_space<vmem>>
          %swap3A_546 = tpu.memref_squeeze %swap3A_545 : memref<1x1x128xf32, #tpu.memory_space<vmem>> -> memref<128xf32, #tpu.memory_space<vmem>>
          %swap3A_547 = arith.constant 32 : index
          %swap3A_548 = tpu.vector_load %swap3A_546[%swap3A_547] {strides = array<i32>} : memref<128xf32, #tpu.memory_space<vmem>>, vector<16xf32>,
          tpu.vector_store %swap3A_546[%swap3A_547], %gather3A_274 {strides = array<i32>} : memref<128xf32, #tpu.memory_space<vmem>>, vector<16xf32>,
          %swap3A_549 = arith.constant 0 : i32
          %swap3A_550 = arith.constant 0 : i32
          %swap3A_551 = tpu.memref_slice %arg7[%swap3A_549, %add3A_530, %swap3A_550] : memref<2x64x128xf32, #tpu.memory_space<vmem>> -> memref<1x1x128xf32, #tpu.memory_space<vmem>>
          %swap3A_552 = tpu.memref_squeeze %swap3A_551 : memref<1x1x128xf32, #tpu.memory_space<vmem>> -> memref<128xf32, #tpu.memory_space<vmem>>
          %swap3A_553 = arith.constant 48 : index
          %swap3A_554 = tpu.vector_load %swap3A_552[%swap3A_553] {strides = array<i32>} : memref<128xf32, #tpu.memory_space<vmem>>, vector<16xf32>,
          tpu.vector_store %swap3A_552[%swap3A_553], %gather3A_277 {strides = array<i32>} : memref<128xf32, #tpu.memory_space<vmem>>, vector<16xf32>,
          %swap3A_555 = arith.constant 0 : i32
          %swap3A_556 = arith.constant 0 : i32
          %swap3A_557 = tpu.memref_slice %arg7[%swap3A_555, %add3A_530, %swap3A_556] : memref<2x64x128xf32, #tpu.memory_space<vmem>> -> memref<1x1x128xf32, #tpu.memory_space<vmem>>
          %swap3A_558 = tpu.memref_squeeze %swap3A_557 : memref<1x1x128xf32, #tpu.memory_space<vmem>> -> memref<128xf32, #tpu.memory_space<vmem>>
          %swap3A_559 = arith.constant 64 : index
          %swap3A_560 = tpu.vector_load %swap3A_558[%swap3A_559] {strides = array<i32>} : memref<128xf32, #tpu.memory_space<vmem>>, vector<16xf32>,
          tpu.vector_store %swap3A_558[%swap3A_559], %gather3A_280 {strides = array<i32>} : memref<128xf32, #tpu.memory_space<vmem>>, vector<16xf32>,
          %swap3A_561 = arith.constant 0 : i32
          %swap3A_562 = arith.constant 0 : i32
          %swap3A_563 = tpu.memref_slice %arg7[%swap3A_561, %add3A_530, %swap3A_562] : memref<2x64x128xf32, #tpu.memory_space<vmem>> -> memref<1x1x128xf32, #tpu.memory_space<vmem>>
          %swap3A_564 = tpu.memref_squeeze %swap3A_563 : memref<1x1x128xf32, #tpu.memory_space<vmem>> -> memref<128xf32, #tpu.memory_space<vmem>>
          %swap3A_565 = arith.constant 80 : index
          %swap3A_566 = tpu.vector_load %swap3A_564[%swap3A_565] {strides = array<i32>} : memref<128xf32, #tpu.memory_space<vmem>>, vector<16xf32>,
          tpu.vector_store %swap3A_564[%swap3A_565], %gather3A_283 {strides = array<i32>} : memref<128xf32, #tpu.memory_space<vmem>>, vector<16xf32>,
          %swap3A_567 = arith.constant 0 : i32
          %swap3A_568 = arith.constant 0 : i32
          %swap3A_569 = tpu.memref_slice %arg7[%swap3A_567, %add3A_530, %swap3A_568] : memref<2x64x128xf32, #tpu.memory_space<vmem>> -> memref<1x1x128xf32, #tpu.memory_space<vmem>>
          %swap3A_570 = tpu.memref_squeeze %swap3A_569 : memref<1x1x128xf32, #tpu.memory_space<vmem>> -> memref<128xf32, #tpu.memory_space<vmem>>
          %swap3A_571 = arith.constant 96 : index
          %swap3A_572 = tpu.vector_load %swap3A_570[%swap3A_571] {strides = array<i32>} : memref<128xf32, #tpu.memory_space<vmem>>, vector<16xf32>,
          tpu.vector_store %swap3A_570[%swap3A_571], %gather3A_286 {strides = array<i32>} : memref<128xf32, #tpu.memory_space<vmem>>, vector<16xf32>,
          %swap3A_573 = arith.constant 0 : i32
          %swap3A_574 = arith.constant 0 : i32
          %swap3A_575 = tpu.memref_slice %arg7[%swap3A_573, %add3A_530, %swap3A_574] : memref<2x64x128xf32, #tpu.memory_space<vmem>> -> memref<1x1x128xf32, #tpu.memory_space<vmem>>
          %swap3A_576 = tpu.memref_squeeze %swap3A_575 : memref<1x1x128xf32, #tpu.memory_space<vmem>> -> memref<128xf32, #tpu.memory_space<vmem>>
          %swap3A_577 = arith.constant 112 : index
          %swap3A_578 = tpu.vector_load %swap3A_576[%swap3A_577] {strides = array<i32>} : memref<128xf32, #tpu.memory_space<vmem>>, vector<16xf32>,
          tpu.vector_store %swap3A_576[%swap3A_577], %gather3A_289 {strides = array<i32>} : memref<128xf32, #tpu.memory_space<vmem>>, vector<16xf32>,
          %add3A_579 = arith.constant 3 : i32
          %add3A_580 = arith.addi %mul3A_206, %add3A_579 : i32
          %swap3A_581 = arith.constant 0 : i32
          %swap3A_582 = arith.constant 0 : i32
          %swap3A_583 = tpu.memref_slice %arg7[%swap3A_581, %add3A_580, %swap3A_582] : memref<2x64x128xf32, #tpu.memory_space<vmem>> -> memref<1x1x128xf32, #tpu.memory_space<vmem>>
          %swap3A_584 = tpu.memref_squeeze %swap3A_583 : memref<1x1x128xf32, #tpu.memory_space<vmem>> -> memref<128xf32, #tpu.memory_space<vmem>>
          %swap3A_585 = arith.constant 0 : index
          %swap3A_586 = tpu.vector_load %swap3A_584[%swap3A_585] {strides = array<i32>} : memref<128xf32, #tpu.memory_space<vmem>>, vector<16xf32>,
          tpu.vector_store %swap3A_584[%swap3A_585], %gather3A_296 {strides = array<i32>} : memref<128xf32, #tpu.memory_space<vmem>>, vector<16xf32>,
          %swap3A_587 = arith.constant 0 : i32
          %swap3A_588 = arith.constant 0 : i32
          %swap3A_589 = tpu.memref_slice %arg7[%swap3A_587, %add3A_580, %swap3A_588] : memref<2x64x128xf32, #tpu.memory_space<vmem>> -> memref<1x1x128xf32, #tpu.memory_space<vmem>>
          %swap3A_590 = tpu.memref_squeeze %swap3A_589 : memref<1x1x128xf32, #tpu.memory_space<vmem>> -> memref<128xf32, #tpu.memory_space<vmem>>
          %swap3A_591 = arith.constant 16 : index
          %swap3A_592 = tpu.vector_load %swap3A_590[%swap3A_591] {strides = array<i32>} : memref<128xf32, #tpu.memory_space<vmem>>, vector<16xf32>,
          tpu.vector_store %swap3A_590[%swap3A_591], %gather3A_299 {strides = array<i32>} : memref<128xf32, #tpu.memory_space<vmem>>, vector<16xf32>,
          %swap3A_593 = arith.constant 0 : i32
          %swap3A_594 = arith.constant 0 : i32
          %swap3A_595 = tpu.memref_slice %arg7[%swap3A_593, %add3A_580, %swap3A_594] : memref<2x64x128xf32, #tpu.memory_space<vmem>> -> memref<1x1x128xf32, #tpu.memory_space<vmem>>
          %swap3A_596 = tpu.memref_squeeze %swap3A_595 : memref<1x1x128xf32, #tpu.memory_space<vmem>> -> memref<128xf32, #tpu.memory_space<vmem>>
          %swap3A_597 = arith.constant 32 : index
          %swap3A_598 = tpu.vector_load %swap3A_596[%swap3A_597] {strides = array<i32>} : memref<128xf32, #tpu.memory_space<vmem>>, vector<16xf32>,
          tpu.vector_store %swap3A_596[%swap3A_597], %gather3A_302 {strides = array<i32>} : memref<128xf32, #tpu.memory_space<vmem>>, vector<16xf32>,
          %swap3A_599 = arith.constant 0 : i32
          %swap3A_600 = arith.constant 0 : i32
          %swap3A_601 = tpu.memref_slice %arg7[%swap3A_599, %add3A_580, %swap3A_600] : memref<2x64x128xf32, #tpu.memory_space<vmem>> -> memref<1x1x128xf32, #tpu.memory_space<vmem>>
          %swap3A_602 = tpu.memref_squeeze %swap3A_601 : memref<1x1x128xf32, #tpu.memory_space<vmem>> -> memref<128xf32, #tpu.memory_space<vmem>>
          %swap3A_603 = arith.constant 48 : index
          %swap3A_604 = tpu.vector_load %swap3A_602[%swap3A_603] {strides = array<i32>} : memref<128xf32, #tpu.memory_space<vmem>>, vector<16xf32>,
          tpu.vector_store %swap3A_602[%swap3A_603], %gather3A_305 {strides = array<i32>} : memref<128xf32, #tpu.memory_space<vmem>>, vector<16xf32>,
          %swap3A_605 = arith.constant 0 : i32
          %swap3A_606 = arith.constant 0 : i32
          %swap3A_607 = tpu.memref_slice %arg7[%swap3A_605, %add3A_580, %swap3A_606] : memref<2x64x128xf32, #tpu.memory_space<vmem>> -> memref<1x1x128xf32, #tpu.memory_space<vmem>>
          %swap3A_608 = tpu.memref_squeeze %swap3A_607 : memref<1x1x128xf32, #tpu.memory_space<vmem>> -> memref<128xf32, #tpu.memory_space<vmem>>
          %swap3A_609 = arith.constant 64 : index
          %swap3A_610 = tpu.vector_load %swap3A_608[%swap3A_609] {strides = array<i32>} : memref<128xf32, #tpu.memory_space<vmem>>, vector<16xf32>,
          tpu.vector_store %swap3A_608[%swap3A_609], %gather3A_308 {strides = array<i32>} : memref<128xf32, #tpu.memory_space<vmem>>, vector<16xf32>,
          %swap3A_611 = arith.constant 0 : i32
          %swap3A_612 = arith.constant 0 : i32
          %swap3A_613 = tpu.memref_slice %arg7[%swap3A_611, %add3A_580, %swap3A_612] : memref<2x64x128xf32, #tpu.memory_space<vmem>> -> memref<1x1x128xf32, #tpu.memory_space<vmem>>
          %swap3A_614 = tpu.memref_squeeze %swap3A_613 : memref<1x1x128xf32, #tpu.memory_space<vmem>> -> memref<128xf32, #tpu.memory_space<vmem>>
          %swap3A_615 = arith.constant 80 : index
          %swap3A_616 = tpu.vector_load %swap3A_614[%swap3A_615] {strides = array<i32>} : memref<128xf32, #tpu.memory_space<vmem>>, vector<16xf32>,
          tpu.vector_store %swap3A_614[%swap3A_615], %gather3A_311 {strides = array<i32>} : memref<128xf32, #tpu.memory_space<vmem>>, vector<16xf32>,
          %swap3A_617 = arith.constant 0 : i32
          %swap3A_618 = arith.constant 0 : i32
          %swap3A_619 = tpu.memref_slice %arg7[%swap3A_617, %add3A_580, %swap3A_618] : memref<2x64x128xf32, #tpu.memory_space<vmem>> -> memref<1x1x128xf32, #tpu.memory_space<vmem>>
          %swap3A_620 = tpu.memref_squeeze %swap3A_619 : memref<1x1x128xf32, #tpu.memory_space<vmem>> -> memref<128xf32, #tpu.memory_space<vmem>>
          %swap3A_621 = arith.constant 96 : index
          %swap3A_622 = tpu.vector_load %swap3A_620[%swap3A_621] {strides = array<i32>} : memref<128xf32, #tpu.memory_space<vmem>>, vector<16xf32>,
          tpu.vector_store %swap3A_620[%swap3A_621], %gather3A_314 {strides = array<i32>} : memref<128xf32, #tpu.memory_space<vmem>>, vector<16xf32>,
          %swap3A_623 = arith.constant 0 : i32
          %swap3A_624 = arith.constant 0 : i32
          %swap3A_625 = tpu.memref_slice %arg7[%swap3A_623, %add3A_580, %swap3A_624] : memref<2x64x128xf32, #tpu.memory_space<vmem>> -> memref<1x1x128xf32, #tpu.memory_space<vmem>>
          %swap3A_626 = tpu.memref_squeeze %swap3A_625 : memref<1x1x128xf32, #tpu.memory_space<vmem>> -> memref<128xf32, #tpu.memory_space<vmem>>
          %swap3A_627 = arith.constant 112 : index
          %swap3A_628 = tpu.vector_load %swap3A_626[%swap3A_627] {strides = array<i32>} : memref<128xf32, #tpu.memory_space<vmem>>, vector<16xf32>,
          tpu.vector_store %swap3A_626[%swap3A_627], %gather3A_317 {strides = array<i32>} : memref<128xf32, #tpu.memory_space<vmem>>, vector<16xf32>,
          %add3A_629 = arith.constant 4 : i32
          %add3A_630 = arith.addi %mul3A_206, %add3A_629 : i32
          %swap3A_631 = arith.constant 0 : i32
          %swap3A_632 = arith.constant 0 : i32
          %swap3A_633 = tpu.memref_slice %arg7[%swap3A_631, %add3A_630, %swap3A_632] : memref<2x64x128xf32, #tpu.memory_space<vmem>> -> memref<1x1x128xf32, #tpu.memory_space<vmem>>
          %swap3A_634 = tpu.memref_squeeze %swap3A_633 : memref<1x1x128xf32, #tpu.memory_space<vmem>> -> memref<128xf32, #tpu.memory_space<vmem>>
          %swap3A_635 = arith.constant 0 : index
          %swap3A_636 = tpu.vector_load %swap3A_634[%swap3A_635] {strides = array<i32>} : memref<128xf32, #tpu.memory_space<vmem>>, vector<16xf32>,
          tpu.vector_store %swap3A_634[%swap3A_635], %gather3A_324 {strides = array<i32>} : memref<128xf32, #tpu.memory_space<vmem>>, vector<16xf32>,
          %swap3A_637 = arith.constant 0 : i32
          %swap3A_638 = arith.constant 0 : i32
          %swap3A_639 = tpu.memref_slice %arg7[%swap3A_637, %add3A_630, %swap3A_638] : memref<2x64x128xf32, #tpu.memory_space<vmem>> -> memref<1x1x128xf32, #tpu.memory_space<vmem>>
          %swap3A_640 = tpu.memref_squeeze %swap3A_639 : memref<1x1x128xf32, #tpu.memory_space<vmem>> -> memref<128xf32, #tpu.memory_space<vmem>>
          %swap3A_641 = arith.constant 16 : index
          %swap3A_642 = tpu.vector_load %swap3A_640[%swap3A_641] {strides = array<i32>} : memref<128xf32, #tpu.memory_space<vmem>>, vector<16xf32>,
          tpu.vector_store %swap3A_640[%swap3A_641], %gather3A_327 {strides = array<i32>} : memref<128xf32, #tpu.memory_space<vmem>>, vector<16xf32>,
          %swap3A_643 = arith.constant 0 : i32
          %swap3A_644 = arith.constant 0 : i32
          %swap3A_645 = tpu.memref_slice %arg7[%swap3A_643, %add3A_630, %swap3A_644] : memref<2x64x128xf32, #tpu.memory_space<vmem>> -> memref<1x1x128xf32, #tpu.memory_space<vmem>>
          %swap3A_646 = tpu.memref_squeeze %swap3A_645 : memref<1x1x128xf32, #tpu.memory_space<vmem>> -> memref<128xf32, #tpu.memory_space<vmem>>
          %swap3A_647 = arith.constant 32 : index
          %swap3A_648 = tpu.vector_load %swap3A_646[%swap3A_647] {strides = array<i32>} : memref<128xf32, #tpu.memory_space<vmem>>, vector<16xf32>,
          tpu.vector_store %swap3A_646[%swap3A_647], %gather3A_330 {strides = array<i32>} : memref<128xf32, #tpu.memory_space<vmem>>, vector<16xf32>,
          %swap3A_649 = arith.constant 0 : i32
          %swap3A_650 = arith.constant 0 : i32
          %swap3A_651 = tpu.memref_slice %arg7[%swap3A_649, %add3A_630, %swap3A_650] : memref<2x64x128xf32, #tpu.memory_space<vmem>> -> memref<1x1x128xf32, #tpu.memory_space<vmem>>
          %swap3A_652 = tpu.memref_squeeze %swap3A_651 : memref<1x1x128xf32, #tpu.memory_space<vmem>> -> memref<128xf32, #tpu.memory_space<vmem>>
          %swap3A_653 = arith.constant 48 : index
          %swap3A_654 = tpu.vector_load %swap3A_652[%swap3A_653] {strides = array<i32>} : memref<128xf32, #tpu.memory_space<vmem>>, vector<16xf32>,
          tpu.vector_store %swap3A_652[%swap3A_653], %gather3A_333 {strides = array<i32>} : memref<128xf32, #tpu.memory_space<vmem>>, vector<16xf32>,
          %swap3A_655 = arith.constant 0 : i32
          %swap3A_656 = arith.constant 0 : i32
          %swap3A_657 = tpu.memref_slice %arg7[%swap3A_655, %add3A_630, %swap3A_656] : memref<2x64x128xf32, #tpu.memory_space<vmem>> -> memref<1x1x128xf32, #tpu.memory_space<vmem>>
          %swap3A_658 = tpu.memref_squeeze %swap3A_657 : memref<1x1x128xf32, #tpu.memory_space<vmem>> -> memref<128xf32, #tpu.memory_space<vmem>>
          %swap3A_659 = arith.constant 64 : index
          %swap3A_660 = tpu.vector_load %swap3A_658[%swap3A_659] {strides = array<i32>} : memref<128xf32, #tpu.memory_space<vmem>>, vector<16xf32>,
          tpu.vector_store %swap3A_658[%swap3A_659], %gather3A_336 {strides = array<i32>} : memref<128xf32, #tpu.memory_space<vmem>>, vector<16xf32>,
          %swap3A_661 = arith.constant 0 : i32
          %swap3A_662 = arith.constant 0 : i32
          %swap3A_663 = tpu.memref_slice %arg7[%swap3A_661, %add3A_630, %swap3A_662] : memref<2x64x128xf32, #tpu.memory_space<vmem>> -> memref<1x1x128xf32, #tpu.memory_space<vmem>>
          %swap3A_664 = tpu.memref_squeeze %swap3A_663 : memref<1x1x128xf32, #tpu.memory_space<vmem>> -> memref<128xf32, #tpu.memory_space<vmem>>
          %swap3A_665 = arith.constant 80 : index
          %swap3A_666 = tpu.vector_load %swap3A_664[%swap3A_665] {strides = array<i32>} : memref<128xf32, #tpu.memory_space<vmem>>, vector<16xf32>,
          tpu.vector_store %swap3A_664[%swap3A_665], %gather3A_339 {strides = array<i32>} : memref<128xf32, #tpu.memory_space<vmem>>, vector<16xf32>,
          %swap3A_667 = arith.constant 0 : i32
          %swap3A_668 = arith.constant 0 : i32
          %swap3A_669 = tpu.memref_slice %arg7[%swap3A_667, %add3A_630, %swap3A_668] : memref<2x64x128xf32, #tpu.memory_space<vmem>> -> memref<1x1x128xf32, #tpu.memory_space<vmem>>
          %swap3A_670 = tpu.memref_squeeze %swap3A_669 : memref<1x1x128xf32, #tpu.memory_space<vmem>> -> memref<128xf32, #tpu.memory_space<vmem>>
          %swap3A_671 = arith.constant 96 : index
          %swap3A_672 = tpu.vector_load %swap3A_670[%swap3A_671] {strides = array<i32>} : memref<128xf32, #tpu.memory_space<vmem>>, vector<16xf32>,
          tpu.vector_store %swap3A_670[%swap3A_671], %gather3A_342 {strides = array<i32>} : memref<128xf32, #tpu.memory_space<vmem>>, vector<16xf32>,
          %swap3A_673 = arith.constant 0 : i32
          %swap3A_674 = arith.constant 0 : i32
          %swap3A_675 = tpu.memref_slice %arg7[%swap3A_673, %add3A_630, %swap3A_674] : memref<2x64x128xf32, #tpu.memory_space<vmem>> -> memref<1x1x128xf32, #tpu.memory_space<vmem>>
          %swap3A_676 = tpu.memref_squeeze %swap3A_675 : memref<1x1x128xf32, #tpu.memory_space<vmem>> -> memref<128xf32, #tpu.memory_space<vmem>>
          %swap3A_677 = arith.constant 112 : index
          %swap3A_678 = tpu.vector_load %swap3A_676[%swap3A_677] {strides = array<i32>} : memref<128xf32, #tpu.memory_space<vmem>>, vector<16xf32>,
          tpu.vector_store %swap3A_676[%swap3A_677], %gather3A_345 {strides = array<i32>} : memref<128xf32, #tpu.memory_space<vmem>>, vector<16xf32>,
          %add3A_679 = arith.constant 5 : i32
          %add3A_680 = arith.addi %mul3A_206, %add3A_679 : i32
          %swap3A_681 = arith.constant 0 : i32
          %swap3A_682 = arith.constant 0 : i32
          %swap3A_683 = tpu.memref_slice %arg7[%swap3A_681, %add3A_680, %swap3A_682] : memref<2x64x128xf32, #tpu.memory_space<vmem>> -> memref<1x1x128xf32, #tpu.memory_space<vmem>>
          %swap3A_684 = tpu.memref_squeeze %swap3A_683 : memref<1x1x128xf32, #tpu.memory_space<vmem>> -> memref<128xf32, #tpu.memory_space<vmem>>
          %swap3A_685 = arith.constant 0 : index
          %swap3A_686 = tpu.vector_load %swap3A_684[%swap3A_685] {strides = array<i32>} : memref<128xf32, #tpu.memory_space<vmem>>, vector<16xf32>,
          tpu.vector_store %swap3A_684[%swap3A_685], %gather3A_352 {strides = array<i32>} : memref<128xf32, #tpu.memory_space<vmem>>, vector<16xf32>,
          %swap3A_687 = arith.constant 0 : i32
          %swap3A_688 = arith.constant 0 : i32
          %swap3A_689 = tpu.memref_slice %arg7[%swap3A_687, %add3A_680, %swap3A_688] : memref<2x64x128xf32, #tpu.memory_space<vmem>> -> memref<1x1x128xf32, #tpu.memory_space<vmem>>
          %swap3A_690 = tpu.memref_squeeze %swap3A_689 : memref<1x1x128xf32, #tpu.memory_space<vmem>> -> memref<128xf32, #tpu.memory_space<vmem>>
          %swap3A_691 = arith.constant 16 : index
          %swap3A_692 = tpu.vector_load %swap3A_690[%swap3A_691] {strides = array<i32>} : memref<128xf32, #tpu.memory_space<vmem>>, vector<16xf32>,
          tpu.vector_store %swap3A_690[%swap3A_691], %gather3A_355 {strides = array<i32>} : memref<128xf32, #tpu.memory_space<vmem>>, vector<16xf32>,
          %swap3A_693 = arith.constant 0 : i32
          %swap3A_694 = arith.constant 0 : i32
          %swap3A_695 = tpu.memref_slice %arg7[%swap3A_693, %add3A_680, %swap3A_694] : memref<2x64x128xf32, #tpu.memory_space<vmem>> -> memref<1x1x128xf32, #tpu.memory_space<vmem>>
          %swap3A_696 = tpu.memref_squeeze %swap3A_695 : memref<1x1x128xf32, #tpu.memory_space<vmem>> -> memref<128xf32, #tpu.memory_space<vmem>>
          %swap3A_697 = arith.constant 32 : index
          %swap3A_698 = tpu.vector_load %swap3A_696[%swap3A_697] {strides = array<i32>} : memref<128xf32, #tpu.memory_space<vmem>>, vector<16xf32>,
          tpu.vector_store %swap3A_696[%swap3A_697], %gather3A_358 {strides = array<i32>} : memref<128xf32, #tpu.memory_space<vmem>>, vector<16xf32>,
          %swap3A_699 = arith.constant 0 : i32
          %swap3A_700 = arith.constant 0 : i32
          %swap3A_701 = tpu.memref_slice %arg7[%swap3A_699, %add3A_680, %swap3A_700] : memref<2x64x128xf32, #tpu.memory_space<vmem>> -> memref<1x1x128xf32, #tpu.memory_space<vmem>>
          %swap3A_702 = tpu.memref_squeeze %swap3A_701 : memref<1x1x128xf32, #tpu.memory_space<vmem>> -> memref<128xf32, #tpu.memory_space<vmem>>
          %swap3A_703 = arith.constant 48 : index
          %swap3A_704 = tpu.vector_load %swap3A_702[%swap3A_703] {strides = array<i32>} : memref<128xf32, #tpu.memory_space<vmem>>, vector<16xf32>,
          tpu.vector_store %swap3A_702[%swap3A_703], %gather3A_361 {strides = array<i32>} : memref<128xf32, #tpu.memory_space<vmem>>, vector<16xf32>,
          %swap3A_705 = arith.constant 0 : i32
          %swap3A_706 = arith.constant 0 : i32
          %swap3A_707 = tpu.memref_slice %arg7[%swap3A_705, %add3A_680, %swap3A_706] : memref<2x64x128xf32, #tpu.memory_space<vmem>> -> memref<1x1x128xf32, #tpu.memory_space<vmem>>
          %swap3A_708 = tpu.memref_squeeze %swap3A_707 : memref<1x1x128xf32, #tpu.memory_space<vmem>> -> memref<128xf32, #tpu.memory_space<vmem>>
          %swap3A_709 = arith.constant 64 : index
          %swap3A_710 = tpu.vector_load %swap3A_708[%swap3A_709] {strides = array<i32>} : memref<128xf32, #tpu.memory_space<vmem>>, vector<16xf32>,
          tpu.vector_store %swap3A_708[%swap3A_709], %gather3A_364 {strides = array<i32>} : memref<128xf32, #tpu.memory_space<vmem>>, vector<16xf32>,
          %swap3A_711 = arith.constant 0 : i32
          %swap3A_712 = arith.constant 0 : i32
          %swap3A_713 = tpu.memref_slice %arg7[%swap3A_711, %add3A_680, %swap3A_712] : memref<2x64x128xf32, #tpu.memory_space<vmem>> -> memref<1x1x128xf32, #tpu.memory_space<vmem>>
          %swap3A_714 = tpu.memref_squeeze %swap3A_713 : memref<1x1x128xf32, #tpu.memory_space<vmem>> -> memref<128xf32, #tpu.memory_space<vmem>>
          %swap3A_715 = arith.constant 80 : index
          %swap3A_716 = tpu.vector_load %swap3A_714[%swap3A_715] {strides = array<i32>} : memref<128xf32, #tpu.memory_space<vmem>>, vector<16xf32>,
          tpu.vector_store %swap3A_714[%swap3A_715], %gather3A_367 {strides = array<i32>} : memref<128xf32, #tpu.memory_space<vmem>>, vector<16xf32>,
          %swap3A_717 = arith.constant 0 : i32
          %swap3A_718 = arith.constant 0 : i32
          %swap3A_719 = tpu.memref_slice %arg7[%swap3A_717, %add3A_680, %swap3A_718] : memref<2x64x128xf32, #tpu.memory_space<vmem>> -> memref<1x1x128xf32, #tpu.memory_space<vmem>>
          %swap3A_720 = tpu.memref_squeeze %swap3A_719 : memref<1x1x128xf32, #tpu.memory_space<vmem>> -> memref<128xf32, #tpu.memory_space<vmem>>
          %swap3A_721 = arith.constant 96 : index
          %swap3A_722 = tpu.vector_load %swap3A_720[%swap3A_721] {strides = array<i32>} : memref<128xf32, #tpu.memory_space<vmem>>, vector<16xf32>,
          tpu.vector_store %swap3A_720[%swap3A_721], %gather3A_370 {strides = array<i32>} : memref<128xf32, #tpu.memory_space<vmem>>, vector<16xf32>,
          %swap3A_723 = arith.constant 0 : i32
          %swap3A_724 = arith.constant 0 : i32
          %swap3A_725 = tpu.memref_slice %arg7[%swap3A_723, %add3A_680, %swap3A_724] : memref<2x64x128xf32, #tpu.memory_space<vmem>> -> memref<1x1x128xf32, #tpu.memory_space<vmem>>
          %swap3A_726 = tpu.memref_squeeze %swap3A_725 : memref<1x1x128xf32, #tpu.memory_space<vmem>> -> memref<128xf32, #tpu.memory_space<vmem>>
          %swap3A_727 = arith.constant 112 : index
          %swap3A_728 = tpu.vector_load %swap3A_726[%swap3A_727] {strides = array<i32>} : memref<128xf32, #tpu.memory_space<vmem>>, vector<16xf32>,
          tpu.vector_store %swap3A_726[%swap3A_727], %gather3A_373 {strides = array<i32>} : memref<128xf32, #tpu.memory_space<vmem>>, vector<16xf32>,
          %add3A_729 = arith.constant 6 : i32
          %add3A_730 = arith.addi %mul3A_206, %add3A_729 : i32
          %swap3A_731 = arith.constant 0 : i32
          %swap3A_732 = arith.constant 0 : i32
          %swap3A_733 = tpu.memref_slice %arg7[%swap3A_731, %add3A_730, %swap3A_732] : memref<2x64x128xf32, #tpu.memory_space<vmem>> -> memref<1x1x128xf32, #tpu.memory_space<vmem>>
          %swap3A_734 = tpu.memref_squeeze %swap3A_733 : memref<1x1x128xf32, #tpu.memory_space<vmem>> -> memref<128xf32, #tpu.memory_space<vmem>>
          %swap3A_735 = arith.constant 0 : index
          %swap3A_736 = tpu.vector_load %swap3A_734[%swap3A_735] {strides = array<i32>} : memref<128xf32, #tpu.memory_space<vmem>>, vector<16xf32>,
          tpu.vector_store %swap3A_734[%swap3A_735], %gather3A_380 {strides = array<i32>} : memref<128xf32, #tpu.memory_space<vmem>>, vector<16xf32>,
          %swap3A_737 = arith.constant 0 : i32
          %swap3A_738 = arith.constant 0 : i32
          %swap3A_739 = tpu.memref_slice %arg7[%swap3A_737, %add3A_730, %swap3A_738] : memref<2x64x128xf32, #tpu.memory_space<vmem>> -> memref<1x1x128xf32, #tpu.memory_space<vmem>>
          %swap3A_740 = tpu.memref_squeeze %swap3A_739 : memref<1x1x128xf32, #tpu.memory_space<vmem>> -> memref<128xf32, #tpu.memory_space<vmem>>
          %swap3A_741 = arith.constant 16 : index
          %swap3A_742 = tpu.vector_load %swap3A_740[%swap3A_741] {strides = array<i32>} : memref<128xf32, #tpu.memory_space<vmem>>, vector<16xf32>,
          tpu.vector_store %swap3A_740[%swap3A_741], %gather3A_383 {strides = array<i32>} : memref<128xf32, #tpu.memory_space<vmem>>, vector<16xf32>,
          %swap3A_743 = arith.constant 0 : i32
          %swap3A_744 = arith.constant 0 : i32
          %swap3A_745 = tpu.memref_slice %arg7[%swap3A_743, %add3A_730, %swap3A_744] : memref<2x64x128xf32, #tpu.memory_space<vmem>> -> memref<1x1x128xf32, #tpu.memory_space<vmem>>
          %swap3A_746 = tpu.memref_squeeze %swap3A_745 : memref<1x1x128xf32, #tpu.memory_space<vmem>> -> memref<128xf32, #tpu.memory_space<vmem>>
          %swap3A_747 = arith.constant 32 : index
          %swap3A_748 = tpu.vector_load %swap3A_746[%swap3A_747] {strides = array<i32>} : memref<128xf32, #tpu.memory_space<vmem>>, vector<16xf32>,
          tpu.vector_store %swap3A_746[%swap3A_747], %gather3A_386 {strides = array<i32>} : memref<128xf32, #tpu.memory_space<vmem>>, vector<16xf32>,
          %swap3A_749 = arith.constant 0 : i32
          %swap3A_750 = arith.constant 0 : i32
          %swap3A_751 = tpu.memref_slice %arg7[%swap3A_749, %add3A_730, %swap3A_750] : memref<2x64x128xf32, #tpu.memory_space<vmem>> -> memref<1x1x128xf32, #tpu.memory_space<vmem>>
          %swap3A_752 = tpu.memref_squeeze %swap3A_751 : memref<1x1x128xf32, #tpu.memory_space<vmem>> -> memref<128xf32, #tpu.memory_space<vmem>>
          %swap3A_753 = arith.constant 48 : index
          %swap3A_754 = tpu.vector_load %swap3A_752[%swap3A_753] {strides = array<i32>} : memref<128xf32, #tpu.memory_space<vmem>>, vector<16xf32>,
          tpu.vector_store %swap3A_752[%swap3A_753], %gather3A_389 {strides = array<i32>} : memref<128xf32, #tpu.memory_space<vmem>>, vector<16xf32>,
          %swap3A_755 = arith.constant 0 : i32
          %swap3A_756 = arith.constant 0 : i32
          %swap3A_757 = tpu.memref_slice %arg7[%swap3A_755, %add3A_730, %swap3A_756] : memref<2x64x128xf32, #tpu.memory_space<vmem>> -> memref<1x1x128xf32, #tpu.memory_space<vmem>>
          %swap3A_758 = tpu.memref_squeeze %swap3A_757 : memref<1x1x128xf32, #tpu.memory_space<vmem>> -> memref<128xf32, #tpu.memory_space<vmem>>
          %swap3A_759 = arith.constant 64 : index
          %swap3A_760 = tpu.vector_load %swap3A_758[%swap3A_759] {strides = array<i32>} : memref<128xf32, #tpu.memory_space<vmem>>, vector<16xf32>,
          tpu.vector_store %swap3A_758[%swap3A_759], %gather3A_392 {strides = array<i32>} : memref<128xf32, #tpu.memory_space<vmem>>, vector<16xf32>,
          %swap3A_761 = arith.constant 0 : i32
          %swap3A_762 = arith.constant 0 : i32
          %swap3A_763 = tpu.memref_slice %arg7[%swap3A_761, %add3A_730, %swap3A_762] : memref<2x64x128xf32, #tpu.memory_space<vmem>> -> memref<1x1x128xf32, #tpu.memory_space<vmem>>
          %swap3A_764 = tpu.memref_squeeze %swap3A_763 : memref<1x1x128xf32, #tpu.memory_space<vmem>> -> memref<128xf32, #tpu.memory_space<vmem>>
          %swap3A_765 = arith.constant 80 : index
          %swap3A_766 = tpu.vector_load %swap3A_764[%swap3A_765] {strides = array<i32>} : memref<128xf32, #tpu.memory_space<vmem>>, vector<16xf32>,
          tpu.vector_store %swap3A_764[%swap3A_765], %gather3A_395 {strides = array<i32>} : memref<128xf32, #tpu.memory_space<vmem>>, vector<16xf32>,
          %swap3A_767 = arith.constant 0 : i32
          %swap3A_768 = arith.constant 0 : i32
          %swap3A_769 = tpu.memref_slice %arg7[%swap3A_767, %add3A_730, %swap3A_768] : memref<2x64x128xf32, #tpu.memory_space<vmem>> -> memref<1x1x128xf32, #tpu.memory_space<vmem>>
          %swap3A_770 = tpu.memref_squeeze %swap3A_769 : memref<1x1x128xf32, #tpu.memory_space<vmem>> -> memref<128xf32, #tpu.memory_space<vmem>>
          %swap3A_771 = arith.constant 96 : index
          %swap3A_772 = tpu.vector_load %swap3A_770[%swap3A_771] {strides = array<i32>} : memref<128xf32, #tpu.memory_space<vmem>>, vector<16xf32>,
          tpu.vector_store %swap3A_770[%swap3A_771], %gather3A_398 {strides = array<i32>} : memref<128xf32, #tpu.memory_space<vmem>>, vector<16xf32>,
          %swap3A_773 = arith.constant 0 : i32
          %swap3A_774 = arith.constant 0 : i32
          %swap3A_775 = tpu.memref_slice %arg7[%swap3A_773, %add3A_730, %swap3A_774] : memref<2x64x128xf32, #tpu.memory_space<vmem>> -> memref<1x1x128xf32, #tpu.memory_space<vmem>>
          %swap3A_776 = tpu.memref_squeeze %swap3A_775 : memref<1x1x128xf32, #tpu.memory_space<vmem>> -> memref<128xf32, #tpu.memory_space<vmem>>
          %swap3A_777 = arith.constant 112 : index
          %swap3A_778 = tpu.vector_load %swap3A_776[%swap3A_777] {strides = array<i32>} : memref<128xf32, #tpu.memory_space<vmem>>, vector<16xf32>,
          tpu.vector_store %swap3A_776[%swap3A_777], %gather3A_401 {strides = array<i32>} : memref<128xf32, #tpu.memory_space<vmem>>, vector<16xf32>,
          %add3A_779 = arith.constant 7 : i32
          %add3A_780 = arith.addi %mul3A_206, %add3A_779 : i32
          %swap3A_781 = arith.constant 0 : i32
          %swap3A_782 = arith.constant 0 : i32
          %swap3A_783 = tpu.memref_slice %arg7[%swap3A_781, %add3A_780, %swap3A_782] : memref<2x64x128xf32, #tpu.memory_space<vmem>> -> memref<1x1x128xf32, #tpu.memory_space<vmem>>
          %swap3A_784 = tpu.memref_squeeze %swap3A_783 : memref<1x1x128xf32, #tpu.memory_space<vmem>> -> memref<128xf32, #tpu.memory_space<vmem>>
          %swap3A_785 = arith.constant 0 : index
          %swap3A_786 = tpu.vector_load %swap3A_784[%swap3A_785] {strides = array<i32>} : memref<128xf32, #tpu.memory_space<vmem>>, vector<16xf32>,
          tpu.vector_store %swap3A_784[%swap3A_785], %gather3A_408 {strides = array<i32>} : memref<128xf32, #tpu.memory_space<vmem>>, vector<16xf32>,
          %swap3A_787 = arith.constant 0 : i32
          %swap3A_788 = arith.constant 0 : i32
          %swap3A_789 = tpu.memref_slice %arg7[%swap3A_787, %add3A_780, %swap3A_788] : memref<2x64x128xf32, #tpu.memory_space<vmem>> -> memref<1x1x128xf32, #tpu.memory_space<vmem>>
          %swap3A_790 = tpu.memref_squeeze %swap3A_789 : memref<1x1x128xf32, #tpu.memory_space<vmem>> -> memref<128xf32, #tpu.memory_space<vmem>>
          %swap3A_791 = arith.constant 16 : index
          %swap3A_792 = tpu.vector_load %swap3A_790[%swap3A_791] {strides = array<i32>} : memref<128xf32, #tpu.memory_space<vmem>>, vector<16xf32>,
          tpu.vector_store %swap3A_790[%swap3A_791], %gather3A_411 {strides = array<i32>} : memref<128xf32, #tpu.memory_space<vmem>>, vector<16xf32>,
          %swap3A_793 = arith.constant 0 : i32
          %swap3A_794 = arith.constant 0 : i32
          %swap3A_795 = tpu.memref_slice %arg7[%swap3A_793, %add3A_780, %swap3A_794] : memref<2x64x128xf32, #tpu.memory_space<vmem>> -> memref<1x1x128xf32, #tpu.memory_space<vmem>>
          %swap3A_796 = tpu.memref_squeeze %swap3A_795 : memref<1x1x128xf32, #tpu.memory_space<vmem>> -> memref<128xf32, #tpu.memory_space<vmem>>
          %swap3A_797 = arith.constant 32 : index
          %swap3A_798 = tpu.vector_load %swap3A_796[%swap3A_797] {strides = array<i32>} : memref<128xf32, #tpu.memory_space<vmem>>, vector<16xf32>,
          tpu.vector_store %swap3A_796[%swap3A_797], %gather3A_414 {strides = array<i32>} : memref<128xf32, #tpu.memory_space<vmem>>, vector<16xf32>,
          %swap3A_799 = arith.constant 0 : i32
          %swap3A_800 = arith.constant 0 : i32
          %swap3A_801 = tpu.memref_slice %arg7[%swap3A_799, %add3A_780, %swap3A_800] : memref<2x64x128xf32, #tpu.memory_space<vmem>> -> memref<1x1x128xf32, #tpu.memory_space<vmem>>
          %swap3A_802 = tpu.memref_squeeze %swap3A_801 : memref<1x1x128xf32, #tpu.memory_space<vmem>> -> memref<128xf32, #tpu.memory_space<vmem>>
          %swap3A_803 = arith.constant 48 : index
          %swap3A_804 = tpu.vector_load %swap3A_802[%swap3A_803] {strides = array<i32>} : memref<128xf32, #tpu.memory_space<vmem>>, vector<16xf32>,
          tpu.vector_store %swap3A_802[%swap3A_803], %gather3A_417 {strides = array<i32>} : memref<128xf32, #tpu.memory_space<vmem>>, vector<16xf32>,
          %swap3A_805 = arith.constant 0 : i32
          %swap3A_806 = arith.constant 0 : i32
          %swap3A_807 = tpu.memref_slice %arg7[%swap3A_805, %add3A_780, %swap3A_806] : memref<2x64x128xf32, #tpu.memory_space<vmem>> -> memref<1x1x128xf32, #tpu.memory_space<vmem>>
          %swap3A_808 = tpu.memref_squeeze %swap3A_807 : memref<1x1x128xf32, #tpu.memory_space<vmem>> -> memref<128xf32, #tpu.memory_space<vmem>>
          %swap3A_809 = arith.constant 64 : index
          %swap3A_810 = tpu.vector_load %swap3A_808[%swap3A_809] {strides = array<i32>} : memref<128xf32, #tpu.memory_space<vmem>>, vector<16xf32>,
          tpu.vector_store %swap3A_808[%swap3A_809], %gather3A_420 {strides = array<i32>} : memref<128xf32, #tpu.memory_space<vmem>>, vector<16xf32>,
          %swap3A_811 = arith.constant 0 : i32
          %swap3A_812 = arith.constant 0 : i32
          %swap3A_813 = tpu.memref_slice %arg7[%swap3A_811, %add3A_780, %swap3A_812] : memref<2x64x128xf32, #tpu.memory_space<vmem>> -> memref<1x1x128xf32, #tpu.memory_space<vmem>>
          %swap3A_814 = tpu.memref_squeeze %swap3A_813 : memref<1x1x128xf32, #tpu.memory_space<vmem>> -> memref<128xf32, #tpu.memory_space<vmem>>
          %swap3A_815 = arith.constant 80 : index
          %swap3A_816 = tpu.vector_load %swap3A_814[%swap3A_815] {strides = array<i32>} : memref<128xf32, #tpu.memory_space<vmem>>, vector<16xf32>,
          tpu.vector_store %swap3A_814[%swap3A_815], %gather3A_423 {strides = array<i32>} : memref<128xf32, #tpu.memory_space<vmem>>, vector<16xf32>,
          %swap3A_817 = arith.constant 0 : i32
          %swap3A_818 = arith.constant 0 : i32
          %swap3A_819 = tpu.memref_slice %arg7[%swap3A_817, %add3A_780, %swap3A_818] : memref<2x64x128xf32, #tpu.memory_space<vmem>> -> memref<1x1x128xf32, #tpu.memory_space<vmem>>
          %swap3A_820 = tpu.memref_squeeze %swap3A_819 : memref<1x1x128xf32, #tpu.memory_space<vmem>> -> memref<128xf32, #tpu.memory_space<vmem>>
          %swap3A_821 = arith.constant 96 : index
          %swap3A_822 = tpu.vector_load %swap3A_820[%swap3A_821] {strides = array<i32>} : memref<128xf32, #tpu.memory_space<vmem>>, vector<16xf32>,
          tpu.vector_store %swap3A_820[%swap3A_821], %gather3A_426 {strides = array<i32>} : memref<128xf32, #tpu.memory_space<vmem>>, vector<16xf32>,
          %swap3A_823 = arith.constant 0 : i32
          %swap3A_824 = arith.constant 0 : i32
          %swap3A_825 = tpu.memref_slice %arg7[%swap3A_823, %add3A_780, %swap3A_824] : memref<2x64x128xf32, #tpu.memory_space<vmem>> -> memref<1x1x128xf32, #tpu.memory_space<vmem>>
          %swap3A_826 = tpu.memref_squeeze %swap3A_825 : memref<1x1x128xf32, #tpu.memory_space<vmem>> -> memref<128xf32, #tpu.memory_space<vmem>>
          %swap3A_827 = arith.constant 112 : index
          %swap3A_828 = tpu.vector_load %swap3A_826[%swap3A_827] {strides = array<i32>} : memref<128xf32, #tpu.memory_space<vmem>>, vector<16xf32>,
          tpu.vector_store %swap3A_826[%swap3A_827], %gather3A_429 {strides = array<i32>} : memref<128xf32, #tpu.memory_space<vmem>>, vector<16xf32>,
        }
        %scan3A_120 = arith.constant 8 : i32
        %dma_start3A = arith.constant 0 : i32
        %dma_start3A_121 = arith.constant 0 : i32
        %dma_start3A_122 = arith.constant 0 : i32
        %dma_start3A_123 = tpu.memref_slice %arg7[%dma_start3A, %dma_start3A_121, %dma_start3A_122] : memref<2x64x128xf32, #tpu.memory_space<vmem>> -> memref<1x64x128xf32, #tpu.memory_space<vmem>>
        %dma_start3A_124 = tpu.memref_squeeze %dma_start3A_123 : memref<1x64x128xf32, #tpu.memory_space<vmem>> -> memref<64x128xf32, #tpu.memory_space<vmem>>
        %dma_start3A_125 = tpu.memref_slice %arg4[%mul3A_70, %add3A_59, %mul3A_23] : memref<50x1000x1024xf32, #tpu.memory_space<hbm>> -> memref<1x64x128xf32, #tpu.memory_space<hbm>>
        %dma_start3A_126 = tpu.memref_squeeze %dma_start3A_125 : memref<1x64x128xf32, #tpu.memory_space<hbm>> -> memref<64x128xf32, #tpu.memory_space<hbm>>
        %dma_start3A_127 = tpu.memref_slice %arg4[%mul3A_70, %add3A_59, %mul3A_23] : memref<50x1000x1024xf32, #tpu.memory_space<hbm>> -> memref<1x64x128xf32, #tpu.memory_space<hbm>>
        %dma_start3A_128 = tpu.memref_squeeze %dma_start3A_127 : memref<1x64x128xf32, #tpu.memory_space<hbm>> -> memref<64x128xf32, #tpu.memory_space<hbm>>
        %dma_start3A_129 = arith.constant 0 : i32
        %dma_start3A_130 = arith.constant 0 : i32
        %dma_start3A_131 = tpu.memref_slice %arg7[%dma_start3A, %dma_start3A_129, %dma_start3A_130] : memref<2x64x128xf32, #tpu.memory_space<vmem>> -> memref<1x64x128xf32, #tpu.memory_space<vmem>>
        %dma_start3A_132 = tpu.memref_squeeze %dma_start3A_131 : memref<1x64x128xf32, #tpu.memory_space<vmem>> -> memref<64x128xf32, #tpu.memory_space<vmem>>
        tpu.enqueue_dma source(%dma_start3A_132 : memref<64x128xf32, #tpu.memory_space<vmem>>) target(%dma_start3A_128 : memref<64x128xf32, #tpu.memory_space<hbm>>) target_semaphore(%arg8 : memref<!tpu.dma_semaphore, #tpu.memory_space<semaphore_mem>>)
        %mul3A_133 = arith.constant 2 : i32
        %mul3A_134 = arith.muli %mul3A_133, %scan3A_68 : i32
        %add3A_135 = arith.constant 1 : i32
        %add3A_136 = arith.addi %mul3A_134, %add3A_135 : i32
        %mul3A_137 = arith.constant 50 : i32
        %mul3A_138 = arith.muli %scan3A_56, %mul3A_137 : i32
        %add3A_139 = arith.addi %mul3A_138, %add3A_136 : i32
        %ge3A_140 = arith.constant 2 : i32
        %ge3A_141 = arith.cmpi sge, %add3A_139, %ge3A_140 : i32
        %convert_element_type3A_142 = arith.extui %ge3A_141 : i1 to i32
        %cond3A_143 = arith.constant 0 : i32
        %cond3A_144 = arith.cmpi ne, %convert_element_type3A_142, %cond3A_143 : i32
        scf.if %cond3A_144 {
          %dma_wait3A_204 = arith.constant 1 : i32
          %dma_wait3A_205 = arith.constant 0 : i32
          %dma_wait3A_206 = arith.constant 0 : i32
          %dma_wait3A_207 = arith.constant 0 : i32
          %dma_wait3A_208 = tpu.memref_slice %arg7[%dma_wait3A_204, %dma_wait3A_206, %dma_wait3A_207] : memref<2x64x128xf32, #tpu.memory_space<vmem>> -> memref<1x64x128xf32, #tpu.memory_space<vmem>>
          %dma_wait3A_209 = tpu.memref_squeeze %dma_wait3A_208 : memref<1x64x128xf32, #tpu.memory_space<vmem>> -> memref<64x128xf32, #tpu.memory_space<vmem>>
          %dma_wait3A_210 = tpu.memref_slice %arg4[%dma_wait3A_205, %min3A_21, %mul3A_23] : memref<50x1000x1024xf32, #tpu.memory_space<hbm>> -> memref<1x64x128xf32, #tpu.memory_space<hbm>>
          %dma_wait3A_211 = tpu.memref_squeeze %dma_wait3A_210 : memref<1x64x128xf32, #tpu.memory_space<hbm>> -> memref<64x128xf32, #tpu.memory_space<hbm>>
          %dma_wait3A_212 = tpu.memref_slice %arg4[%dma_wait3A_205, %min3A_21, %mul3A_23] : memref<50x1000x1024xf32, #tpu.memory_space<hbm>> -> memref<1x64x128xf32, #tpu.memory_space<hbm>>
          %dma_wait3A_213 = tpu.memref_squeeze %dma_wait3A_212 : memref<1x64x128xf32, #tpu.memory_space<hbm>> -> memref<64x128xf32, #tpu.memory_space<hbm>>
          %dma_wait3A_214 = arith.constant 0 : i32
          %dma_wait3A_215 = arith.constant 0 : i32
          %dma_wait3A_216 = tpu.memref_slice %arg7[%dma_wait3A_204, %dma_wait3A_214, %dma_wait3A_215] : memref<2x64x128xf32, #tpu.memory_space<vmem>> -> memref<1x64x128xf32, #tpu.memory_space<vmem>>
          %dma_wait3A_217 = tpu.memref_squeeze %dma_wait3A_216 : memref<1x64x128xf32, #tpu.memory_space<vmem>> -> memref<64x128xf32, #tpu.memory_space<vmem>>
          tpu.wait_dma2 semaphore(%arg9 : memref<!tpu.dma_semaphore, #tpu.memory_space<semaphore_mem>>) src(%dma_wait3A_217 : memref<64x128xf32, #tpu.memory_space<vmem>>) dst(%dma_wait3A_213 : memref<64x128xf32, #tpu.memory_space<hbm>>)
        } else {
        }
        %get3A_145 = arith.constant 0 : i32
        %get3A_146 = tpu.memref_slice %arg5[%add3A_136, %get3A_145] : memref<50x128xi32, #tpu.memory_space<vmem>> -> memref<1x128xi32, #tpu.memory_space<vmem>>
        %get3A_147 = tpu.memref_squeeze %get3A_146 : memref<1x128xi32, #tpu.memory_space<vmem>> -> memref<128xi32, #tpu.memory_space<vmem>>
        %get3A_148 = arith.constant 0 : index
        %get3A_149 = tpu.vector_load %get3A_147[%get3A_148] {strides = array<i32>} : memref<128xi32, #tpu.memory_space<vmem>>, vector<16xi32>,
        %get3A_150 = arith.constant 0 : i32
        %get3A_151 = tpu.memref_slice %arg5[%add3A_136, %get3A_150] : memref<50x128xi32, #tpu.memory_space<vmem>> -> memref<1x128xi32, #tpu.memory_space<vmem>>
        %get3A_152 = tpu.memref_squeeze %get3A_151 : memref<1x128xi32, #tpu.memory_space<vmem>> -> memref<128xi32, #tpu.memory_space<vmem>>
        %get3A_153 = arith.constant 16 : index
        %get3A_154 = tpu.vector_load %get3A_152[%get3A_153] {strides = array<i32>} : memref<128xi32, #tpu.memory_space<vmem>>, vector<16xi32>,
        %get3A_155 = arith.constant 0 : i32
        %get3A_156 = tpu.memref_slice %arg5[%add3A_136, %get3A_155] : memref<50x128xi32, #tpu.memory_space<vmem>> -> memref<1x128xi32, #tpu.memory_space<vmem>>
        %get3A_157 = tpu.memref_squeeze %get3A_156 : memref<1x128xi32, #tpu.memory_space<vmem>> -> memref<128xi32, #tpu.memory_space<vmem>>
        %get3A_158 = arith.constant 32 : index
        %get3A_159 = tpu.vector_load %get3A_157[%get3A_158] {strides = array<i32>} : memref<128xi32, #tpu.memory_space<vmem>>, vector<16xi32>,
        %get3A_160 = arith.constant 0 : i32
        %get3A_161 = tpu.memref_slice %arg5[%add3A_136, %get3A_160] : memref<50x128xi32, #tpu.memory_space<vmem>> -> memref<1x128xi32, #tpu.memory_space<vmem>>
        %get3A_162 = tpu.memref_squeeze %get3A_161 : memref<1x128xi32, #tpu.memory_space<vmem>> -> memref<128xi32, #tpu.memory_space<vmem>>
        %get3A_163 = arith.constant 48 : index
        %get3A_164 = tpu.vector_load %get3A_162[%get3A_163] {strides = array<i32>} : memref<128xi32, #tpu.memory_space<vmem>>, vector<16xi32>,
        %get3A_165 = arith.constant 0 : i32
        %get3A_166 = tpu.memref_slice %arg5[%add3A_136, %get3A_165] : memref<50x128xi32, #tpu.memory_space<vmem>> -> memref<1x128xi32, #tpu.memory_space<vmem>>
        %get3A_167 = tpu.memref_squeeze %get3A_166 : memref<1x128xi32, #tpu.memory_space<vmem>> -> memref<128xi32, #tpu.memory_space<vmem>>
        %get3A_168 = arith.constant 64 : index
        %get3A_169 = tpu.vector_load %get3A_167[%get3A_168] {strides = array<i32>} : memref<128xi32, #tpu.memory_space<vmem>>, vector<16xi32>,
        %get3A_170 = arith.constant 0 : i32
        %get3A_171 = tpu.memref_slice %arg5[%add3A_136, %get3A_170] : memref<50x128xi32, #tpu.memory_space<vmem>> -> memref<1x128xi32, #tpu.memory_space<vmem>>
        %get3A_172 = tpu.memref_squeeze %get3A_171 : memref<1x128xi32, #tpu.memory_space<vmem>> -> memref<128xi32, #tpu.memory_space<vmem>>
        %get3A_173 = arith.constant 80 : index
        %get3A_174 = tpu.vector_load %get3A_172[%get3A_173] {strides = array<i32>} : memref<128xi32, #tpu.memory_space<vmem>>, vector<16xi32>,
        %get3A_175 = arith.constant 0 : i32
        %get3A_176 = tpu.memref_slice %arg5[%add3A_136, %get3A_175] : memref<50x128xi32, #tpu.memory_space<vmem>> -> memref<1x128xi32, #tpu.memory_space<vmem>>
        %get3A_177 = tpu.memref_squeeze %get3A_176 : memref<1x128xi32, #tpu.memory_space<vmem>> -> memref<128xi32, #tpu.memory_space<vmem>>
        %get3A_178 = arith.constant 96 : index
        %get3A_179 = tpu.vector_load %get3A_177[%get3A_178] {strides = array<i32>} : memref<128xi32, #tpu.memory_space<vmem>>, vector<16xi32>,
        %get3A_180 = arith.constant 0 : i32
        %get3A_181 = tpu.memref_slice %arg5[%add3A_136, %get3A_180] : memref<50x128xi32, #tpu.memory_space<vmem>> -> memref<1x128xi32, #tpu.memory_space<vmem>>
        %get3A_182 = tpu.memref_squeeze %get3A_181 : memref<1x128xi32, #tpu.memory_space<vmem>> -> memref<128xi32, #tpu.memory_space<vmem>>
        %get3A_183 = arith.constant 112 : index
        %get3A_184 = tpu.vector_load %get3A_182[%get3A_183] {strides = array<i32>} : memref<128xi32, #tpu.memory_space<vmem>>, vector<16xi32>,
        %scan3A_185 = arith.constant 0 : i32
        %scan3A_186 = arith.constant 0 : i32
        %scan3A_187 = arith.constant 8 : i32
        %scan3A_188 = arith.addi %scan3A_186, %scan3A_187 : i32
        %scan3A_189 = arith.constant 1 : i32
        scf.for %scan3A_204 = %scan3A_186 to %scan3A_188 step %scan3A_189  : i32 {
          %mul3A_205 = arith.constant 8 : i32
          %mul3A_206 = arith.muli %mul3A_205, %scan3A_204 : i32
          %add3A_207 = arith.constant 0 : i32
          %add3A_208 = arith.addi %mul3A_206, %add3A_207 : i32
          %mul3A_209 = arith.constant 1024 : i32
          %mul3A_210 = arith.muli %add3A_208, %mul3A_209 : i32
          %add3A_211 = vector.broadcast %mul3A_210 : i32 to vector<16xi32>
          %add3A_212 = arith.addi %get3A_149, %add3A_211 : vector<16xi32>
          %gather3A = tpu.vector_load_idx %arg6[%add3A_212] : memref<65536xf32, #tpu.memory_space<vmem>>[vector<16xi32>], vector<16xf32>,
          %add3A_213 = vector.broadcast %mul3A_210 : i32 to vector<16xi32>
          %add3A_214 = arith.addi %get3A_154, %add3A_213 : vector<16xi32>
          %gather3A_215 = tpu.vector_load_idx %arg6[%add3A_214] : memref<65536xf32, #tpu.memory_space<vmem>>[vector<16xi32>], vector<16xf32>,
          %add3A_216 = vector.broadcast %mul3A_210 : i32 to vector<16xi32>
          %add3A_217 = arith.addi %get3A_159, %add3A_216 : vector<16xi32>
          %gather3A_218 = tpu.vector_load_idx %arg6[%add3A_217] : memref<65536xf32, #tpu.memory_space<vmem>>[vector<16xi32>], vector<16xf32>,
          %add3A_219 = vector.broadcast %mul3A_210 : i32 to vector<16xi32>
          %add3A_220 = arith.addi %get3A_164, %add3A_219 : vector<16xi32>
          %gather3A_221 = tpu.vector_load_idx %arg6[%add3A_220] : memref<65536xf32, #tpu.memory_space<vmem>>[vector<16xi32>], vector<16xf32>,
          %add3A_222 = vector.broadcast %mul3A_210 : i32 to vector<16xi32>
          %add3A_223 = arith.addi %get3A_169, %add3A_222 : vector<16xi32>
          %gather3A_224 = tpu.vector_load_idx %arg6[%add3A_223] : memref<65536xf32, #tpu.memory_space<vmem>>[vector<16xi32>], vector<16xf32>,
          %add3A_225 = vector.broadcast %mul3A_210 : i32 to vector<16xi32>
          %add3A_226 = arith.addi %get3A_174, %add3A_225 : vector<16xi32>
          %gather3A_227 = tpu.vector_load_idx %arg6[%add3A_226] : memref<65536xf32, #tpu.memory_space<vmem>>[vector<16xi32>], vector<16xf32>,
          %add3A_228 = vector.broadcast %mul3A_210 : i32 to vector<16xi32>
          %add3A_229 = arith.addi %get3A_179, %add3A_228 : vector<16xi32>
          %gather3A_230 = tpu.vector_load_idx %arg6[%add3A_229] : memref<65536xf32, #tpu.memory_space<vmem>>[vector<16xi32>], vector<16xf32>,
          %add3A_231 = vector.broadcast %mul3A_210 : i32 to vector<16xi32>
          %add3A_232 = arith.addi %get3A_184, %add3A_231 : vector<16xi32>
          %gather3A_233 = tpu.vector_load_idx %arg6[%add3A_232] : memref<65536xf32, #tpu.memory_space<vmem>>[vector<16xi32>], vector<16xf32>,
          %add3A_234 = arith.constant 1 : i32
          %add3A_235 = arith.addi %mul3A_206, %add3A_234 : i32
          %mul3A_236 = arith.constant 1024 : i32
          %mul3A_237 = arith.muli %add3A_235, %mul3A_236 : i32
          %add3A_238 = vector.broadcast %mul3A_237 : i32 to vector<16xi32>
          %add3A_239 = arith.addi %get3A_149, %add3A_238 : vector<16xi32>
          %gather3A_240 = tpu.vector_load_idx %arg6[%add3A_239] : memref<65536xf32, #tpu.memory_space<vmem>>[vector<16xi32>], vector<16xf32>,
          %add3A_241 = vector.broadcast %mul3A_237 : i32 to vector<16xi32>
          %add3A_242 = arith.addi %get3A_154, %add3A_241 : vector<16xi32>
          %gather3A_243 = tpu.vector_load_idx %arg6[%add3A_242] : memref<65536xf32, #tpu.memory_space<vmem>>[vector<16xi32>], vector<16xf32>,
          %add3A_244 = vector.broadcast %mul3A_237 : i32 to vector<16xi32>
          %add3A_245 = arith.addi %get3A_159, %add3A_244 : vector<16xi32>
          %gather3A_246 = tpu.vector_load_idx %arg6[%add3A_245] : memref<65536xf32, #tpu.memory_space<vmem>>[vector<16xi32>], vector<16xf32>,
          %add3A_247 = vector.broadcast %mul3A_237 : i32 to vector<16xi32>
          %add3A_248 = arith.addi %get3A_164, %add3A_247 : vector<16xi32>
          %gather3A_249 = tpu.vector_load_idx %arg6[%add3A_248] : memref<65536xf32, #tpu.memory_space<vmem>>[vector<16xi32>], vector<16xf32>,
          %add3A_250 = vector.broadcast %mul3A_237 : i32 to vector<16xi32>
          %add3A_251 = arith.addi %get3A_169, %add3A_250 : vector<16xi32>
          %gather3A_252 = tpu.vector_load_idx %arg6[%add3A_251] : memref<65536xf32, #tpu.memory_space<vmem>>[vector<16xi32>], vector<16xf32>,
          %add3A_253 = vector.broadcast %mul3A_237 : i32 to vector<16xi32>
          %add3A_254 = arith.addi %get3A_174, %add3A_253 : vector<16xi32>
          %gather3A_255 = tpu.vector_load_idx %arg6[%add3A_254] : memref<65536xf32, #tpu.memory_space<vmem>>[vector<16xi32>], vector<16xf32>,
          %add3A_256 = vector.broadcast %mul3A_237 : i32 to vector<16xi32>
          %add3A_257 = arith.addi %get3A_179, %add3A_256 : vector<16xi32>
          %gather3A_258 = tpu.vector_load_idx %arg6[%add3A_257] : memref<65536xf32, #tpu.memory_space<vmem>>[vector<16xi32>], vector<16xf32>,
          %add3A_259 = vector.broadcast %mul3A_237 : i32 to vector<16xi32>
          %add3A_260 = arith.addi %get3A_184, %add3A_259 : vector<16xi32>
          %gather3A_261 = tpu.vector_load_idx %arg6[%add3A_260] : memref<65536xf32, #tpu.memory_space<vmem>>[vector<16xi32>], vector<16xf32>,
          %add3A_262 = arith.constant 2 : i32
          %add3A_263 = arith.addi %mul3A_206, %add3A_262 : i32
          %mul3A_264 = arith.constant 1024 : i32
          %mul3A_265 = arith.muli %add3A_263, %mul3A_264 : i32
          %add3A_266 = vector.broadcast %mul3A_265 : i32 to vector<16xi32>
          %add3A_267 = arith.addi %get3A_149, %add3A_266 : vector<16xi32>
          %gather3A_268 = tpu.vector_load_idx %arg6[%add3A_267] : memref<65536xf32, #tpu.memory_space<vmem>>[vector<16xi32>], vector<16xf32>,
          %add3A_269 = vector.broadcast %mul3A_265 : i32 to vector<16xi32>
          %add3A_270 = arith.addi %get3A_154, %add3A_269 : vector<16xi32>
          %gather3A_271 = tpu.vector_load_idx %arg6[%add3A_270] : memref<65536xf32, #tpu.memory_space<vmem>>[vector<16xi32>], vector<16xf32>,
          %add3A_272 = vector.broadcast %mul3A_265 : i32 to vector<16xi32>
          %add3A_273 = arith.addi %get3A_159, %add3A_272 : vector<16xi32>
          %gather3A_274 = tpu.vector_load_idx %arg6[%add3A_273] : memref<65536xf32, #tpu.memory_space<vmem>>[vector<16xi32>], vector<16xf32>,
          %add3A_275 = vector.broadcast %mul3A_265 : i32 to vector<16xi32>
          %add3A_276 = arith.addi %get3A_164, %add3A_275 : vector<16xi32>
          %gather3A_277 = tpu.vector_load_idx %arg6[%add3A_276] : memref<65536xf32, #tpu.memory_space<vmem>>[vector<16xi32>], vector<16xf32>,
          %add3A_278 = vector.broadcast %mul3A_265 : i32 to vector<16xi32>
          %add3A_279 = arith.addi %get3A_169, %add3A_278 : vector<16xi32>
          %gather3A_280 = tpu.vector_load_idx %arg6[%add3A_279] : memref<65536xf32, #tpu.memory_space<vmem>>[vector<16xi32>], vector<16xf32>,
          %add3A_281 = vector.broadcast %mul3A_265 : i32 to vector<16xi32>
          %add3A_282 = arith.addi %get3A_174, %add3A_281 : vector<16xi32>
          %gather3A_283 = tpu.vector_load_idx %arg6[%add3A_282] : memref<65536xf32, #tpu.memory_space<vmem>>[vector<16xi32>], vector<16xf32>,
          %add3A_284 = vector.broadcast %mul3A_265 : i32 to vector<16xi32>
          %add3A_285 = arith.addi %get3A_179, %add3A_284 : vector<16xi32>
          %gather3A_286 = tpu.vector_load_idx %arg6[%add3A_285] : memref<65536xf32, #tpu.memory_space<vmem>>[vector<16xi32>], vector<16xf32>,
          %add3A_287 = vector.broadcast %mul3A_265 : i32 to vector<16xi32>
          %add3A_288 = arith.addi %get3A_184, %add3A_287 : vector<16xi32>
          %gather3A_289 = tpu.vector_load_idx %arg6[%add3A_288] : memref<65536xf32, #tpu.memory_space<vmem>>[vector<16xi32>], vector<16xf32>,
          %add3A_290 = arith.constant 3 : i32
          %add3A_291 = arith.addi %mul3A_206, %add3A_290 : i32
          %mul3A_292 = arith.constant 1024 : i32
          %mul3A_293 = arith.muli %add3A_291, %mul3A_292 : i32
          %add3A_294 = vector.broadcast %mul3A_293 : i32 to vector<16xi32>
          %add3A_295 = arith.addi %get3A_149, %add3A_294 : vector<16xi32>
          %gather3A_296 = tpu.vector_load_idx %arg6[%add3A_295] : memref<65536xf32, #tpu.memory_space<vmem>>[vector<16xi32>], vector<16xf32>,
          %add3A_297 = vector.broadcast %mul3A_293 : i32 to vector<16xi32>
          %add3A_298 = arith.addi %get3A_154, %add3A_297 : vector<16xi32>
          %gather3A_299 = tpu.vector_load_idx %arg6[%add3A_298] : memref<65536xf32, #tpu.memory_space<vmem>>[vector<16xi32>], vector<16xf32>,
          %add3A_300 = vector.broadcast %mul3A_293 : i32 to vector<16xi32>
          %add3A_301 = arith.addi %get3A_159, %add3A_300 : vector<16xi32>
          %gather3A_302 = tpu.vector_load_idx %arg6[%add3A_301] : memref<65536xf32, #tpu.memory_space<vmem>>[vector<16xi32>], vector<16xf32>,
          %add3A_303 = vector.broadcast %mul3A_293 : i32 to vector<16xi32>
          %add3A_304 = arith.addi %get3A_164, %add3A_303 : vector<16xi32>
          %gather3A_305 = tpu.vector_load_idx %arg6[%add3A_304] : memref<65536xf32, #tpu.memory_space<vmem>>[vector<16xi32>], vector<16xf32>,
          %add3A_306 = vector.broadcast %mul3A_293 : i32 to vector<16xi32>
          %add3A_307 = arith.addi %get3A_169, %add3A_306 : vector<16xi32>
          %gather3A_308 = tpu.vector_load_idx %arg6[%add3A_307] : memref<65536xf32, #tpu.memory_space<vmem>>[vector<16xi32>], vector<16xf32>,
          %add3A_309 = vector.broadcast %mul3A_293 : i32 to vector<16xi32>
          %add3A_310 = arith.addi %get3A_174, %add3A_309 : vector<16xi32>
          %gather3A_311 = tpu.vector_load_idx %arg6[%add3A_310] : memref<65536xf32, #tpu.memory_space<vmem>>[vector<16xi32>], vector<16xf32>,
          %add3A_312 = vector.broadcast %mul3A_293 : i32 to vector<16xi32>
          %add3A_313 = arith.addi %get3A_179, %add3A_312 : vector<16xi32>
          %gather3A_314 = tpu.vector_load_idx %arg6[%add3A_313] : memref<65536xf32, #tpu.memory_space<vmem>>[vector<16xi32>], vector<16xf32>,
          %add3A_315 = vector.broadcast %mul3A_293 : i32 to vector<16xi32>
          %add3A_316 = arith.addi %get3A_184, %add3A_315 : vector<16xi32>
          %gather3A_317 = tpu.vector_load_idx %arg6[%add3A_316] : memref<65536xf32, #tpu.memory_space<vmem>>[vector<16xi32>], vector<16xf32>,
          %add3A_318 = arith.constant 4 : i32
          %add3A_319 = arith.addi %mul3A_206, %add3A_318 : i32
          %mul3A_320 = arith.constant 1024 : i32
          %mul3A_321 = arith.muli %add3A_319, %mul3A_320 : i32
          %add3A_322 = vector.broadcast %mul3A_321 : i32 to vector<16xi32>
          %add3A_323 = arith.addi %get3A_149, %add3A_322 : vector<16xi32>
          %gather3A_324 = tpu.vector_load_idx %arg6[%add3A_323] : memref<65536xf32, #tpu.memory_space<vmem>>[vector<16xi32>], vector<16xf32>,
          %add3A_325 = vector.broadcast %mul3A_321 : i32 to vector<16xi32>
          %add3A_326 = arith.addi %get3A_154, %add3A_325 : vector<16xi32>
          %gather3A_327 = tpu.vector_load_idx %arg6[%add3A_326] : memref<65536xf32, #tpu.memory_space<vmem>>[vector<16xi32>], vector<16xf32>,
          %add3A_328 = vector.broadcast %mul3A_321 : i32 to vector<16xi32>
          %add3A_329 = arith.addi %get3A_159, %add3A_328 : vector<16xi32>
          %gather3A_330 = tpu.vector_load_idx %arg6[%add3A_329] : memref<65536xf32, #tpu.memory_space<vmem>>[vector<16xi32>], vector<16xf32>,
          %add3A_331 = vector.broadcast %mul3A_321 : i32 to vector<16xi32>
          %add3A_332 = arith.addi %get3A_164, %add3A_331 : vector<16xi32>
          %gather3A_333 = tpu.vector_load_idx %arg6[%add3A_332] : memref<65536xf32, #tpu.memory_space<vmem>>[vector<16xi32>], vector<16xf32>,
          %add3A_334 = vector.broadcast %mul3A_321 : i32 to vector<16xi32>
          %add3A_335 = arith.addi %get3A_169, %add3A_334 : vector<16xi32>
          %gather3A_336 = tpu.vector_load_idx %arg6[%add3A_335] : memref<65536xf32, #tpu.memory_space<vmem>>[vector<16xi32>], vector<16xf32>,
          %add3A_337 = vector.broadcast %mul3A_321 : i32 to vector<16xi32>
          %add3A_338 = arith.addi %get3A_174, %add3A_337 : vector<16xi32>
          %gather3A_339 = tpu.vector_load_idx %arg6[%add3A_338] : memref<65536xf32, #tpu.memory_space<vmem>>[vector<16xi32>], vector<16xf32>,
          %add3A_340 = vector.broadcast %mul3A_321 : i32 to vector<16xi32>
          %add3A_341 = arith.addi %get3A_179, %add3A_340 : vector<16xi32>
          %gather3A_342 = tpu.vector_load_idx %arg6[%add3A_341] : memref<65536xf32, #tpu.memory_space<vmem>>[vector<16xi32>], vector<16xf32>,
          %add3A_343 = vector.broadcast %mul3A_321 : i32 to vector<16xi32>
          %add3A_344 = arith.addi %get3A_184, %add3A_343 : vector<16xi32>
          %gather3A_345 = tpu.vector_load_idx %arg6[%add3A_344] : memref<65536xf32, #tpu.memory_space<vmem>>[vector<16xi32>], vector<16xf32>,
          %add3A_346 = arith.constant 5 : i32
          %add3A_347 = arith.addi %mul3A_206, %add3A_346 : i32
          %mul3A_348 = arith.constant 1024 : i32
          %mul3A_349 = arith.muli %add3A_347, %mul3A_348 : i32
          %add3A_350 = vector.broadcast %mul3A_349 : i32 to vector<16xi32>
          %add3A_351 = arith.addi %get3A_149, %add3A_350 : vector<16xi32>
          %gather3A_352 = tpu.vector_load_idx %arg6[%add3A_351] : memref<65536xf32, #tpu.memory_space<vmem>>[vector<16xi32>], vector<16xf32>,
          %add3A_353 = vector.broadcast %mul3A_349 : i32 to vector<16xi32>
          %add3A_354 = arith.addi %get3A_154, %add3A_353 : vector<16xi32>
          %gather3A_355 = tpu.vector_load_idx %arg6[%add3A_354] : memref<65536xf32, #tpu.memory_space<vmem>>[vector<16xi32>], vector<16xf32>,
          %add3A_356 = vector.broadcast %mul3A_349 : i32 to vector<16xi32>
          %add3A_357 = arith.addi %get3A_159, %add3A_356 : vector<16xi32>
          %gather3A_358 = tpu.vector_load_idx %arg6[%add3A_357] : memref<65536xf32, #tpu.memory_space<vmem>>[vector<16xi32>], vector<16xf32>,
          %add3A_359 = vector.broadcast %mul3A_349 : i32 to vector<16xi32>
          %add3A_360 = arith.addi %get3A_164, %add3A_359 : vector<16xi32>
          %gather3A_361 = tpu.vector_load_idx %arg6[%add3A_360] : memref<65536xf32, #tpu.memory_space<vmem>>[vector<16xi32>], vector<16xf32>,
          %add3A_362 = vector.broadcast %mul3A_349 : i32 to vector<16xi32>
          %add3A_363 = arith.addi %get3A_169, %add3A_362 : vector<16xi32>
          %gather3A_364 = tpu.vector_load_idx %arg6[%add3A_363] : memref<65536xf32, #tpu.memory_space<vmem>>[vector<16xi32>], vector<16xf32>,
          %add3A_365 = vector.broadcast %mul3A_349 : i32 to vector<16xi32>
          %add3A_366 = arith.addi %get3A_174, %add3A_365 : vector<16xi32>
          %gather3A_367 = tpu.vector_load_idx %arg6[%add3A_366] : memref<65536xf32, #tpu.memory_space<vmem>>[vector<16xi32>], vector<16xf32>,
          %add3A_368 = vector.broadcast %mul3A_349 : i32 to vector<16xi32>
          %add3A_369 = arith.addi %get3A_179, %add3A_368 : vector<16xi32>
          %gather3A_370 = tpu.vector_load_idx %arg6[%add3A_369] : memref<65536xf32, #tpu.memory_space<vmem>>[vector<16xi32>], vector<16xf32>,
          %add3A_371 = vector.broadcast %mul3A_349 : i32 to vector<16xi32>
          %add3A_372 = arith.addi %get3A_184, %add3A_371 : vector<16xi32>
          %gather3A_373 = tpu.vector_load_idx %arg6[%add3A_372] : memref<65536xf32, #tpu.memory_space<vmem>>[vector<16xi32>], vector<16xf32>,
          %add3A_374 = arith.constant 6 : i32
          %add3A_375 = arith.addi %mul3A_206, %add3A_374 : i32
          %mul3A_376 = arith.constant 1024 : i32
          %mul3A_377 = arith.muli %add3A_375, %mul3A_376 : i32
          %add3A_378 = vector.broadcast %mul3A_377 : i32 to vector<16xi32>
          %add3A_379 = arith.addi %get3A_149, %add3A_378 : vector<16xi32>
          %gather3A_380 = tpu.vector_load_idx %arg6[%add3A_379] : memref<65536xf32, #tpu.memory_space<vmem>>[vector<16xi32>], vector<16xf32>,
          %add3A_381 = vector.broadcast %mul3A_377 : i32 to vector<16xi32>
          %add3A_382 = arith.addi %get3A_154, %add3A_381 : vector<16xi32>
          %gather3A_383 = tpu.vector_load_idx %arg6[%add3A_382] : memref<65536xf32, #tpu.memory_space<vmem>>[vector<16xi32>], vector<16xf32>,
          %add3A_384 = vector.broadcast %mul3A_377 : i32 to vector<16xi32>
          %add3A_385 = arith.addi %get3A_159, %add3A_384 : vector<16xi32>
          %gather3A_386 = tpu.vector_load_idx %arg6[%add3A_385] : memref<65536xf32, #tpu.memory_space<vmem>>[vector<16xi32>], vector<16xf32>,
          %add3A_387 = vector.broadcast %mul3A_377 : i32 to vector<16xi32>
          %add3A_388 = arith.addi %get3A_164, %add3A_387 : vector<16xi32>
          %gather3A_389 = tpu.vector_load_idx %arg6[%add3A_388] : memref<65536xf32, #tpu.memory_space<vmem>>[vector<16xi32>], vector<16xf32>,
          %add3A_390 = vector.broadcast %mul3A_377 : i32 to vector<16xi32>
          %add3A_391 = arith.addi %get3A_169, %add3A_390 : vector<16xi32>
          %gather3A_392 = tpu.vector_load_idx %arg6[%add3A_391] : memref<65536xf32, #tpu.memory_space<vmem>>[vector<16xi32>], vector<16xf32>,
          %add3A_393 = vector.broadcast %mul3A_377 : i32 to vector<16xi32>
          %add3A_394 = arith.addi %get3A_174, %add3A_393 : vector<16xi32>
          %gather3A_395 = tpu.vector_load_idx %arg6[%add3A_394] : memref<65536xf32, #tpu.memory_space<vmem>>[vector<16xi32>], vector<16xf32>,
          %add3A_396 = vector.broadcast %mul3A_377 : i32 to vector<16xi32>
          %add3A_397 = arith.addi %get3A_179, %add3A_396 : vector<16xi32>
          %gather3A_398 = tpu.vector_load_idx %arg6[%add3A_397] : memref<65536xf32, #tpu.memory_space<vmem>>[vector<16xi32>], vector<16xf32>,
          %add3A_399 = vector.broadcast %mul3A_377 : i32 to vector<16xi32>
          %add3A_400 = arith.addi %get3A_184, %add3A_399 : vector<16xi32>
          %gather3A_401 = tpu.vector_load_idx %arg6[%add3A_400] : memref<65536xf32, #tpu.memory_space<vmem>>[vector<16xi32>], vector<16xf32>,
          %add3A_402 = arith.constant 7 : i32
          %add3A_403 = arith.addi %mul3A_206, %add3A_402 : i32
          %mul3A_404 = arith.constant 1024 : i32
          %mul3A_405 = arith.muli %add3A_403, %mul3A_404 : i32
          %add3A_406 = vector.broadcast %mul3A_405 : i32 to vector<16xi32>
          %add3A_407 = arith.addi %get3A_149, %add3A_406 : vector<16xi32>
          %gather3A_408 = tpu.vector_load_idx %arg6[%add3A_407] : memref<65536xf32, #tpu.memory_space<vmem>>[vector<16xi32>], vector<16xf32>,
          %add3A_409 = vector.broadcast %mul3A_405 : i32 to vector<16xi32>
          %add3A_410 = arith.addi %get3A_154, %add3A_409 : vector<16xi32>
          %gather3A_411 = tpu.vector_load_idx %arg6[%add3A_410] : memref<65536xf32, #tpu.memory_space<vmem>>[vector<16xi32>], vector<16xf32>,
          %add3A_412 = vector.broadcast %mul3A_405 : i32 to vector<16xi32>
          %add3A_413 = arith.addi %get3A_159, %add3A_412 : vector<16xi32>
          %gather3A_414 = tpu.vector_load_idx %arg6[%add3A_413] : memref<65536xf32, #tpu.memory_space<vmem>>[vector<16xi32>], vector<16xf32>,
          %add3A_415 = vector.broadcast %mul3A_405 : i32 to vector<16xi32>
          %add3A_416 = arith.addi %get3A_164, %add3A_415 : vector<16xi32>
          %gather3A_417 = tpu.vector_load_idx %arg6[%add3A_416] : memref<65536xf32, #tpu.memory_space<vmem>>[vector<16xi32>], vector<16xf32>,
          %add3A_418 = vector.broadcast %mul3A_405 : i32 to vector<16xi32>
          %add3A_419 = arith.addi %get3A_169, %add3A_418 : vector<16xi32>
          %gather3A_420 = tpu.vector_load_idx %arg6[%add3A_419] : memref<65536xf32, #tpu.memory_space<vmem>>[vector<16xi32>], vector<16xf32>,
          %add3A_421 = vector.broadcast %mul3A_405 : i32 to vector<16xi32>
          %add3A_422 = arith.addi %get3A_174, %add3A_421 : vector<16xi32>
          %gather3A_423 = tpu.vector_load_idx %arg6[%add3A_422] : memref<65536xf32, #tpu.memory_space<vmem>>[vector<16xi32>], vector<16xf32>,
          %add3A_424 = vector.broadcast %mul3A_405 : i32 to vector<16xi32>
          %add3A_425 = arith.addi %get3A_179, %add3A_424 : vector<16xi32>
          %gather3A_426 = tpu.vector_load_idx %arg6[%add3A_425] : memref<65536xf32, #tpu.memory_space<vmem>>[vector<16xi32>], vector<16xf32>,
          %add3A_427 = vector.broadcast %mul3A_405 : i32 to vector<16xi32>
          %add3A_428 = arith.addi %get3A_184, %add3A_427 : vector<16xi32>
          %gather3A_429 = tpu.vector_load_idx %arg6[%add3A_428] : memref<65536xf32, #tpu.memory_space<vmem>>[vector<16xi32>], vector<16xf32>,
          %add3A_430 = arith.constant 0 : i32
          %add3A_431 = arith.addi %mul3A_206, %add3A_430 : i32
          %swap3A = arith.constant 1 : i32
          %swap3A_432 = arith.constant 0 : i32
          %swap3A_433 = tpu.memref_slice %arg7[%swap3A, %add3A_431, %swap3A_432] : memref<2x64x128xf32, #tpu.memory_space<vmem>> -> memref<1x1x128xf32, #tpu.memory_space<vmem>>
          %swap3A_434 = tpu.memref_squeeze %swap3A_433 : memref<1x1x128xf32, #tpu.memory_space<vmem>> -> memref<128xf32, #tpu.memory_space<vmem>>
          %swap3A_435 = arith.constant 0 : index
          %swap3A_436 = tpu.vector_load %swap3A_434[%swap3A_435] {strides = array<i32>} : memref<128xf32, #tpu.memory_space<vmem>>, vector<16xf32>,
          tpu.vector_store %swap3A_434[%swap3A_435], %gather3A {strides = array<i32>} : memref<128xf32, #tpu.memory_space<vmem>>, vector<16xf32>,
          %swap3A_437 = arith.constant 1 : i32
          %swap3A_438 = arith.constant 0 : i32
          %swap3A_439 = tpu.memref_slice %arg7[%swap3A_437, %add3A_431, %swap3A_438] : memref<2x64x128xf32, #tpu.memory_space<vmem>> -> memref<1x1x128xf32, #tpu.memory_space<vmem>>
          %swap3A_440 = tpu.memref_squeeze %swap3A_439 : memref<1x1x128xf32, #tpu.memory_space<vmem>> -> memref<128xf32, #tpu.memory_space<vmem>>
          %swap3A_441 = arith.constant 16 : index
          %swap3A_442 = tpu.vector_load %swap3A_440[%swap3A_441] {strides = array<i32>} : memref<128xf32, #tpu.memory_space<vmem>>, vector<16xf32>,
          tpu.vector_store %swap3A_440[%swap3A_441], %gather3A_215 {strides = array<i32>} : memref<128xf32, #tpu.memory_space<vmem>>, vector<16xf32>,
          %swap3A_443 = arith.constant 1 : i32
          %swap3A_444 = arith.constant 0 : i32
          %swap3A_445 = tpu.memref_slice %arg7[%swap3A_443, %add3A_431, %swap3A_444] : memref<2x64x128xf32, #tpu.memory_space<vmem>> -> memref<1x1x128xf32, #tpu.memory_space<vmem>>
          %swap3A_446 = tpu.memref_squeeze %swap3A_445 : memref<1x1x128xf32, #tpu.memory_space<vmem>> -> memref<128xf32, #tpu.memory_space<vmem>>
          %swap3A_447 = arith.constant 32 : index
          %swap3A_448 = tpu.vector_load %swap3A_446[%swap3A_447] {strides = array<i32>} : memref<128xf32, #tpu.memory_space<vmem>>, vector<16xf32>,
          tpu.vector_store %swap3A_446[%swap3A_447], %gather3A_218 {strides = array<i32>} : memref<128xf32, #tpu.memory_space<vmem>>, vector<16xf32>,
          %swap3A_449 = arith.constant 1 : i32
          %swap3A_450 = arith.constant 0 : i32
          %swap3A_451 = tpu.memref_slice %arg7[%swap3A_449, %add3A_431, %swap3A_450] : memref<2x64x128xf32, #tpu.memory_space<vmem>> -> memref<1x1x128xf32, #tpu.memory_space<vmem>>
          %swap3A_452 = tpu.memref_squeeze %swap3A_451 : memref<1x1x128xf32, #tpu.memory_space<vmem>> -> memref<128xf32, #tpu.memory_space<vmem>>
          %swap3A_453 = arith.constant 48 : index
          %swap3A_454 = tpu.vector_load %swap3A_452[%swap3A_453] {strides = array<i32>} : memref<128xf32, #tpu.memory_space<vmem>>, vector<16xf32>,
          tpu.vector_store %swap3A_452[%swap3A_453], %gather3A_221 {strides = array<i32>} : memref<128xf32, #tpu.memory_space<vmem>>, vector<16xf32>,
          %swap3A_455 = arith.constant 1 : i32
          %swap3A_456 = arith.constant 0 : i32
          %swap3A_457 = tpu.memref_slice %arg7[%swap3A_455, %add3A_431, %swap3A_456] : memref<2x64x128xf32, #tpu.memory_space<vmem>> -> memref<1x1x128xf32, #tpu.memory_space<vmem>>
          %swap3A_458 = tpu.memref_squeeze %swap3A_457 : memref<1x1x128xf32, #tpu.memory_space<vmem>> -> memref<128xf32, #tpu.memory_space<vmem>>
          %swap3A_459 = arith.constant 64 : index
          %swap3A_460 = tpu.vector_load %swap3A_458[%swap3A_459] {strides = array<i32>} : memref<128xf32, #tpu.memory_space<vmem>>, vector<16xf32>,
          tpu.vector_store %swap3A_458[%swap3A_459], %gather3A_224 {strides = array<i32>} : memref<128xf32, #tpu.memory_space<vmem>>, vector<16xf32>,
          %swap3A_461 = arith.constant 1 : i32
          %swap3A_462 = arith.constant 0 : i32
          %swap3A_463 = tpu.memref_slice %arg7[%swap3A_461, %add3A_431, %swap3A_462] : memref<2x64x128xf32, #tpu.memory_space<vmem>> -> memref<1x1x128xf32, #tpu.memory_space<vmem>>
          %swap3A_464 = tpu.memref_squeeze %swap3A_463 : memref<1x1x128xf32, #tpu.memory_space<vmem>> -> memref<128xf32, #tpu.memory_space<vmem>>
          %swap3A_465 = arith.constant 80 : index
          %swap3A_466 = tpu.vector_load %swap3A_464[%swap3A_465] {strides = array<i32>} : memref<128xf32, #tpu.memory_space<vmem>>, vector<16xf32>,
          tpu.vector_store %swap3A_464[%swap3A_465], %gather3A_227 {strides = array<i32>} : memref<128xf32, #tpu.memory_space<vmem>>, vector<16xf32>,
          %swap3A_467 = arith.constant 1 : i32
          %swap3A_468 = arith.constant 0 : i32
          %swap3A_469 = tpu.memref_slice %arg7[%swap3A_467, %add3A_431, %swap3A_468] : memref<2x64x128xf32, #tpu.memory_space<vmem>> -> memref<1x1x128xf32, #tpu.memory_space<vmem>>
          %swap3A_470 = tpu.memref_squeeze %swap3A_469 : memref<1x1x128xf32, #tpu.memory_space<vmem>> -> memref<128xf32, #tpu.memory_space<vmem>>
          %swap3A_471 = arith.constant 96 : index
          %swap3A_472 = tpu.vector_load %swap3A_470[%swap3A_471] {strides = array<i32>} : memref<128xf32, #tpu.memory_space<vmem>>, vector<16xf32>,
          tpu.vector_store %swap3A_470[%swap3A_471], %gather3A_230 {strides = array<i32>} : memref<128xf32, #tpu.memory_space<vmem>>, vector<16xf32>,
          %swap3A_473 = arith.constant 1 : i32
          %swap3A_474 = arith.constant 0 : i32
          %swap3A_475 = tpu.memref_slice %arg7[%swap3A_473, %add3A_431, %swap3A_474] : memref<2x64x128xf32, #tpu.memory_space<vmem>> -> memref<1x1x128xf32, #tpu.memory_space<vmem>>
          %swap3A_476 = tpu.memref_squeeze %swap3A_475 : memref<1x1x128xf32, #tpu.memory_space<vmem>> -> memref<128xf32, #tpu.memory_space<vmem>>
          %swap3A_477 = arith.constant 112 : index
          %swap3A_478 = tpu.vector_load %swap3A_476[%swap3A_477] {strides = array<i32>} : memref<128xf32, #tpu.memory_space<vmem>>, vector<16xf32>,
          tpu.vector_store %swap3A_476[%swap3A_477], %gather3A_233 {strides = array<i32>} : memref<128xf32, #tpu.memory_space<vmem>>, vector<16xf32>,
          %add3A_479 = arith.constant 1 : i32
          %add3A_480 = arith.addi %mul3A_206, %add3A_479 : i32
          %swap3A_481 = arith.constant 1 : i32
          %swap3A_482 = arith.constant 0 : i32
          %swap3A_483 = tpu.memref_slice %arg7[%swap3A_481, %add3A_480, %swap3A_482] : memref<2x64x128xf32, #tpu.memory_space<vmem>> -> memref<1x1x128xf32, #tpu.memory_space<vmem>>
          %swap3A_484 = tpu.memref_squeeze %swap3A_483 : memref<1x1x128xf32, #tpu.memory_space<vmem>> -> memref<128xf32, #tpu.memory_space<vmem>>
          %swap3A_485 = arith.constant 0 : index
          %swap3A_486 = tpu.vector_load %swap3A_484[%swap3A_485] {strides = array<i32>} : memref<128xf32, #tpu.memory_space<vmem>>, vector<16xf32>,
          tpu.vector_store %swap3A_484[%swap3A_485], %gather3A_240 {strides = array<i32>} : memref<128xf32, #tpu.memory_space<vmem>>, vector<16xf32>,
          %swap3A_487 = arith.constant 1 : i32
          %swap3A_488 = arith.constant 0 : i32
          %swap3A_489 = tpu.memref_slice %arg7[%swap3A_487, %add3A_480, %swap3A_488] : memref<2x64x128xf32, #tpu.memory_space<vmem>> -> memref<1x1x128xf32, #tpu.memory_space<vmem>>
          %swap3A_490 = tpu.memref_squeeze %swap3A_489 : memref<1x1x128xf32, #tpu.memory_space<vmem>> -> memref<128xf32, #tpu.memory_space<vmem>>
          %swap3A_491 = arith.constant 16 : index
          %swap3A_492 = tpu.vector_load %swap3A_490[%swap3A_491] {strides = array<i32>} : memref<128xf32, #tpu.memory_space<vmem>>, vector<16xf32>,
          tpu.vector_store %swap3A_490[%swap3A_491], %gather3A_243 {strides = array<i32>} : memref<128xf32, #tpu.memory_space<vmem>>, vector<16xf32>,
          %swap3A_493 = arith.constant 1 : i32
          %swap3A_494 = arith.constant 0 : i32
          %swap3A_495 = tpu.memref_slice %arg7[%swap3A_493, %add3A_480, %swap3A_494] : memref<2x64x128xf32, #tpu.memory_space<vmem>> -> memref<1x1x128xf32, #tpu.memory_space<vmem>>
          %swap3A_496 = tpu.memref_squeeze %swap3A_495 : memref<1x1x128xf32, #tpu.memory_space<vmem>> -> memref<128xf32, #tpu.memory_space<vmem>>
          %swap3A_497 = arith.constant 32 : index
          %swap3A_498 = tpu.vector_load %swap3A_496[%swap3A_497] {strides = array<i32>} : memref<128xf32, #tpu.memory_space<vmem>>, vector<16xf32>,
          tpu.vector_store %swap3A_496[%swap3A_497], %gather3A_246 {strides = array<i32>} : memref<128xf32, #tpu.memory_space<vmem>>, vector<16xf32>,
          %swap3A_499 = arith.constant 1 : i32
          %swap3A_500 = arith.constant 0 : i32
          %swap3A_501 = tpu.memref_slice %arg7[%swap3A_499, %add3A_480, %swap3A_500] : memref<2x64x128xf32, #tpu.memory_space<vmem>> -> memref<1x1x128xf32, #tpu.memory_space<vmem>>
          %swap3A_502 = tpu.memref_squeeze %swap3A_501 : memref<1x1x128xf32, #tpu.memory_space<vmem>> -> memref<128xf32, #tpu.memory_space<vmem>>
          %swap3A_503 = arith.constant 48 : index
          %swap3A_504 = tpu.vector_load %swap3A_502[%swap3A_503] {strides = array<i32>} : memref<128xf32, #tpu.memory_space<vmem>>, vector<16xf32>,
          tpu.vector_store %swap3A_502[%swap3A_503], %gather3A_249 {strides = array<i32>} : memref<128xf32, #tpu.memory_space<vmem>>, vector<16xf32>,
          %swap3A_505 = arith.constant 1 : i32
          %swap3A_506 = arith.constant 0 : i32
          %swap3A_507 = tpu.memref_slice %arg7[%swap3A_505, %add3A_480, %swap3A_506] : memref<2x64x128xf32, #tpu.memory_space<vmem>> -> memref<1x1x128xf32, #tpu.memory_space<vmem>>
          %swap3A_508 = tpu.memref_squeeze %swap3A_507 : memref<1x1x128xf32, #tpu.memory_space<vmem>> -> memref<128xf32, #tpu.memory_space<vmem>>
          %swap3A_509 = arith.constant 64 : index
          %swap3A_510 = tpu.vector_load %swap3A_508[%swap3A_509] {strides = array<i32>} : memref<128xf32, #tpu.memory_space<vmem>>, vector<16xf32>,
          tpu.vector_store %swap3A_508[%swap3A_509], %gather3A_252 {strides = array<i32>} : memref<128xf32, #tpu.memory_space<vmem>>, vector<16xf32>,
          %swap3A_511 = arith.constant 1 : i32
          %swap3A_512 = arith.constant 0 : i32
          %swap3A_513 = tpu.memref_slice %arg7[%swap3A_511, %add3A_480, %swap3A_512] : memref<2x64x128xf32, #tpu.memory_space<vmem>> -> memref<1x1x128xf32, #tpu.memory_space<vmem>>
          %swap3A_514 = tpu.memref_squeeze %swap3A_513 : memref<1x1x128xf32, #tpu.memory_space<vmem>> -> memref<128xf32, #tpu.memory_space<vmem>>
          %swap3A_515 = arith.constant 80 : index
          %swap3A_516 = tpu.vector_load %swap3A_514[%swap3A_515] {strides = array<i32>} : memref<128xf32, #tpu.memory_space<vmem>>, vector<16xf32>,
          tpu.vector_store %swap3A_514[%swap3A_515], %gather3A_255 {strides = array<i32>} : memref<128xf32, #tpu.memory_space<vmem>>, vector<16xf32>,
          %swap3A_517 = arith.constant 1 : i32
          %swap3A_518 = arith.constant 0 : i32
          %swap3A_519 = tpu.memref_slice %arg7[%swap3A_517, %add3A_480, %swap3A_518] : memref<2x64x128xf32, #tpu.memory_space<vmem>> -> memref<1x1x128xf32, #tpu.memory_space<vmem>>
          %swap3A_520 = tpu.memref_squeeze %swap3A_519 : memref<1x1x128xf32, #tpu.memory_space<vmem>> -> memref<128xf32, #tpu.memory_space<vmem>>
          %swap3A_521 = arith.constant 96 : index
          %swap3A_522 = tpu.vector_load %swap3A_520[%swap3A_521] {strides = array<i32>} : memref<128xf32, #tpu.memory_space<vmem>>, vector<16xf32>,
          tpu.vector_store %swap3A_520[%swap3A_521], %gather3A_258 {strides = array<i32>} : memref<128xf32, #tpu.memory_space<vmem>>, vector<16xf32>,
          %swap3A_523 = arith.constant 1 : i32
          %swap3A_524 = arith.constant 0 : i32
          %swap3A_525 = tpu.memref_slice %arg7[%swap3A_523, %add3A_480, %swap3A_524] : memref<2x64x128xf32, #tpu.memory_space<vmem>> -> memref<1x1x128xf32, #tpu.memory_space<vmem>>
          %swap3A_526 = tpu.memref_squeeze %swap3A_525 : memref<1x1x128xf32, #tpu.memory_space<vmem>> -> memref<128xf32, #tpu.memory_space<vmem>>
          %swap3A_527 = arith.constant 112 : index
          %swap3A_528 = tpu.vector_load %swap3A_526[%swap3A_527] {strides = array<i32>} : memref<128xf32, #tpu.memory_space<vmem>>, vector<16xf32>,
          tpu.vector_store %swap3A_526[%swap3A_527], %gather3A_261 {strides = array<i32>} : memref<128xf32, #tpu.memory_space<vmem>>, vector<16xf32>,
          %add3A_529 = arith.constant 2 : i32
          %add3A_530 = arith.addi %mul3A_206, %add3A_529 : i32
          %swap3A_531 = arith.constant 1 : i32
          %swap3A_532 = arith.constant 0 : i32
          %swap3A_533 = tpu.memref_slice %arg7[%swap3A_531, %add3A_530, %swap3A_532] : memref<2x64x128xf32, #tpu.memory_space<vmem>> -> memref<1x1x128xf32, #tpu.memory_space<vmem>>
          %swap3A_534 = tpu.memref_squeeze %swap3A_533 : memref<1x1x128xf32, #tpu.memory_space<vmem>> -> memref<128xf32, #tpu.memory_space<vmem>>
          %swap3A_535 = arith.constant 0 : index
          %swap3A_536 = tpu.vector_load %swap3A_534[%swap3A_535] {strides = array<i32>} : memref<128xf32, #tpu.memory_space<vmem>>, vector<16xf32>,
          tpu.vector_store %swap3A_534[%swap3A_535], %gather3A_268 {strides = array<i32>} : memref<128xf32, #tpu.memory_space<vmem>>, vector<16xf32>,
          %swap3A_537 = arith.constant 1 : i32
          %swap3A_538 = arith.constant 0 : i32
          %swap3A_539 = tpu.memref_slice %arg7[%swap3A_537, %add3A_530, %swap3A_538] : memref<2x64x128xf32, #tpu.memory_space<vmem>> -> memref<1x1x128xf32, #tpu.memory_space<vmem>>
          %swap3A_540 = tpu.memref_squeeze %swap3A_539 : memref<1x1x128xf32, #tpu.memory_space<vmem>> -> memref<128xf32, #tpu.memory_space<vmem>>
          %swap3A_541 = arith.constant 16 : index
          %swap3A_542 = tpu.vector_load %swap3A_540[%swap3A_541] {strides = array<i32>} : memref<128xf32, #tpu.memory_space<vmem>>, vector<16xf32>,
          tpu.vector_store %swap3A_540[%swap3A_541], %gather3A_271 {strides = array<i32>} : memref<128xf32, #tpu.memory_space<vmem>>, vector<16xf32>,
          %swap3A_543 = arith.constant 1 : i32
          %swap3A_544 = arith.constant 0 : i32
          %swap3A_545 = tpu.memref_slice %arg7[%swap3A_543, %add3A_530, %swap3A_544] : memref<2x64x128xf32, #tpu.memory_space<vmem>> -> memref<1x1x128xf32, #tpu.memory_space<vmem>>
          %swap3A_546 = tpu.memref_squeeze %swap3A_545 : memref<1x1x128xf32, #tpu.memory_space<vmem>> -> memref<128xf32, #tpu.memory_space<vmem>>
          %swap3A_547 = arith.constant 32 : index
          %swap3A_548 = tpu.vector_load %swap3A_546[%swap3A_547] {strides = array<i32>} : memref<128xf32, #tpu.memory_space<vmem>>, vector<16xf32>,
          tpu.vector_store %swap3A_546[%swap3A_547], %gather3A_274 {strides = array<i32>} : memref<128xf32, #tpu.memory_space<vmem>>, vector<16xf32>,
          %swap3A_549 = arith.constant 1 : i32
          %swap3A_550 = arith.constant 0 : i32
          %swap3A_551 = tpu.memref_slice %arg7[%swap3A_549, %add3A_530, %swap3A_550] : memref<2x64x128xf32, #tpu.memory_space<vmem>> -> memref<1x1x128xf32, #tpu.memory_space<vmem>>
          %swap3A_552 = tpu.memref_squeeze %swap3A_551 : memref<1x1x128xf32, #tpu.memory_space<vmem>> -> memref<128xf32, #tpu.memory_space<vmem>>
          %swap3A_553 = arith.constant 48 : index
          %swap3A_554 = tpu.vector_load %swap3A_552[%swap3A_553] {strides = array<i32>} : memref<128xf32, #tpu.memory_space<vmem>>, vector<16xf32>,
          tpu.vector_store %swap3A_552[%swap3A_553], %gather3A_277 {strides = array<i32>} : memref<128xf32, #tpu.memory_space<vmem>>, vector<16xf32>,
          %swap3A_555 = arith.constant 1 : i32
          %swap3A_556 = arith.constant 0 : i32
          %swap3A_557 = tpu.memref_slice %arg7[%swap3A_555, %add3A_530, %swap3A_556] : memref<2x64x128xf32, #tpu.memory_space<vmem>> -> memref<1x1x128xf32, #tpu.memory_space<vmem>>
          %swap3A_558 = tpu.memref_squeeze %swap3A_557 : memref<1x1x128xf32, #tpu.memory_space<vmem>> -> memref<128xf32, #tpu.memory_space<vmem>>
          %swap3A_559 = arith.constant 64 : index
          %swap3A_560 = tpu.vector_load %swap3A_558[%swap3A_559] {strides = array<i32>} : memref<128xf32, #tpu.memory_space<vmem>>, vector<16xf32>,
          tpu.vector_store %swap3A_558[%swap3A_559], %gather3A_280 {strides = array<i32>} : memref<128xf32, #tpu.memory_space<vmem>>, vector<16xf32>,
          %swap3A_561 = arith.constant 1 : i32
          %swap3A_562 = arith.constant 0 : i32
          %swap3A_563 = tpu.memref_slice %arg7[%swap3A_561, %add3A_530, %swap3A_562] : memref<2x64x128xf32, #tpu.memory_space<vmem>> -> memref<1x1x128xf32, #tpu.memory_space<vmem>>
          %swap3A_564 = tpu.memref_squeeze %swap3A_563 : memref<1x1x128xf32, #tpu.memory_space<vmem>> -> memref<128xf32, #tpu.memory_space<vmem>>
          %swap3A_565 = arith.constant 80 : index
          %swap3A_566 = tpu.vector_load %swap3A_564[%swap3A_565] {strides = array<i32>} : memref<128xf32, #tpu.memory_space<vmem>>, vector<16xf32>,
          tpu.vector_store %swap3A_564[%swap3A_565], %gather3A_283 {strides = array<i32>} : memref<128xf32, #tpu.memory_space<vmem>>, vector<16xf32>,
          %swap3A_567 = arith.constant 1 : i32
          %swap3A_568 = arith.constant 0 : i32
          %swap3A_569 = tpu.memref_slice %arg7[%swap3A_567, %add3A_530, %swap3A_568] : memref<2x64x128xf32, #tpu.memory_space<vmem>> -> memref<1x1x128xf32, #tpu.memory_space<vmem>>
          %swap3A_570 = tpu.memref_squeeze %swap3A_569 : memref<1x1x128xf32, #tpu.memory_space<vmem>> -> memref<128xf32, #tpu.memory_space<vmem>>
          %swap3A_571 = arith.constant 96 : index
          %swap3A_572 = tpu.vector_load %swap3A_570[%swap3A_571] {strides = array<i32>} : memref<128xf32, #tpu.memory_space<vmem>>, vector<16xf32>,
          tpu.vector_store %swap3A_570[%swap3A_571], %gather3A_286 {strides = array<i32>} : memref<128xf32, #tpu.memory_space<vmem>>, vector<16xf32>,
          %swap3A_573 = arith.constant 1 : i32
          %swap3A_574 = arith.constant 0 : i32
          %swap3A_575 = tpu.memref_slice %arg7[%swap3A_573, %add3A_530, %swap3A_574] : memref<2x64x128xf32, #tpu.memory_space<vmem>> -> memref<1x1x128xf32, #tpu.memory_space<vmem>>
          %swap3A_576 = tpu.memref_squeeze %swap3A_575 : memref<1x1x128xf32, #tpu.memory_space<vmem>> -> memref<128xf32, #tpu.memory_space<vmem>>
          %swap3A_577 = arith.constant 112 : index
          %swap3A_578 = tpu.vector_load %swap3A_576[%swap3A_577] {strides = array<i32>} : memref<128xf32, #tpu.memory_space<vmem>>, vector<16xf32>,
          tpu.vector_store %swap3A_576[%swap3A_577], %gather3A_289 {strides = array<i32>} : memref<128xf32, #tpu.memory_space<vmem>>, vector<16xf32>,
          %add3A_579 = arith.constant 3 : i32
          %add3A_580 = arith.addi %mul3A_206, %add3A_579 : i32
          %swap3A_581 = arith.constant 1 : i32
          %swap3A_582 = arith.constant 0 : i32
          %swap3A_583 = tpu.memref_slice %arg7[%swap3A_581, %add3A_580, %swap3A_582] : memref<2x64x128xf32, #tpu.memory_space<vmem>> -> memref<1x1x128xf32, #tpu.memory_space<vmem>>
          %swap3A_584 = tpu.memref_squeeze %swap3A_583 : memref<1x1x128xf32, #tpu.memory_space<vmem>> -> memref<128xf32, #tpu.memory_space<vmem>>
          %swap3A_585 = arith.constant 0 : index
          %swap3A_586 = tpu.vector_load %swap3A_584[%swap3A_585] {strides = array<i32>} : memref<128xf32, #tpu.memory_space<vmem>>, vector<16xf32>,
          tpu.vector_store %swap3A_584[%swap3A_585], %gather3A_296 {strides = array<i32>} : memref<128xf32, #tpu.memory_space<vmem>>, vector<16xf32>,
          %swap3A_587 = arith.constant 1 : i32
          %swap3A_588 = arith.constant 0 : i32
          %swap3A_589 = tpu.memref_slice %arg7[%swap3A_587, %add3A_580, %swap3A_588] : memref<2x64x128xf32, #tpu.memory_space<vmem>> -> memref<1x1x128xf32, #tpu.memory_space<vmem>>
          %swap3A_590 = tpu.memref_squeeze %swap3A_589 : memref<1x1x128xf32, #tpu.memory_space<vmem>> -> memref<128xf32, #tpu.memory_space<vmem>>
          %swap3A_591 = arith.constant 16 : index
          %swap3A_592 = tpu.vector_load %swap3A_590[%swap3A_591] {strides = array<i32>} : memref<128xf32, #tpu.memory_space<vmem>>, vector<16xf32>,
          tpu.vector_store %swap3A_590[%swap3A_591], %gather3A_299 {strides = array<i32>} : memref<128xf32, #tpu.memory_space<vmem>>, vector<16xf32>,
          %swap3A_593 = arith.constant 1 : i32
          %swap3A_594 = arith.constant 0 : i32
          %swap3A_595 = tpu.memref_slice %arg7[%swap3A_593, %add3A_580, %swap3A_594] : memref<2x64x128xf32, #tpu.memory_space<vmem>> -> memref<1x1x128xf32, #tpu.memory_space<vmem>>
          %swap3A_596 = tpu.memref_squeeze %swap3A_595 : memref<1x1x128xf32, #tpu.memory_space<vmem>> -> memref<128xf32, #tpu.memory_space<vmem>>
          %swap3A_597 = arith.constant 32 : index
          %swap3A_598 = tpu.vector_load %swap3A_596[%swap3A_597] {strides = array<i32>} : memref<128xf32, #tpu.memory_space<vmem>>, vector<16xf32>,
          tpu.vector_store %swap3A_596[%swap3A_597], %gather3A_302 {strides = array<i32>} : memref<128xf32, #tpu.memory_space<vmem>>, vector<16xf32>,
          %swap3A_599 = arith.constant 1 : i32
          %swap3A_600 = arith.constant 0 : i32
          %swap3A_601 = tpu.memref_slice %arg7[%swap3A_599, %add3A_580, %swap3A_600] : memref<2x64x128xf32, #tpu.memory_space<vmem>> -> memref<1x1x128xf32, #tpu.memory_space<vmem>>
          %swap3A_602 = tpu.memref_squeeze %swap3A_601 : memref<1x1x128xf32, #tpu.memory_space<vmem>> -> memref<128xf32, #tpu.memory_space<vmem>>
          %swap3A_603 = arith.constant 48 : index
          %swap3A_604 = tpu.vector_load %swap3A_602[%swap3A_603] {strides = array<i32>} : memref<128xf32, #tpu.memory_space<vmem>>, vector<16xf32>,
          tpu.vector_store %swap3A_602[%swap3A_603], %gather3A_305 {strides = array<i32>} : memref<128xf32, #tpu.memory_space<vmem>>, vector<16xf32>,
          %swap3A_605 = arith.constant 1 : i32
          %swap3A_606 = arith.constant 0 : i32
          %swap3A_607 = tpu.memref_slice %arg7[%swap3A_605, %add3A_580, %swap3A_606] : memref<2x64x128xf32, #tpu.memory_space<vmem>> -> memref<1x1x128xf32, #tpu.memory_space<vmem>>
          %swap3A_608 = tpu.memref_squeeze %swap3A_607 : memref<1x1x128xf32, #tpu.memory_space<vmem>> -> memref<128xf32, #tpu.memory_space<vmem>>
          %swap3A_609 = arith.constant 64 : index
          %swap3A_610 = tpu.vector_load %swap3A_608[%swap3A_609] {strides = array<i32>} : memref<128xf32, #tpu.memory_space<vmem>>, vector<16xf32>,
          tpu.vector_store %swap3A_608[%swap3A_609], %gather3A_308 {strides = array<i32>} : memref<128xf32, #tpu.memory_space<vmem>>, vector<16xf32>,
          %swap3A_611 = arith.constant 1 : i32
          %swap3A_612 = arith.constant 0 : i32
          %swap3A_613 = tpu.memref_slice %arg7[%swap3A_611, %add3A_580, %swap3A_612] : memref<2x64x128xf32, #tpu.memory_space<vmem>> -> memref<1x1x128xf32, #tpu.memory_space<vmem>>
          %swap3A_614 = tpu.memref_squeeze %swap3A_613 : memref<1x1x128xf32, #tpu.memory_space<vmem>> -> memref<128xf32, #tpu.memory_space<vmem>>
          %swap3A_615 = arith.constant 80 : index
          %swap3A_616 = tpu.vector_load %swap3A_614[%swap3A_615] {strides = array<i32>} : memref<128xf32, #tpu.memory_space<vmem>>, vector<16xf32>,
          tpu.vector_store %swap3A_614[%swap3A_615], %gather3A_311 {strides = array<i32>} : memref<128xf32, #tpu.memory_space<vmem>>, vector<16xf32>,
          %swap3A_617 = arith.constant 1 : i32
          %swap3A_618 = arith.constant 0 : i32
          %swap3A_619 = tpu.memref_slice %arg7[%swap3A_617, %add3A_580, %swap3A_618] : memref<2x64x128xf32, #tpu.memory_space<vmem>> -> memref<1x1x128xf32, #tpu.memory_space<vmem>>
          %swap3A_620 = tpu.memref_squeeze %swap3A_619 : memref<1x1x128xf32, #tpu.memory_space<vmem>> -> memref<128xf32, #tpu.memory_space<vmem>>
          %swap3A_621 = arith.constant 96 : index
          %swap3A_622 = tpu.vector_load %swap3A_620[%swap3A_621] {strides = array<i32>} : memref<128xf32, #tpu.memory_space<vmem>>, vector<16xf32>,
          tpu.vector_store %swap3A_620[%swap3A_621], %gather3A_314 {strides = array<i32>} : memref<128xf32, #tpu.memory_space<vmem>>, vector<16xf32>,
          %swap3A_623 = arith.constant 1 : i32
          %swap3A_624 = arith.constant 0 : i32
          %swap3A_625 = tpu.memref_slice %arg7[%swap3A_623, %add3A_580, %swap3A_624] : memref<2x64x128xf32, #tpu.memory_space<vmem>> -> memref<1x1x128xf32, #tpu.memory_space<vmem>>
          %swap3A_626 = tpu.memref_squeeze %swap3A_625 : memref<1x1x128xf32, #tpu.memory_space<vmem>> -> memref<128xf32, #tpu.memory_space<vmem>>
          %swap3A_627 = arith.constant 112 : index
          %swap3A_628 = tpu.vector_load %swap3A_626[%swap3A_627] {strides = array<i32>} : memref<128xf32, #tpu.memory_space<vmem>>, vector<16xf32>,
          tpu.vector_store %swap3A_626[%swap3A_627], %gather3A_317 {strides = array<i32>} : memref<128xf32, #tpu.memory_space<vmem>>, vector<16xf32>,
          %add3A_629 = arith.constant 4 : i32
          %add3A_630 = arith.addi %mul3A_206, %add3A_629 : i32
          %swap3A_631 = arith.constant 1 : i32
          %swap3A_632 = arith.constant 0 : i32
          %swap3A_633 = tpu.memref_slice %arg7[%swap3A_631, %add3A_630, %swap3A_632] : memref<2x64x128xf32, #tpu.memory_space<vmem>> -> memref<1x1x128xf32, #tpu.memory_space<vmem>>
          %swap3A_634 = tpu.memref_squeeze %swap3A_633 : memref<1x1x128xf32, #tpu.memory_space<vmem>> -> memref<128xf32, #tpu.memory_space<vmem>>
          %swap3A_635 = arith.constant 0 : index
          %swap3A_636 = tpu.vector_load %swap3A_634[%swap3A_635] {strides = array<i32>} : memref<128xf32, #tpu.memory_space<vmem>>, vector<16xf32>,
          tpu.vector_store %swap3A_634[%swap3A_635], %gather3A_324 {strides = array<i32>} : memref<128xf32, #tpu.memory_space<vmem>>, vector<16xf32>,
          %swap3A_637 = arith.constant 1 : i32
          %swap3A_638 = arith.constant 0 : i32
          %swap3A_639 = tpu.memref_slice %arg7[%swap3A_637, %add3A_630, %swap3A_638] : memref<2x64x128xf32, #tpu.memory_space<vmem>> -> memref<1x1x128xf32, #tpu.memory_space<vmem>>
          %swap3A_640 = tpu.memref_squeeze %swap3A_639 : memref<1x1x128xf32, #tpu.memory_space<vmem>> -> memref<128xf32, #tpu.memory_space<vmem>>
          %swap3A_641 = arith.constant 16 : index
          %swap3A_642 = tpu.vector_load %swap3A_640[%swap3A_641] {strides = array<i32>} : memref<128xf32, #tpu.memory_space<vmem>>, vector<16xf32>,
          tpu.vector_store %swap3A_640[%swap3A_641], %gather3A_327 {strides = array<i32>} : memref<128xf32, #tpu.memory_space<vmem>>, vector<16xf32>,
          %swap3A_643 = arith.constant 1 : i32
          %swap3A_644 = arith.constant 0 : i32
          %swap3A_645 = tpu.memref_slice %arg7[%swap3A_643, %add3A_630, %swap3A_644] : memref<2x64x128xf32, #tpu.memory_space<vmem>> -> memref<1x1x128xf32, #tpu.memory_space<vmem>>
          %swap3A_646 = tpu.memref_squeeze %swap3A_645 : memref<1x1x128xf32, #tpu.memory_space<vmem>> -> memref<128xf32, #tpu.memory_space<vmem>>
          %swap3A_647 = arith.constant 32 : index
          %swap3A_648 = tpu.vector_load %swap3A_646[%swap3A_647] {strides = array<i32>} : memref<128xf32, #tpu.memory_space<vmem>>, vector<16xf32>,
          tpu.vector_store %swap3A_646[%swap3A_647], %gather3A_330 {strides = array<i32>} : memref<128xf32, #tpu.memory_space<vmem>>, vector<16xf32>,
          %swap3A_649 = arith.constant 1 : i32
          %swap3A_650 = arith.constant 0 : i32
          %swap3A_651 = tpu.memref_slice %arg7[%swap3A_649, %add3A_630, %swap3A_650] : memref<2x64x128xf32, #tpu.memory_space<vmem>> -> memref<1x1x128xf32, #tpu.memory_space<vmem>>
          %swap3A_652 = tpu.memref_squeeze %swap3A_651 : memref<1x1x128xf32, #tpu.memory_space<vmem>> -> memref<128xf32, #tpu.memory_space<vmem>>
          %swap3A_653 = arith.constant 48 : index
          %swap3A_654 = tpu.vector_load %swap3A_652[%swap3A_653] {strides = array<i32>} : memref<128xf32, #tpu.memory_space<vmem>>, vector<16xf32>,
          tpu.vector_store %swap3A_652[%swap3A_653], %gather3A_333 {strides = array<i32>} : memref<128xf32, #tpu.memory_space<vmem>>, vector<16xf32>,
          %swap3A_655 = arith.constant 1 : i32
          %swap3A_656 = arith.constant 0 : i32
          %swap3A_657 = tpu.memref_slice %arg7[%swap3A_655, %add3A_630, %swap3A_656] : memref<2x64x128xf32, #tpu.memory_space<vmem>> -> memref<1x1x128xf32, #tpu.memory_space<vmem>>
          %swap3A_658 = tpu.memref_squeeze %swap3A_657 : memref<1x1x128xf32, #tpu.memory_space<vmem>> -> memref<128xf32, #tpu.memory_space<vmem>>
          %swap3A_659 = arith.constant 64 : index
          %swap3A_660 = tpu.vector_load %swap3A_658[%swap3A_659] {strides = array<i32>} : memref<128xf32, #tpu.memory_space<vmem>>, vector<16xf32>,
          tpu.vector_store %swap3A_658[%swap3A_659], %gather3A_336 {strides = array<i32>} : memref<128xf32, #tpu.memory_space<vmem>>, vector<16xf32>,
          %swap3A_661 = arith.constant 1 : i32
          %swap3A_662 = arith.constant 0 : i32
          %swap3A_663 = tpu.memref_slice %arg7[%swap3A_661, %add3A_630, %swap3A_662] : memref<2x64x128xf32, #tpu.memory_space<vmem>> -> memref<1x1x128xf32, #tpu.memory_space<vmem>>
          %swap3A_664 = tpu.memref_squeeze %swap3A_663 : memref<1x1x128xf32, #tpu.memory_space<vmem>> -> memref<128xf32, #tpu.memory_space<vmem>>
          %swap3A_665 = arith.constant 80 : index
          %swap3A_666 = tpu.vector_load %swap3A_664[%swap3A_665] {strides = array<i32>} : memref<128xf32, #tpu.memory_space<vmem>>, vector<16xf32>,
          tpu.vector_store %swap3A_664[%swap3A_665], %gather3A_339 {strides = array<i32>} : memref<128xf32, #tpu.memory_space<vmem>>, vector<16xf32>,
          %swap3A_667 = arith.constant 1 : i32
          %swap3A_668 = arith.constant 0 : i32
          %swap3A_669 = tpu.memref_slice %arg7[%swap3A_667, %add3A_630, %swap3A_668] : memref<2x64x128xf32, #tpu.memory_space<vmem>> -> memref<1x1x128xf32, #tpu.memory_space<vmem>>
          %swap3A_670 = tpu.memref_squeeze %swap3A_669 : memref<1x1x128xf32, #tpu.memory_space<vmem>> -> memref<128xf32, #tpu.memory_space<vmem>>
          %swap3A_671 = arith.constant 96 : index
          %swap3A_672 = tpu.vector_load %swap3A_670[%swap3A_671] {strides = array<i32>} : memref<128xf32, #tpu.memory_space<vmem>>, vector<16xf32>,
          tpu.vector_store %swap3A_670[%swap3A_671], %gather3A_342 {strides = array<i32>} : memref<128xf32, #tpu.memory_space<vmem>>, vector<16xf32>,
          %swap3A_673 = arith.constant 1 : i32
          %swap3A_674 = arith.constant 0 : i32
          %swap3A_675 = tpu.memref_slice %arg7[%swap3A_673, %add3A_630, %swap3A_674] : memref<2x64x128xf32, #tpu.memory_space<vmem>> -> memref<1x1x128xf32, #tpu.memory_space<vmem>>
          %swap3A_676 = tpu.memref_squeeze %swap3A_675 : memref<1x1x128xf32, #tpu.memory_space<vmem>> -> memref<128xf32, #tpu.memory_space<vmem>>
          %swap3A_677 = arith.constant 112 : index
          %swap3A_678 = tpu.vector_load %swap3A_676[%swap3A_677] {strides = array<i32>} : memref<128xf32, #tpu.memory_space<vmem>>, vector<16xf32>,
          tpu.vector_store %swap3A_676[%swap3A_677], %gather3A_345 {strides = array<i32>} : memref<128xf32, #tpu.memory_space<vmem>>, vector<16xf32>,
          %add3A_679 = arith.constant 5 : i32
          %add3A_680 = arith.addi %mul3A_206, %add3A_679 : i32
          %swap3A_681 = arith.constant 1 : i32
          %swap3A_682 = arith.constant 0 : i32
          %swap3A_683 = tpu.memref_slice %arg7[%swap3A_681, %add3A_680, %swap3A_682] : memref<2x64x128xf32, #tpu.memory_space<vmem>> -> memref<1x1x128xf32, #tpu.memory_space<vmem>>
          %swap3A_684 = tpu.memref_squeeze %swap3A_683 : memref<1x1x128xf32, #tpu.memory_space<vmem>> -> memref<128xf32, #tpu.memory_space<vmem>>
          %swap3A_685 = arith.constant 0 : index
          %swap3A_686 = tpu.vector_load %swap3A_684[%swap3A_685] {strides = array<i32>} : memref<128xf32, #tpu.memory_space<vmem>>, vector<16xf32>,
          tpu.vector_store %swap3A_684[%swap3A_685], %gather3A_352 {strides = array<i32>} : memref<128xf32, #tpu.memory_space<vmem>>, vector<16xf32>,
          %swap3A_687 = arith.constant 1 : i32
          %swap3A_688 = arith.constant 0 : i32
          %swap3A_689 = tpu.memref_slice %arg7[%swap3A_687, %add3A_680, %swap3A_688] : memref<2x64x128xf32, #tpu.memory_space<vmem>> -> memref<1x1x128xf32, #tpu.memory_space<vmem>>
          %swap3A_690 = tpu.memref_squeeze %swap3A_689 : memref<1x1x128xf32, #tpu.memory_space<vmem>> -> memref<128xf32, #tpu.memory_space<vmem>>
          %swap3A_691 = arith.constant 16 : index
          %swap3A_692 = tpu.vector_load %swap3A_690[%swap3A_691] {strides = array<i32>} : memref<128xf32, #tpu.memory_space<vmem>>, vector<16xf32>,
          tpu.vector_store %swap3A_690[%swap3A_691], %gather3A_355 {strides = array<i32>} : memref<128xf32, #tpu.memory_space<vmem>>, vector<16xf32>,
          %swap3A_693 = arith.constant 1 : i32
          %swap3A_694 = arith.constant 0 : i32
          %swap3A_695 = tpu.memref_slice %arg7[%swap3A_693, %add3A_680, %swap3A_694] : memref<2x64x128xf32, #tpu.memory_space<vmem>> -> memref<1x1x128xf32, #tpu.memory_space<vmem>>
          %swap3A_696 = tpu.memref_squeeze %swap3A_695 : memref<1x1x128xf32, #tpu.memory_space<vmem>> -> memref<128xf32, #tpu.memory_space<vmem>>
          %swap3A_697 = arith.constant 32 : index
          %swap3A_698 = tpu.vector_load %swap3A_696[%swap3A_697] {strides = array<i32>} : memref<128xf32, #tpu.memory_space<vmem>>, vector<16xf32>,
          tpu.vector_store %swap3A_696[%swap3A_697], %gather3A_358 {strides = array<i32>} : memref<128xf32, #tpu.memory_space<vmem>>, vector<16xf32>,
          %swap3A_699 = arith.constant 1 : i32
          %swap3A_700 = arith.constant 0 : i32
          %swap3A_701 = tpu.memref_slice %arg7[%swap3A_699, %add3A_680, %swap3A_700] : memref<2x64x128xf32, #tpu.memory_space<vmem>> -> memref<1x1x128xf32, #tpu.memory_space<vmem>>
          %swap3A_702 = tpu.memref_squeeze %swap3A_701 : memref<1x1x128xf32, #tpu.memory_space<vmem>> -> memref<128xf32, #tpu.memory_space<vmem>>
          %swap3A_703 = arith.constant 48 : index
          %swap3A_704 = tpu.vector_load %swap3A_702[%swap3A_703] {strides = array<i32>} : memref<128xf32, #tpu.memory_space<vmem>>, vector<16xf32>,
          tpu.vector_store %swap3A_702[%swap3A_703], %gather3A_361 {strides = array<i32>} : memref<128xf32, #tpu.memory_space<vmem>>, vector<16xf32>,
          %swap3A_705 = arith.constant 1 : i32
          %swap3A_706 = arith.constant 0 : i32
          %swap3A_707 = tpu.memref_slice %arg7[%swap3A_705, %add3A_680, %swap3A_706] : memref<2x64x128xf32, #tpu.memory_space<vmem>> -> memref<1x1x128xf32, #tpu.memory_space<vmem>>
          %swap3A_708 = tpu.memref_squeeze %swap3A_707 : memref<1x1x128xf32, #tpu.memory_space<vmem>> -> memref<128xf32, #tpu.memory_space<vmem>>
          %swap3A_709 = arith.constant 64 : index
          %swap3A_710 = tpu.vector_load %swap3A_708[%swap3A_709] {strides = array<i32>} : memref<128xf32, #tpu.memory_space<vmem>>, vector<16xf32>,
          tpu.vector_store %swap3A_708[%swap3A_709], %gather3A_364 {strides = array<i32>} : memref<128xf32, #tpu.memory_space<vmem>>, vector<16xf32>,
          %swap3A_711 = arith.constant 1 : i32
          %swap3A_712 = arith.constant 0 : i32
          %swap3A_713 = tpu.memref_slice %arg7[%swap3A_711, %add3A_680, %swap3A_712] : memref<2x64x128xf32, #tpu.memory_space<vmem>> -> memref<1x1x128xf32, #tpu.memory_space<vmem>>
          %swap3A_714 = tpu.memref_squeeze %swap3A_713 : memref<1x1x128xf32, #tpu.memory_space<vmem>> -> memref<128xf32, #tpu.memory_space<vmem>>
          %swap3A_715 = arith.constant 80 : index
          %swap3A_716 = tpu.vector_load %swap3A_714[%swap3A_715] {strides = array<i32>} : memref<128xf32, #tpu.memory_space<vmem>>, vector<16xf32>,
          tpu.vector_store %swap3A_714[%swap3A_715], %gather3A_367 {strides = array<i32>} : memref<128xf32, #tpu.memory_space<vmem>>, vector<16xf32>,
          %swap3A_717 = arith.constant 1 : i32
          %swap3A_718 = arith.constant 0 : i32
          %swap3A_719 = tpu.memref_slice %arg7[%swap3A_717, %add3A_680, %swap3A_718] : memref<2x64x128xf32, #tpu.memory_space<vmem>> -> memref<1x1x128xf32, #tpu.memory_space<vmem>>
          %swap3A_720 = tpu.memref_squeeze %swap3A_719 : memref<1x1x128xf32, #tpu.memory_space<vmem>> -> memref<128xf32, #tpu.memory_space<vmem>>
          %swap3A_721 = arith.constant 96 : index
          %swap3A_722 = tpu.vector_load %swap3A_720[%swap3A_721] {strides = array<i32>} : memref<128xf32, #tpu.memory_space<vmem>>, vector<16xf32>,
          tpu.vector_store %swap3A_720[%swap3A_721], %gather3A_370 {strides = array<i32>} : memref<128xf32, #tpu.memory_space<vmem>>, vector<16xf32>,
          %swap3A_723 = arith.constant 1 : i32
          %swap3A_724 = arith.constant 0 : i32
          %swap3A_725 = tpu.memref_slice %arg7[%swap3A_723, %add3A_680, %swap3A_724] : memref<2x64x128xf32, #tpu.memory_space<vmem>> -> memref<1x1x128xf32, #tpu.memory_space<vmem>>
          %swap3A_726 = tpu.memref_squeeze %swap3A_725 : memref<1x1x128xf32, #tpu.memory_space<vmem>> -> memref<128xf32, #tpu.memory_space<vmem>>
          %swap3A_727 = arith.constant 112 : index
          %swap3A_728 = tpu.vector_load %swap3A_726[%swap3A_727] {strides = array<i32>} : memref<128xf32, #tpu.memory_space<vmem>>, vector<16xf32>,
          tpu.vector_store %swap3A_726[%swap3A_727], %gather3A_373 {strides = array<i32>} : memref<128xf32, #tpu.memory_space<vmem>>, vector<16xf32>,
          %add3A_729 = arith.constant 6 : i32
          %add3A_730 = arith.addi %mul3A_206, %add3A_729 : i32
          %swap3A_731 = arith.constant 1 : i32
          %swap3A_732 = arith.constant 0 : i32
          %swap3A_733 = tpu.memref_slice %arg7[%swap3A_731, %add3A_730, %swap3A_732] : memref<2x64x128xf32, #tpu.memory_space<vmem>> -> memref<1x1x128xf32, #tpu.memory_space<vmem>>
          %swap3A_734 = tpu.memref_squeeze %swap3A_733 : memref<1x1x128xf32, #tpu.memory_space<vmem>> -> memref<128xf32, #tpu.memory_space<vmem>>
          %swap3A_735 = arith.constant 0 : index
          %swap3A_736 = tpu.vector_load %swap3A_734[%swap3A_735] {strides = array<i32>} : memref<128xf32, #tpu.memory_space<vmem>>, vector<16xf32>,
          tpu.vector_store %swap3A_734[%swap3A_735], %gather3A_380 {strides = array<i32>} : memref<128xf32, #tpu.memory_space<vmem>>, vector<16xf32>,
          %swap3A_737 = arith.constant 1 : i32
          %swap3A_738 = arith.constant 0 : i32
          %swap3A_739 = tpu.memref_slice %arg7[%swap3A_737, %add3A_730, %swap3A_738] : memref<2x64x128xf32, #tpu.memory_space<vmem>> -> memref<1x1x128xf32, #tpu.memory_space<vmem>>
          %swap3A_740 = tpu.memref_squeeze %swap3A_739 : memref<1x1x128xf32, #tpu.memory_space<vmem>> -> memref<128xf32, #tpu.memory_space<vmem>>
          %swap3A_741 = arith.constant 16 : index
          %swap3A_742 = tpu.vector_load %swap3A_740[%swap3A_741] {strides = array<i32>} : memref<128xf32, #tpu.memory_space<vmem>>, vector<16xf32>,
          tpu.vector_store %swap3A_740[%swap3A_741], %gather3A_383 {strides = array<i32>} : memref<128xf32, #tpu.memory_space<vmem>>, vector<16xf32>,
          %swap3A_743 = arith.constant 1 : i32
          %swap3A_744 = arith.constant 0 : i32
          %swap3A_745 = tpu.memref_slice %arg7[%swap3A_743, %add3A_730, %swap3A_744] : memref<2x64x128xf32, #tpu.memory_space<vmem>> -> memref<1x1x128xf32, #tpu.memory_space<vmem>>
          %swap3A_746 = tpu.memref_squeeze %swap3A_745 : memref<1x1x128xf32, #tpu.memory_space<vmem>> -> memref<128xf32, #tpu.memory_space<vmem>>
          %swap3A_747 = arith.constant 32 : index
          %swap3A_748 = tpu.vector_load %swap3A_746[%swap3A_747] {strides = array<i32>} : memref<128xf32, #tpu.memory_space<vmem>>, vector<16xf32>,
          tpu.vector_store %swap3A_746[%swap3A_747], %gather3A_386 {strides = array<i32>} : memref<128xf32, #tpu.memory_space<vmem>>, vector<16xf32>,
          %swap3A_749 = arith.constant 1 : i32
          %swap3A_750 = arith.constant 0 : i32
          %swap3A_751 = tpu.memref_slice %arg7[%swap3A_749, %add3A_730, %swap3A_750] : memref<2x64x128xf32, #tpu.memory_space<vmem>> -> memref<1x1x128xf32, #tpu.memory_space<vmem>>
          %swap3A_752 = tpu.memref_squeeze %swap3A_751 : memref<1x1x128xf32, #tpu.memory_space<vmem>> -> memref<128xf32, #tpu.memory_space<vmem>>
          %swap3A_753 = arith.constant 48 : index
          %swap3A_754 = tpu.vector_load %swap3A_752[%swap3A_753] {strides = array<i32>} : memref<128xf32, #tpu.memory_space<vmem>>, vector<16xf32>,
          tpu.vector_store %swap3A_752[%swap3A_753], %gather3A_389 {strides = array<i32>} : memref<128xf32, #tpu.memory_space<vmem>>, vector<16xf32>,
          %swap3A_755 = arith.constant 1 : i32
          %swap3A_756 = arith.constant 0 : i32
          %swap3A_757 = tpu.memref_slice %arg7[%swap3A_755, %add3A_730, %swap3A_756] : memref<2x64x128xf32, #tpu.memory_space<vmem>> -> memref<1x1x128xf32, #tpu.memory_space<vmem>>
          %swap3A_758 = tpu.memref_squeeze %swap3A_757 : memref<1x1x128xf32, #tpu.memory_space<vmem>> -> memref<128xf32, #tpu.memory_space<vmem>>
          %swap3A_759 = arith.constant 64 : index
          %swap3A_760 = tpu.vector_load %swap3A_758[%swap3A_759] {strides = array<i32>} : memref<128xf32, #tpu.memory_space<vmem>>, vector<16xf32>,
          tpu.vector_store %swap3A_758[%swap3A_759], %gather3A_392 {strides = array<i32>} : memref<128xf32, #tpu.memory_space<vmem>>, vector<16xf32>,
          %swap3A_761 = arith.constant 1 : i32
          %swap3A_762 = arith.constant 0 : i32
          %swap3A_763 = tpu.memref_slice %arg7[%swap3A_761, %add3A_730, %swap3A_762] : memref<2x64x128xf32, #tpu.memory_space<vmem>> -> memref<1x1x128xf32, #tpu.memory_space<vmem>>
          %swap3A_764 = tpu.memref_squeeze %swap3A_763 : memref<1x1x128xf32, #tpu.memory_space<vmem>> -> memref<128xf32, #tpu.memory_space<vmem>>
          %swap3A_765 = arith.constant 80 : index
          %swap3A_766 = tpu.vector_load %swap3A_764[%swap3A_765] {strides = array<i32>} : memref<128xf32, #tpu.memory_space<vmem>>, vector<16xf32>,
          tpu.vector_store %swap3A_764[%swap3A_765], %gather3A_395 {strides = array<i32>} : memref<128xf32, #tpu.memory_space<vmem>>, vector<16xf32>,
          %swap3A_767 = arith.constant 1 : i32
          %swap3A_768 = arith.constant 0 : i32
          %swap3A_769 = tpu.memref_slice %arg7[%swap3A_767, %add3A_730, %swap3A_768] : memref<2x64x128xf32, #tpu.memory_space<vmem>> -> memref<1x1x128xf32, #tpu.memory_space<vmem>>
          %swap3A_770 = tpu.memref_squeeze %swap3A_769 : memref<1x1x128xf32, #tpu.memory_space<vmem>> -> memref<128xf32, #tpu.memory_space<vmem>>
          %swap3A_771 = arith.constant 96 : index
          %swap3A_772 = tpu.vector_load %swap3A_770[%swap3A_771] {strides = array<i32>} : memref<128xf32, #tpu.memory_space<vmem>>, vector<16xf32>,
          tpu.vector_store %swap3A_770[%swap3A_771], %gather3A_398 {strides = array<i32>} : memref<128xf32, #tpu.memory_space<vmem>>, vector<16xf32>,
          %swap3A_773 = arith.constant 1 : i32
          %swap3A_774 = arith.constant 0 : i32
          %swap3A_775 = tpu.memref_slice %arg7[%swap3A_773, %add3A_730, %swap3A_774] : memref<2x64x128xf32, #tpu.memory_space<vmem>> -> memref<1x1x128xf32, #tpu.memory_space<vmem>>
          %swap3A_776 = tpu.memref_squeeze %swap3A_775 : memref<1x1x128xf32, #tpu.memory_space<vmem>> -> memref<128xf32, #tpu.memory_space<vmem>>
          %swap3A_777 = arith.constant 112 : index
          %swap3A_778 = tpu.vector_load %swap3A_776[%swap3A_777] {strides = array<i32>} : memref<128xf32, #tpu.memory_space<vmem>>, vector<16xf32>,
          tpu.vector_store %swap3A_776[%swap3A_777], %gather3A_401 {strides = array<i32>} : memref<128xf32, #tpu.memory_space<vmem>>, vector<16xf32>,
          %add3A_779 = arith.constant 7 : i32
          %add3A_780 = arith.addi %mul3A_206, %add3A_779 : i32
          %swap3A_781 = arith.constant 1 : i32
          %swap3A_782 = arith.constant 0 : i32
          %swap3A_783 = tpu.memref_slice %arg7[%swap3A_781, %add3A_780, %swap3A_782] : memref<2x64x128xf32, #tpu.memory_space<vmem>> -> memref<1x1x128xf32, #tpu.memory_space<vmem>>
          %swap3A_784 = tpu.memref_squeeze %swap3A_783 : memref<1x1x128xf32, #tpu.memory_space<vmem>> -> memref<128xf32, #tpu.memory_space<vmem>>
          %swap3A_785 = arith.constant 0 : index
          %swap3A_786 = tpu.vector_load %swap3A_784[%swap3A_785] {strides = array<i32>} : memref<128xf32, #tpu.memory_space<vmem>>, vector<16xf32>,
          tpu.vector_store %swap3A_784[%swap3A_785], %gather3A_408 {strides = array<i32>} : memref<128xf32, #tpu.memory_space<vmem>>, vector<16xf32>,
          %swap3A_787 = arith.constant 1 : i32
          %swap3A_788 = arith.constant 0 : i32
          %swap3A_789 = tpu.memref_slice %arg7[%swap3A_787, %add3A_780, %swap3A_788] : memref<2x64x128xf32, #tpu.memory_space<vmem>> -> memref<1x1x128xf32, #tpu.memory_space<vmem>>
          %swap3A_790 = tpu.memref_squeeze %swap3A_789 : memref<1x1x128xf32, #tpu.memory_space<vmem>> -> memref<128xf32, #tpu.memory_space<vmem>>
          %swap3A_791 = arith.constant 16 : index
          %swap3A_792 = tpu.vector_load %swap3A_790[%swap3A_791] {strides = array<i32>} : memref<128xf32, #tpu.memory_space<vmem>>, vector<16xf32>,
          tpu.vector_store %swap3A_790[%swap3A_791], %gather3A_411 {strides = array<i32>} : memref<128xf32, #tpu.memory_space<vmem>>, vector<16xf32>,
          %swap3A_793 = arith.constant 1 : i32
          %swap3A_794 = arith.constant 0 : i32
          %swap3A_795 = tpu.memref_slice %arg7[%swap3A_793, %add3A_780, %swap3A_794] : memref<2x64x128xf32, #tpu.memory_space<vmem>> -> memref<1x1x128xf32, #tpu.memory_space<vmem>>
          %swap3A_796 = tpu.memref_squeeze %swap3A_795 : memref<1x1x128xf32, #tpu.memory_space<vmem>> -> memref<128xf32, #tpu.memory_space<vmem>>
          %swap3A_797 = arith.constant 32 : index
          %swap3A_798 = tpu.vector_load %swap3A_796[%swap3A_797] {strides = array<i32>} : memref<128xf32, #tpu.memory_space<vmem>>, vector<16xf32>,
          tpu.vector_store %swap3A_796[%swap3A_797], %gather3A_414 {strides = array<i32>} : memref<128xf32, #tpu.memory_space<vmem>>, vector<16xf32>,
          %swap3A_799 = arith.constant 1 : i32
          %swap3A_800 = arith.constant 0 : i32
          %swap3A_801 = tpu.memref_slice %arg7[%swap3A_799, %add3A_780, %swap3A_800] : memref<2x64x128xf32, #tpu.memory_space<vmem>> -> memref<1x1x128xf32, #tpu.memory_space<vmem>>
          %swap3A_802 = tpu.memref_squeeze %swap3A_801 : memref<1x1x128xf32, #tpu.memory_space<vmem>> -> memref<128xf32, #tpu.memory_space<vmem>>
          %swap3A_803 = arith.constant 48 : index
          %swap3A_804 = tpu.vector_load %swap3A_802[%swap3A_803] {strides = array<i32>} : memref<128xf32, #tpu.memory_space<vmem>>, vector<16xf32>,
          tpu.vector_store %swap3A_802[%swap3A_803], %gather3A_417 {strides = array<i32>} : memref<128xf32, #tpu.memory_space<vmem>>, vector<16xf32>,
          %swap3A_805 = arith.constant 1 : i32
          %swap3A_806 = arith.constant 0 : i32
          %swap3A_807 = tpu.memref_slice %arg7[%swap3A_805, %add3A_780, %swap3A_806] : memref<2x64x128xf32, #tpu.memory_space<vmem>> -> memref<1x1x128xf32, #tpu.memory_space<vmem>>
          %swap3A_808 = tpu.memref_squeeze %swap3A_807 : memref<1x1x128xf32, #tpu.memory_space<vmem>> -> memref<128xf32, #tpu.memory_space<vmem>>
          %swap3A_809 = arith.constant 64 : index
          %swap3A_810 = tpu.vector_load %swap3A_808[%swap3A_809] {strides = array<i32>} : memref<128xf32, #tpu.memory_space<vmem>>, vector<16xf32>,
          tpu.vector_store %swap3A_808[%swap3A_809], %gather3A_420 {strides = array<i32>} : memref<128xf32, #tpu.memory_space<vmem>>, vector<16xf32>,
          %swap3A_811 = arith.constant 1 : i32
          %swap3A_812 = arith.constant 0 : i32
          %swap3A_813 = tpu.memref_slice %arg7[%swap3A_811, %add3A_780, %swap3A_812] : memref<2x64x128xf32, #tpu.memory_space<vmem>> -> memref<1x1x128xf32, #tpu.memory_space<vmem>>
          %swap3A_814 = tpu.memref_squeeze %swap3A_813 : memref<1x1x128xf32, #tpu.memory_space<vmem>> -> memref<128xf32, #tpu.memory_space<vmem>>
          %swap3A_815 = arith.constant 80 : index
          %swap3A_816 = tpu.vector_load %swap3A_814[%swap3A_815] {strides = array<i32>} : memref<128xf32, #tpu.memory_space<vmem>>, vector<16xf32>,
          tpu.vector_store %swap3A_814[%swap3A_815], %gather3A_423 {strides = array<i32>} : memref<128xf32, #tpu.memory_space<vmem>>, vector<16xf32>,
          %swap3A_817 = arith.constant 1 : i32
          %swap3A_818 = arith.constant 0 : i32
          %swap3A_819 = tpu.memref_slice %arg7[%swap3A_817, %add3A_780, %swap3A_818] : memref<2x64x128xf32, #tpu.memory_space<vmem>> -> memref<1x1x128xf32, #tpu.memory_space<vmem>>
          %swap3A_820 = tpu.memref_squeeze %swap3A_819 : memref<1x1x128xf32, #tpu.memory_space<vmem>> -> memref<128xf32, #tpu.memory_space<vmem>>
          %swap3A_821 = arith.constant 96 : index
          %swap3A_822 = tpu.vector_load %swap3A_820[%swap3A_821] {strides = array<i32>} : memref<128xf32, #tpu.memory_space<vmem>>, vector<16xf32>,
          tpu.vector_store %swap3A_820[%swap3A_821], %gather3A_426 {strides = array<i32>} : memref<128xf32, #tpu.memory_space<vmem>>, vector<16xf32>,
          %swap3A_823 = arith.constant 1 : i32
          %swap3A_824 = arith.constant 0 : i32
          %swap3A_825 = tpu.memref_slice %arg7[%swap3A_823, %add3A_780, %swap3A_824] : memref<2x64x128xf32, #tpu.memory_space<vmem>> -> memref<1x1x128xf32, #tpu.memory_space<vmem>>
          %swap3A_826 = tpu.memref_squeeze %swap3A_825 : memref<1x1x128xf32, #tpu.memory_space<vmem>> -> memref<128xf32, #tpu.memory_space<vmem>>
          %swap3A_827 = arith.constant 112 : index
          %swap3A_828 = tpu.vector_load %swap3A_826[%swap3A_827] {strides = array<i32>} : memref<128xf32, #tpu.memory_space<vmem>>, vector<16xf32>,
          tpu.vector_store %swap3A_826[%swap3A_827], %gather3A_429 {strides = array<i32>} : memref<128xf32, #tpu.memory_space<vmem>>, vector<16xf32>,
        }
        %scan3A_190 = arith.constant 8 : i32
        %dma_start3A_191 = arith.constant 1 : i32
        %dma_start3A_192 = arith.constant 0 : i32
        %dma_start3A_193 = arith.constant 0 : i32
        %dma_start3A_194 = tpu.memref_slice %arg7[%dma_start3A_191, %dma_start3A_192, %dma_start3A_193] : memref<2x64x128xf32, #tpu.memory_space<vmem>> -> memref<1x64x128xf32, #tpu.memory_space<vmem>>
        %dma_start3A_195 = tpu.memref_squeeze %dma_start3A_194 : memref<1x64x128xf32, #tpu.memory_space<vmem>> -> memref<64x128xf32, #tpu.memory_space<vmem>>
        %dma_start3A_196 = tpu.memref_slice %arg4[%add3A_136, %add3A_59, %mul3A_23] : memref<50x1000x1024xf32, #tpu.memory_space<hbm>> -> memref<1x64x128xf32, #tpu.memory_space<hbm>>
        %dma_start3A_197 = tpu.memref_squeeze %dma_start3A_196 : memref<1x64x128xf32, #tpu.memory_space<hbm>> -> memref<64x128xf32, #tpu.memory_space<hbm>>
        %dma_start3A_198 = tpu.memref_slice %arg4[%add3A_136, %add3A_59, %mul3A_23] : memref<50x1000x1024xf32, #tpu.memory_space<hbm>> -> memref<1x64x128xf32, #tpu.memory_space<hbm>>
        %dma_start3A_199 = tpu.memref_squeeze %dma_start3A_198 : memref<1x64x128xf32, #tpu.memory_space<hbm>> -> memref<64x128xf32, #tpu.memory_space<hbm>>
        %dma_start3A_200 = arith.constant 0 : i32
        %dma_start3A_201 = arith.constant 0 : i32
        %dma_start3A_202 = tpu.memref_slice %arg7[%dma_start3A_191, %dma_start3A_200, %dma_start3A_201] : memref<2x64x128xf32, #tpu.memory_space<vmem>> -> memref<1x64x128xf32, #tpu.memory_space<vmem>>
        %dma_start3A_203 = tpu.memref_squeeze %dma_start3A_202 : memref<1x64x128xf32, #tpu.memory_space<vmem>> -> memref<64x128xf32, #tpu.memory_space<vmem>>
        tpu.enqueue_dma source(%dma_start3A_203 : memref<64x128xf32, #tpu.memory_space<vmem>>) target(%dma_start3A_199 : memref<64x128xf32, #tpu.memory_space<hbm>>) target_semaphore(%arg9 : memref<!tpu.dma_semaphore, #tpu.memory_space<semaphore_mem>>)
      }
      %scan3A_67 = arith.constant 25 : i32
    }
    %scan3A_28 = arith.constant 4 : i32
    %dma_wait3A = arith.constant 0 : i32
    %dma_wait3A_29 = arith.constant 0 : i32
    %dma_wait3A_30 = arith.constant 0 : i32
    %dma_wait3A_31 = arith.constant 0 : i32
    %dma_wait3A_32 = tpu.memref_slice %arg7[%dma_wait3A, %dma_wait3A_30, %dma_wait3A_31] : memref<2x64x128xf32, #tpu.memory_space<vmem>> -> memref<1x64x128xf32, #tpu.memory_space<vmem>>
    %dma_wait3A_33 = tpu.memref_squeeze %dma_wait3A_32 : memref<1x64x128xf32, #tpu.memory_space<vmem>> -> memref<64x128xf32, #tpu.memory_space<vmem>>
    %dma_wait3A_34 = tpu.memref_slice %arg4[%dma_wait3A_29, %min3A_21, %mul3A_23] : memref<50x1000x1024xf32, #tpu.memory_space<hbm>> -> memref<1x64x128xf32, #tpu.memory_space<hbm>>
    %dma_wait3A_35 = tpu.memref_squeeze %dma_wait3A_34 : memref<1x64x128xf32, #tpu.memory_space<hbm>> -> memref<64x128xf32, #tpu.memory_space<hbm>>
    %dma_wait3A_36 = tpu.memref_slice %arg4[%dma_wait3A_29, %min3A_21, %mul3A_23] : memref<50x1000x1024xf32, #tpu.memory_space<hbm>> -> memref<1x64x128xf32, #tpu.memory_space<hbm>>
    %dma_wait3A_37 = tpu.memref_squeeze %dma_wait3A_36 : memref<1x64x128xf32, #tpu.memory_space<hbm>> -> memref<64x128xf32, #tpu.memory_space<hbm>>
    %dma_wait3A_38 = arith.constant 0 : i32
    %dma_wait3A_39 = arith.constant 0 : i32
    %dma_wait3A_40 = tpu.memref_slice %arg7[%dma_wait3A, %dma_wait3A_38, %dma_wait3A_39] : memref<2x64x128xf32, #tpu.memory_space<vmem>> -> memref<1x64x128xf32, #tpu.memory_space<vmem>>
    %dma_wait3A_41 = tpu.memref_squeeze %dma_wait3A_40 : memref<1x64x128xf32, #tpu.memory_space<vmem>> -> memref<64x128xf32, #tpu.memory_space<vmem>>
    tpu.wait_dma2 semaphore(%arg8 : memref<!tpu.dma_semaphore, #tpu.memory_space<semaphore_mem>>) src(%dma_wait3A_41 : memref<64x128xf32, #tpu.memory_space<vmem>>) dst(%dma_wait3A_37 : memref<64x128xf32, #tpu.memory_space<hbm>>)
    %dma_wait3A_42 = arith.constant 1 : i32
    %dma_wait3A_43 = arith.constant 0 : i32
    %dma_wait3A_44 = arith.constant 0 : i32
    %dma_wait3A_45 = arith.constant 0 : i32
    %dma_wait3A_46 = tpu.memref_slice %arg7[%dma_wait3A_42, %dma_wait3A_44, %dma_wait3A_45] : memref<2x64x128xf32, #tpu.memory_space<vmem>> -> memref<1x64x128xf32, #tpu.memory_space<vmem>>
    %dma_wait3A_47 = tpu.memref_squeeze %dma_wait3A_46 : memref<1x64x128xf32, #tpu.memory_space<vmem>> -> memref<64x128xf32, #tpu.memory_space<vmem>>
    %dma_wait3A_48 = tpu.memref_slice %arg4[%dma_wait3A_43, %min3A_21, %mul3A_23] : memref<50x1000x1024xf32, #tpu.memory_space<hbm>> -> memref<1x64x128xf32, #tpu.memory_space<hbm>>
    %dma_wait3A_49 = tpu.memref_squeeze %dma_wait3A_48 : memref<1x64x128xf32, #tpu.memory_space<hbm>> -> memref<64x128xf32, #tpu.memory_space<hbm>>
    %dma_wait3A_50 = tpu.memref_slice %arg4[%dma_wait3A_43, %min3A_21, %mul3A_23] : memref<50x1000x1024xf32, #tpu.memory_space<hbm>> -> memref<1x64x128xf32, #tpu.memory_space<hbm>>
    %dma_wait3A_51 = tpu.memref_squeeze %dma_wait3A_50 : memref<1x64x128xf32, #tpu.memory_space<hbm>> -> memref<64x128xf32, #tpu.memory_space<hbm>>
    %dma_wait3A_52 = arith.constant 0 : i32
    %dma_wait3A_53 = arith.constant 0 : i32
    %dma_wait3A_54 = tpu.memref_slice %arg7[%dma_wait3A_42, %dma_wait3A_52, %dma_wait3A_53] : memref<2x64x128xf32, #tpu.memory_space<vmem>> -> memref<1x64x128xf32, #tpu.memory_space<vmem>>
    %dma_wait3A_55 = tpu.memref_squeeze %dma_wait3A_54 : memref<1x64x128xf32, #tpu.memory_space<vmem>> -> memref<64x128xf32, #tpu.memory_space<vmem>>
    tpu.wait_dma2 semaphore(%arg9 : memref<!tpu.dma_semaphore, #tpu.memory_space<semaphore_mem>>) src(%dma_wait3A_55 : memref<64x128xf32, #tpu.memory_space<vmem>>) dst(%dma_wait3A_51 : memref<64x128xf32, #tpu.memory_space<hbm>>)
    return
  }
}

module attributes {stable_mosaic.version = 14 : i64} {
  func.func @_mlp_t_body(%arg0: memref<1000x128xf32, #tpu.memory_space<vmem>>, %arg1: memref<128x128xf32, #tpu.memory_space<vmem>>, %arg2: memref<128x1000xf32, #tpu.memory_space<vmem>>, %arg3: memref<1000x1024xf32, #tpu.memory_space<vmem>>) attributes {dimension_semantics = [], scalar_prefetch = 0 : i64, scratch_operands = 0 : i64, tpu.core_type = #tpu.core_type<tc>} {
    %get3A = arith.constant 0 : index
    %get3A_0 = arith.constant 0 : index
    %get3A_1 = vector.load %arg0[%get3A, %get3A_0] : memref<1000x128xf32, #tpu.memory_space<vmem>>, vector<1000x128xf32>
    %get3A_2 = arith.constant 0 : index
    %get3A_3 = arith.constant 0 : index
    %get3A_4 = vector.load %arg1[%get3A_2, %get3A_3] : memref<128x128xf32, #tpu.memory_space<vmem>>, vector<128x128xf32>
    %dot_general3A = arith.constant dense<0.000000e+00> : vector<1000x128xf32>
    %dot_general3A_5 = tpu.matmul %get3A_1, %get3A_4, %dot_general3A {dimension_numbers = #tpu.dot_dimension_numbers<[1], [0], [0], [1], [0, 0, 1, 1], [], []>, transpose_lhs_hint = false} : vector<1000x128xf32>, vector<128x128xf32>, vector<1000x128xf32> -> vector<1000x128xf32>
    %max3A = arith.constant 0.000000e+00 : f32
    %max3A_6 = vector.broadcast %max3A : f32 to vector<1000x128xf32>
    %max3A_7 = arith.maximumf %dot_general3A_5, %max3A_6 : vector<1000x128xf32>
    %get3A_8 = arith.constant 0 : index
    %get3A_9 = arith.constant 0 : index
    %get3A_10 = vector.load %arg2[%get3A_8, %get3A_9] : memref<128x1000xf32, #tpu.memory_space<vmem>>, vector<128x1000xf32>
    %dot_general3A_11 = arith.constant dense<0.000000e+00> : vector<1000x1000xf32>
    %dot_general3A_12 = tpu.matmul %get3A_10, %max3A_7, %dot_general3A_11 {dimension_numbers = #tpu.dot_dimension_numbers<[0], [1], [1], [0], [0, 1, 1, 0], [], []>, transpose_lhs_hint = false} : vector<128x1000xf32>, vector<1000x128xf32>, vector<1000x1000xf32> -> vector<1000x1000xf32>
    %broadcast_in_dim3A = arith.constant 0.000000e+00 : f32
    %broadcast_in_dim3A_13 = vector.broadcast %broadcast_in_dim3A : f32 to vector<1000x24xf32>
    %concatenate3A = tpu.concatenate %dot_general3A_12, %broadcast_in_dim3A_13 in 1 : vector<1000x1000xf32>, vector<1000x24xf32> -> vector<1000x1024xf32>
    %swap3A = arith.constant 0 : index
    %swap3A_14 = arith.constant 0 : index
    %swap3A_15 = vector.load %arg3[%swap3A, %swap3A_14] : memref<1000x1024xf32, #tpu.memory_space<vmem>>, vector<1000x1024xf32>
    tpu.vector_store %arg3[%swap3A, %swap3A_14], %concatenate3A {strides = array<i32>} : memref<1000x1024xf32, #tpu.memory_space<vmem>>, vector<1000x1024xf32>,
    return
  }
}

</mosaic_0001>

<sc_bundles>
// kernel: kernel.4.cloned.1.call-start
scs
__scs_entry_jumppad:
0x0: {  	(pc) =	sbr.rel $0x88, $3  }
0x1: {  	(tag) =	ssettag $0x0;
	lr =	simm.s32 $0x1  }
0x2: {  	[smem:$0x3F9D] =	sst lr;
	_ =	strace $0xD0000000  }
0x3: {  	_ = 	snop  }
0x4: {  	_ = 	snop  }
0x5: {  	_ = 	snop  }
0x6: {  	_ = 	snop  }
0x7: {  	_ = 	snop  }
__scs_overlays_trampoline_lowered:
0x8: {  	[smem:$0x3FAC] =	sst s0  }
0x9: {  	[smem:$0x3FAD] =	sst s1  }
0xa: {  	[smem:$0x3FAE] =	sst s2  }
0xb: {  	[smem:$0x3FAF] =	sst s3  }
0xc: {  	[smem:$0x3FB0] =	sst s4  }
0xd: {  	[smem:$0x3FB1] =	sst s5  }
0xe: {  	[smem:$0x3FB2] =	sst s6  }
0xf: {  	[smem:$0x3FB3] =	sst s7  }
0x10: {  	[smem:$0x3FB4] =	sst s8  }
0x11: {  	[smem:$0x3FB5] =	sst s9;
	s0 =	simm.s32 @!p0 $0x0  }
0x12: {  	s1 =	sld [smem:$0x3F9B];
	s0 =	simm.s32 @p0 $0x1  }
0x13: {  	[smem:$0x3FB6] =	sst s0;
	s0 =	simm.s32 @!p1 $0x0  }
0x14: {  	s2 =	sld [smem:$0x3F9A];
	s0 =	simm.s32 @p1 $0x1  }
0x15: {  	[smem:$0x3FB7] =	sst s0;
	s0 =	simm.s32 @!p2 $0x0  }
0x16: {  	s3 =	sld [smem:$0x3FDB];
	s0 =	simm.s32 @p2 $0x1  }
0x17: {  	s4 =	simm.s32 $0x1BF5;
	[smem:$0x3FB9] =	sst s0  }
0x18: {  	s0 =	sld [smem:$0x3F9C];
	_ =	swait.ge [sflag:s4], $0x0  }
0x19: {  	s7 =	sld [smem:$0x3F9D]  }
0x1a: {  	s8 =	sadd.s32 $0xFFFFE003, lr  }
0x1b: {  	s9 =	sadd.s32 $0xFFFFFEF7, lr;
	s5 =	simm.s32 $0xFFFFFFFF;
	p2 =	slt.u32 s8, $0xFFFFF086  }
0x1c: {  	p1 =	slt.u32 s9, $0xF7A;
	s5 =	simm.s32 @!p2 $0x0  }
0x1d: {  	s5 =	simm.s32 @p1 $0x1;
	p0 =	seq.s32 s7, s2  }
0x1e: {  	s7 =	smul.u32 @!p0 $0xF7A, s2;
	p2 =	seq.s32 @!p0 s5, $0x0  }
0x1f: {  	s9 =	smul.u32 $0xF7A, s1;
	s8 =	simm.s32 @!p0 $0x1BF5;
	p2 =	por !p2, p0  }
0x20: {  	[sflag:s8] =	ssyncset.s32 @!p0 $0xFFFFF086;
	s6 =	sadd.s32 @!p0 s3, s7;
	s7 =	simm.s32 @!p0 $0x108  }
0x21: {  	s3 =	sadd.s32 s3, s9;
	s6 =	sadd.s32 @!p0 $0x88, s6;
	s7 =	simm.s32 @p2 $0x1082  }
0x22: {  	[simem:s7], [sflag:s8] =	dma.local @!p0 [hbm:s6], $0xF7A  }
0x23: {  	s9 =	sor.u32 $0xD0000000, s2;
	s6 =	simm.s32 $0x108;
	_ =	swait.ge @!p0 [sflag:s8], $0x0  }
0x24: {  	s3 =	sadd.s32 $0x88, s3;
	s6 =	simm.s32 @!p1 $0x1082;
	[sflag:s4] =	ssyncset.s32 $0xFFFFF086  }
0x25: {  	[simem:s6], [sflag:s4] =	dma.local [hbm:s3], $0xF7A  }
0x26: {  	[smem:$0x3F9D] =	sst s1;
	(tag) =	ssettag s2;
	_ =	strace s9  }
0x27: {  	s1 =	sld [smem:$0x3FAD]  }
0x28: {  	s2 =	sld [smem:$0x3FAE]  }
0x29: {  	s4 =	sld [smem:$0x3FB0]  }
0x2a: {  	p0 =	seq.s32 s5, $0x0;
	s5 =	sld [smem:$0x3FB1]  }
0x2b: {  	s6 =	sld [smem:$0x3FB2]  }
0x2c: {  	s7 =	sld [smem:$0x3FB3]  }
0x2d: {  	s3 =	simm.s32 $0x108;
	s8 =	sld [smem:$0x3FB4]  }
0x2e: {  	s3 =	simm.s32 @!p0 $0x1082;
	s9 =	sld [smem:$0x3FB5]  }
0x2f: {  	lr =	sadd.s32 s0, s3;
	s0 =	sld [smem:$0x3FAC]  }
0x30: {  	s3 =	sld [smem:$0x3FAF]  }
0x31: {  	[smem:$0x3FB8] =	sst s10  }
0x32: {  	s10 =	sld [smem:$0x3FB6];
	_ =	sdelay $0x3  }
0x33: {  	p0 =	seq.s32 s10, $0x1;
	s10 =	sld [smem:$0x3FB8];
	_ =	sdelay $0x3  }
0x34: {  	[smem:$0x3FB8] =	sst s10  }
0x35: {  	s10 =	sld [smem:$0x3FB7];
	_ =	sdelay $0x3  }
0x36: {  	p1 =	seq.s32 s10, $0x1;
	s10 =	sld [smem:$0x3FB8];
	_ =	sdelay $0x3  }
0x37: {  	[smem:$0x3FB8] =	sst s10  }
0x38: {  	s10 =	sld [smem:$0x3FB9]  }
0x39: {  	_ = 	snop;
	(pc) =	sbr.ind lr, $3  }
0x3a: {  	_ = 	snop  }
0x3b: {  	_ = 	snop  }
0x3c: {  	p2 =	seq.s32 s10, $0x1;
	s10 =	sld [smem:$0x3FB8]  }
0x3d: {  	_ =	shalt  }
0x3e: {  	_ =	shalt  }
0x3f: {  	_ =	shalt  }
0x40: {  	_ =	shalt  }
0x41: {  	_ =	shalt  }
0x42: {  	_ =	shalt  }
0x43: {  	_ =	shalt  }
0x44: {  	_ =	shalt  }
0x45: {  	_ =	shalt  }
0x46: {  	_ =	shalt  }
0x47: {  	_ =	shalt  }
0x48: {  	_ =	shalt  }
0x49: {  	_ =	shalt  }
0x4a: {  	_ =	shalt  }
0x4b: {  	_ =	shalt  }
0x4c: {  	_ =	shalt  }
0x4d: {  	_ =	shalt  }
0x4e: {  	_ =	shalt  }
0x4f: {  	_ =	shalt  }
0x50: {  	_ =	shalt  }
0x51: {  	_ =	shalt  }
0x52: {  	_ =	shalt  }
0x53: {  	_ =	shalt  }
0x54: {  	_ =	shalt  }
0x55: {  	_ =	shalt  }
0x56: {  	_ =	shalt  }
0x57: {  	_ =	shalt  }
0x58: {  	_ =	shalt  }
0x59: {  	_ =	shalt  }
0x5a: {  	_ =	shalt  }
0x5b: {  	_ =	shalt  }
0x5c: {  	_ =	shalt  }
0x5d: {  	_ =	shalt  }
0x5e: {  	_ =	shalt  }
0x5f: {  	_ =	shalt  }
0x60: {  	_ =	shalt  }
0x61: {  	_ =	shalt  }
0x62: {  	_ =	shalt  }
0x63: {  	_ =	shalt  }
0x64: {  	_ =	shalt  }
0x65: {  	_ =	shalt  }
0x66: {  	_ =	shalt  }
0x67: {  	_ =	shalt  }
0x68: {  	_ =	shalt  }
0x69: {  	_ =	shalt  }
0x6a: {  	_ =	shalt  }
0x6b: {  	_ =	shalt  }
0x6c: {  	_ =	shalt  }
0x6d: {  	_ =	shalt  }
0x6e: {  	_ =	shalt  }
0x6f: {  	_ =	shalt  }
0x70: {  	_ =	shalt  }
0x71: {  	_ =	shalt  }
0x72: {  	_ =	shalt  }
0x73: {  	_ =	shalt  }
0x74: {  	_ =	shalt  }
0x75: {  	_ =	shalt  }
0x76: {  	_ =	shalt  }
0x77: {  	_ =	shalt  }
0x78: {  	_ =	shalt  }
0x79: {  	_ =	shalt  }
0x7a: {  	_ =	shalt  }
0x7b: {  	_ =	shalt  }
0x7c: {  	_ =	shalt  }
0x7d: {  	_ =	shalt  }
0x7e: {  	_ =	shalt  }
0x7f: {  	_ =	shalt  }
0x80: {  	_ =	shalt  }
0x81: {  	_ =	shalt  }
0x82: {  	_ =	shalt  }
0x83: {  	_ =	shalt  }
0x84: {  	_ =	shalt  }
0x85: {  	_ =	shalt  }
0x86: {  	_ =	shalt  }
0x87: {  	_ =	shalt  }
.Lfunc_end0:
.L_simem_size_0:
called_computation_lowered:
.L_overlay_start_0:
0x88: {  	s2 =	sld [smem:$0x3FD9]  }
0x89: {  	s3 =	sld [smem:$0x3FFE];
	_ =	sdelay $0x1  }
0x8a: {  	s1 =	srdreg.scid  }
0x8b: {  	s0 =	sand.u32 $0x1, s1  }
0x8c: {  	s17 =	sshll.u32 s0, $0xA;
	s2 =	sadd.s32 s3, s2  }
0x8d: {  	s2 =	sadd.s32 s2, s17  }
0x8e: {  	[smem:$0x3FC4] =	sst s2  }
0x8f: {  	_ = 	snop  }
0x90: {  	s2 =	sld [smem:$0x3FC9]  }
0x91: {  	s18 =	sld [smem:$0x3FD0];
	(tm) =	ssettm $0x1  }
0x92: {  	s4 =	sld [smem:$0x3FFB];
	_ =	sdelay $0x3  }
0x93: {  	_ =	strace s4  }
0x94: {  	s4 =	sld [smem:$0x3FFC];
	_ =	sdelay $0x3  }
0x95: {  	_ =	strace s4  }
0x96: {  	s4 =	sld [smem:$0x3FFD];
	_ =	sdelay $0x3  }
0x97: {  	_ =	strace s4  }
0x98: {  	_ =	strace $0x8FFFFFFF  }
0x99: {  	s19 =	sld [smem:$0x3FDB];
	_ =	sdelay $0x1  }
0x9a: {  	s5 =	simm.s32 $_scs_section_size  }
0x9b: {  	s6 =	simm.s32 $_size__tile_overlayer_lowered;
	s7 =	simm.s32 $_tile_overlayer_lowered  }
0x9c: {  	s22 =	simm.s32 $0x1BFF;
	s21 =	sshll.u32 s7, $0x1;
	s4 =	sadd.s32 s5, s19  }
0x9d: {  	s8 =	simm.s32 $0x0;
	s20 =	sshll.u32 s6, $0x1;
	s6 =	sadd.s32 s21, s4  }
0x9e: {  	[timem:s8], [sflag:s22] =	dma.local [hbm:s6], s20  }
0x9f: {  	_ =	swait.ge [sflag:s22], s20  }
0xa0: {  	s5 =	ssub.s32 $0x0, s20;
	[sflag:s22] =	ssyncset.done $0x0  }
0xa1: {  	[sflag:s22] =	ssyncadd.s32 s5;
	_ =	sdelay $0x1  }
0xa2: {  	s23 =	simm.s32 $0x1B8B  }
0xa3: {  	_ =	swait.ge [sflag:s23], $0x1  }
0xa4: {  	[sflag:s23] =	ssyncset.done $0x0  }
0xa5: {  	s25 =	simm.s32 $0x1B8E;
	s24 =	sld [smem:$0x3FFE];
	[sflag:s23] =	ssyncadd.s32 $0xFFFFFFFF  }
0xa6: {  	s26 =	simm.s32 $execute0_lowered;
	[smem:$0x3FD2] =	sst s25  }
0xa7: {  	s6 =	sshll.u32 s26, $0x1;
	_ =	strace $0x80000046;
	[dreg:$0x1] =	wrdreg $0xFFFFFFFF  }
0xa8: {  	s28 =	simm.s32 $_size_execute0_lowered;
	s4 =	sadd.s32 s4, s6;
	[dreg:$0x0] =	wrdreg $0x0  }
0xa9: {  	s6 =	sshll.u32 s28, $0x1;
	[dreg:$0x2] =	wrdreg s4  }
0xaa: {  	[dreg:$0x3] =	wrdreg s6  }
0xab: {  	[dreg:$0x4] =	wrdreg $0xC0  }
0xac: {  	_ =	task [dreg:s8], $0x5FFFF  }
0xad: {  	[dreg:$0x1] =	wrdreg $0xFFFFFFFF  }
0xae: {  	[dreg:$0x0] =	wrdreg $0x60  }
0xaf: {  	[dreg:$0x2] =	wrdreg s2  }
0xb0: {  	[dreg:$0x3] =	wrdreg s24  }
0xb1: {  	[dreg:$0x4] =	wrdreg s18  }
0xb2: {  	[dreg:$0x5] =	wrdreg $0x9  }
0xb3: {  	_ =	task.clear_ibuf [dreg:s8], $0x6FFFF;
	_ =	strace $0x90000046  }
0xb4: {  	s29 =	simm.s32 $0x9;
	_ =	strace $0x80000048  }
0xb5: {  	_ =	swait.ge [sflag:s29], $0x1  }
0xb6: {  	[sflag:s29] =	ssyncadd.s32 $0xFFFFFFFF  }
0xb7: {  	_ =	strace $0x90000048  }
0xb8: {  	_ =	sfence  }
0xb9: {  	s30 =	sld [smem:$0x0];
	_ =	sdelay $0x2  }
0xba: {  	s31 =	sshll.u32 s1, $0xD;
	s1 =	sshrl.u32 s1, $0x2  }
0xbb: {  	s3 =	sand.u32 $0x4000, s31;
	s1 =	sadd.s32 s1, s30  }
0xbc: {  	s0 =	sor.u32 s3, s0;
	s1 =	sshll.u32 s1, $0x11  }
0xbd: {  	s0 =	sor.u32 s1, s0  }
0xbe: {  	s0 =	sadd.s32 $0x8F2B, s0  }
0xbf: {  	[sflag:s0] =	ssyncadd.remote.s32 $0x1  }
0xc0: {  	_ =	sfence.sel $0xFFFF  }
0xc1: {  	[dreg:$0x0] =	wrdreg $0xFFFFFFFF;
	(pc) =	sbr.abs _section_cstart, $3  }
0xc2: {  	[dreg:$0x1] =	wrdreg $0xFFFFFFFF  }
0xc3: {  	_ =	task.clear_ibuf [dreg:s8], $0x2FFFF;
	_ =	strace $0x9FFFFFFF  }
0xc4: {  	(tm) =	ssettm $0x7FFFFFFF  }
0xc5: {  	_ =	shalt  }
tec
execute0_lowered:
.L_overlay_start_1:
0x0: {  	(tag) =	ssettag $0x1  }
0x1: {  	s7 =	rddreg [dreg:$0x0]  }
0x2: {  	s4 =	rddreg [dreg:$0x1]  }
0x3: {  	s2 =	rddreg [dreg:$0x2]  }
0x4: {  	s0 =	rddreg [dreg:$0x3]  }
0x5: {  	s3 =	simm.s32 $0x0;
	s1 =	stileid.u32;
	s5 =	srdreg.scid  }
0x6: {  	s11 =	simm.s32 $0x2000;
	s12 =	simm.s32 $0x1800;
	s13 =	simm.s32 $0x3  }
0x7: {  	s14 =	simm.s32 $0x1C00;
	s15 =	simm.s32 $0x11C00;
	s16 =	simm.s32 $0x13C00  }
0x8: {  	s17 =	simm.s32 $0x1;
	s18 =	simm.s32 $0x2;
	s19 =	simm.s32 $0x0  }
0x9: {  	[smem:$0x7FF] =	sst s3;
	s6 =	sshll.u32 s1, $0x1;
	s4 =	sadd.s32 $0x800, s4  }
0xa: {  	s5 =	sand.u32 $0x1, s5;
	s31 =	sshll.u32 s1, $0x6;
	s6 =	sand.u32 $0x6, s6  }
0xb: {  	_ =	strace $0x80000047;
	s8 =	ssub.s32 $0x2, s5;
	s5 =	sor.u32 s5, s6  }
0xc: {  	s9 =	sshrl.u32 s8, $0x1;
	s6 =	sand.u32 $0x300, s31;
	s10 =	sshll.u32 s5, $0x7  }
0xd: {  	s9 =	ssub.s32 s8, s9;
	s6 =	smin.u32 s6, $0x2E8;
	s7 =	sadd.s32 s7, s10  }
0xe: {  	s9 =	smax.u32 s9, $0x1;
	s10 =	simm.s32 $0x400;
	s8 =	sadd.s32 $0x1800, s7  }
.LBB2_1:
0xf: {  	[tilespmem:s3], [sflag:$0x3] =	stream.strided.gather [hbm4b:s7+s10], $0x1800, s11, s10, $0x38;
	[tilespmem:$0x15C00] =	vst v63  }
0x10: {  	_ = 	snop  }
0x11: {  	[tilespmem:s12], [sflag:$0x3] =	stream.linear.gather [hbm4b:s8+s3], $0x100, $0x38;
	[tilespmem:$0x15C00] =	vst v63  }
0x12: {  	_ =	swait.ge [sflag:s13], $0x1900  }
0x13: {  	[sflag:s13] =	ssyncset.done $0x0  }
0x14: {  	s20 =	simm.s32 $0x0;
	[sflag:s13] =	ssyncadd.s32 $0xFFFFE700  }
.LBB2_2:
0x15: {  	s21 =	sshll.u32 s20, $0x6  }
0x16: {  	s22 =	sadd.s32 s6, s21  }
0x17: {  	s21 =	sshll.u32 s22, $0x7  }
0x18: {  	s23 =	sadd.s32 s4, s21;
	s21 =	simm.s32 $0x0  }
0x19: {  	[tilespmem:s14], [sflag:$0x3] =	stream.linear.gather [hbm4b:s23+s21], $0x10000, $0x38;
	[tilespmem:$0x15C00] =	vst v63  }
0x1a: {  	_ =	swait.ge [sflag:s13], $0x10000  }
0x1b: {  	s24 =	simm.s32 $0x0;
	s31 =	sor.u32 s5, s22;
	[sflag:s13] =	ssyncset.done $0x0  }
0x1c: {  	s22 =	smul.u32 $0x32, s20;
	s23 =	sshll.u32 s31, $0xA;
	[sflag:s13] =	ssyncadd.s32 $0xFFFF0000  }
.LBB2_3:
0x1d: {  	_ = 	snop  }
0x1e: {  	s25 =	sor.u32 s22, s24  }
0x1f: {  	p0 =	seq.s32 s25, $0x0  }
0x20: {  	s25 =	simm.s32 @!p0 $0x1  }
0x21: {  	_ =	swait.ge @!p0 [sflag:s25], $0x2000  }
0x22: {  	s26 =	sshll.u32 s24, $0x8;
	[sflag:s25] =	ssyncset.done @!p0 $0x0  }
0x23: {  	s26 =	sand.u32 $0x3FFFFF00, s26;
	[sflag:s25] =	ssyncadd.s32 @!p0 $0xFFFFE000  }
0x24: {  	v6 =	vld [tilespmem:s26+$0x0]  }
0x25: {  	v5 =	vld [tilespmem:s26+$0x10]  }
0x26: {  	v4 =	vld [tilespmem:s26+$0x20]  }
0x27: {  	v2 =	vld [tilespmem:s26+$0x30]  }
0x28: {  	v0 =	vld [tilespmem:s26+$0x40]  }
0x29: {  	v3 =	vld [tilespmem:s26+$0x50]  }
0x2a: {  	s31 =	simm.s32 $0x400;
	v1 =	vld [tilespmem:s26+$0x60]  }
0x2b: {  	v7 =	vld [tilespmem:s26+$0x70];
	s26 =	simm.s32 $0xC00;
	v8 =	vadd.s32 s31, v6  }
0x2c: {  	v24 =	vadd.s32 s26, v6  }
0x2d: {  	v25 =	vadd.s32 s26, v5  }
0x2e: {  	v26 =	vadd.s32 s26, v4  }
0x2f: {  	v27 =	vadd.s32 s26, v2  }
0x30: {  	v9 =	vadd.s32 s31, v5;
	v28 =	vadd.s32 s26, v0;
	v8 =	vld.idx.msk [tilespmem:v8+s14+$0x0], $0xffff  }
0x31: {  	v10 =	vadd.s32 s31, v4;
	v11 =	vadd.s32 s31, v2;
	v29 =	vadd.s32 s26, v3;
	v24 =	vld.idx.msk [tilespmem:v24+s14+$0x0], $0xffff  }
0x32: {  	v12 =	vadd.s32 s31, v0;
	v13 =	vadd.s32 s31, v3;
	v30 =	vadd.s32 s26, v1;
	v25 =	vld.idx.msk [tilespmem:v25+s14+$0x0], $0xffff  }
0x33: {  	v14 =	vadd.s32 s31, v1;
	v15 =	vadd.s32 s31, v7;
	s31 =	simm.s32 $0x800;
	v31 =	vadd.s32 s26, v7;
	v26 =	vld.idx.msk [tilespmem:v26+s14+$0x0], $0xffff  }
0x34: {  	v16 =	vadd.s32 s31, v6;
	v27 =	vld.idx.msk [tilespmem:v27+s14+$0x0], $0xffff  }
0x35: {  	v17 =	vadd.s32 s31, v5;
	v28 =	vld.idx.msk [tilespmem:v28+s14+$0x0], $0xffff  }
0x36: {  	v18 =	vadd.s32 s31, v4;
	v29 =	vld.idx.msk [tilespmem:v29+s14+$0x0], $0xffff  }
0x37: {  	v19 =	vadd.s32 s31, v2;
	v30 =	vld.idx.msk [tilespmem:v30+s14+$0x0], $0xffff  }
0x38: {  	v20 =	vadd.s32 s31, v0;
	v31 =	vld.idx.msk [tilespmem:v31+s14+$0x0], $0xffff  }
0x39: {  	v21 =	vadd.s32 s31, v3;
	v16 =	vld.idx.msk [tilespmem:v16+s14+$0x0], $0xffff  }
0x3a: {  	v22 =	vadd.s32 s31, v1;
	v17 =	vld.idx.msk [tilespmem:v17+s14+$0x0], $0xffff  }
0x3b: {  	s26 =	simm.s32 $0x1400;
	v23 =	vadd.s32 s31, v7;
	v18 =	vld.idx.msk [tilespmem:v18+s14+$0x0], $0xffff  }
0x3c: {  	v40 =	vadd.s32 s26, v6;
	v19 =	vld.idx.msk [tilespmem:v19+s14+$0x0], $0xffff  }
0x3d: {  	v41 =	vadd.s32 s26, v5;
	v20 =	vld.idx.msk [tilespmem:v20+s14+$0x0], $0xffff  }
0x3e: {  	v42 =	vadd.s32 s26, v4;
	v21 =	vld.idx.msk [tilespmem:v21+s14+$0x0], $0xffff  }
0x3f: {  	v43 =	vadd.s32 s26, v2;
	v22 =	vld.idx.msk [tilespmem:v22+s14+$0x0], $0xffff  }
0x40: {  	v44 =	vadd.s32 s26, v0;
	v23 =	vld.idx.msk [tilespmem:v23+s14+$0x0], $0xffff  }
0x41: {  	v45 =	vadd.s32 s26, v3;
	v40 =	vld.idx.msk [tilespmem:v40+s14+$0x0], $0xffff  }
0x42: {  	v46 =	vadd.s32 s26, v1;
	v41 =	vld.idx.msk [tilespmem:v41+s14+$0x0], $0xffff  }
0x43: {  	s31 =	simm.s32 $0x1000;
	v47 =	vadd.s32 s26, v7;
	v42 =	vld.idx.msk [tilespmem:v42+s14+$0x0], $0xffff  }
0x44: {  	v32 =	vadd.s32 s31, v6;
	v43 =	vld.idx.msk [tilespmem:v43+s14+$0x0], $0xffff  }
0x45: {  	v33 =	vadd.s32 s31, v5;
	v44 =	vld.idx.msk [tilespmem:v44+s14+$0x0], $0xffff  }
0x46: {  	v45 =	vld.idx.msk [tilespmem:v45+s14+$0x0], $0xffff  }
0x47: {  	v34 =	vadd.s32 s31, v4;
	v46 =	vld.idx.msk [tilespmem:v46+s14+$0x0], $0xffff  }
0x48: {  	v35 =	vadd.s32 s31, v2;
	v47 =	vld.idx.msk [tilespmem:v47+s14+$0x0], $0xffff  }
0x49: {  	v36 =	vadd.s32 s31, v0;
	v32 =	vld.idx.msk [tilespmem:v32+s14+$0x0], $0xffff  }
0x4a: {  	v37 =	vadd.s32 s31, v3;
	v33 =	vld.idx.msk [tilespmem:v33+s14+$0x0], $0xffff  }
0x4b: {  	[tilespmem:$0x1FE20] =	vst v8;
	v8 =	vld.idx.msk [tilespmem:v9+s14+$0x0], $0xffff  }
0x4c: {  	v38 =	vadd.s32 s31, v1;
	v34 =	vld.idx.msk [tilespmem:v34+s14+$0x0], $0xffff  }
0x4d: {  	s26 =	simm.s32 $0x1C00;
	v39 =	vadd.s32 s31, v7;
	v35 =	vld.idx.msk [tilespmem:v35+s14+$0x0], $0xffff  }
0x4e: {  	v56 =	vadd.s32 s26, v6;
	v36 =	vld.idx.msk [tilespmem:v36+s14+$0x0], $0xffff  }
0x4f: {  	v57 =	vadd.s32 s26, v7;
	v37 =	vld.idx.msk [tilespmem:v37+s14+$0x0], $0xffff  }
0x50: {  	[tilespmem:$0x1FE30] =	vst v8;
	v8 =	vld.idx.msk [tilespmem:v10+s14+$0x0], $0xffff  }
0x51: {  	v58 =	vadd.s32 s26, v5;
	v38 =	vld.idx.msk [tilespmem:v38+s14+$0x0], $0xffff  }
0x52: {  	v59 =	vadd.s32 s26, v4;
	v39 =	vld.idx.msk [tilespmem:v39+s14+$0x0], $0xffff  }
0x53: {  	v60 =	vadd.s32 s26, v2;
	v56 =	vld.idx.msk [tilespmem:v56+s14+$0x0], $0xffff  }
0x54: {  	v61 =	vadd.s32 s26, v0;
	v57 =	vld.idx.msk [tilespmem:v57+s14+$0x0], $0xffff  }
0x55: {  	[tilespmem:$0x1FE40] =	vst v8;
	v8 =	vld.idx.msk [tilespmem:v11+s14+$0x0], $0xffff  }
0x56: {  	v62 =	vadd.s32 s26, v3;
	v58 =	vld.idx.msk [tilespmem:v58+s14+$0x0], $0xffff  }
0x57: {  	s31 =	simm.s32 $0x1800;
	v63 =	vadd.s32 s26, v1;
	v59 =	vld.idx.msk [tilespmem:v59+s14+$0x0], $0xffff  }
0x58: {  	v48 =	vadd.s32 s31, v6;
	v60 =	vld.idx.msk [tilespmem:v60+s14+$0x0], $0xffff  }
0x59: {  	v49 =	vadd.s32 s31, v5;
	v61 =	vld.idx.msk [tilespmem:v61+s14+$0x0], $0xffff  }
0x5a: {  	[tilespmem:$0x1FE50] =	vst v8;
	v8 =	vld.idx.msk [tilespmem:v12+s14+$0x0], $0xffff  }
0x5b: {  	v50 =	vadd.s32 s31, v4;
	v62 =	vld.idx.msk [tilespmem:v62+s14+$0x0], $0xffff  }
0x5c: {  	v51 =	vadd.s32 s31, v2;
	v63 =	vld.idx.msk [tilespmem:v63+s14+$0x0], $0xffff  }
0x5d: {  	v52 =	vadd.s32 s31, v0;
	v48 =	vld.idx.msk [tilespmem:v48+s14+$0x0], $0xffff  }
0x5e: {  	v53 =	vadd.s32 s31, v3;
	v49 =	vld.idx.msk [tilespmem:v49+s14+$0x0], $0xffff  }
0x5f: {  	[tilespmem:$0x1FE60] =	vst v8;
	v8 =	vld.idx.msk [tilespmem:v13+s14+$0x0], $0xffff  }
0x60: {  	v54 =	vadd.s32 s31, v1;
	v50 =	vld.idx.msk [tilespmem:v50+s14+$0x0], $0xffff  }
0x61: {  	v55 =	vadd.s32 s31, v7;
	v51 =	vld.idx.msk [tilespmem:v51+s14+$0x0], $0xffff  }
0x62: {  	v52 =	vld.idx.msk [tilespmem:v52+s14+$0x0], $0xffff  }
0x63: {  	v53 =	vld.idx.msk [tilespmem:v53+s14+$0x0], $0xffff  }
0x64: {  	[tilespmem:$0x1FE70] =	vst v8;
	v8 =	vld.idx.msk [tilespmem:v14+s14+$0x0], $0xffff  }
0x65: {  	v54 =	vld.idx.msk [tilespmem:v54+s14+$0x0], $0xffff  }
0x66: {  	v55 =	vld.idx.msk [tilespmem:v55+s14+$0x0], $0xffff  }
0x67: {  	v9 =	vld.idx.msk [tilespmem:v5+s14+$0x0], $0xffff  }
0x68: {  	v10 =	vld.idx.msk [tilespmem:v4+s14+$0x0], $0xffff  }
0x69: {  	[tilespmem:$0x1FE80] =	vst v8;
	v8 =	vld.idx.msk [tilespmem:v15+s14+$0x0], $0xffff  }
0x6a: {  	v11 =	vld.idx.msk [tilespmem:v2+s14+$0x0], $0xffff  }
0x6b: {  	v12 =	vld.idx.msk [tilespmem:v0+s14+$0x0], $0xffff  }
0x6c: {  	v13 =	vld.idx.msk [tilespmem:v3+s14+$0x0], $0xffff  }
0x6d: {  	v14 =	vld.idx.msk [tilespmem:v1+s14+$0x0], $0xffff  }
0x6e: {  	s25 =	simm.s32 $0x11E00;
	v15 =	vld.idx.msk [tilespmem:v7+s14+$0x0], $0xffff;
	[tilespmem:$0x1FE90] =	vst v8  }
0x6f: {  	v8 =	vld.idx.msk [tilespmem:v6+s14+$0x0], $0xffff;
	[tilespmem:s25+$0x1F0] =	vst v57  }
0x70: {  	[tilespmem:s25+$0xFFFFFF00] =	vst v16  }
0x71: {  	[tilespmem:s25+$0xFFFFFF10] =	vst v17  }
0x72: {  	[tilespmem:s25+$0xFFFFFF20] =	vst v18  }
0x73: {  	[tilespmem:s25+$0xFFFFFF30] =	vst v19  }
0x74: {  	[tilespmem:s25+$0xFFFFFF40] =	vst v20  }
0x75: {  	[tilespmem:s25+$0xFFFFFF50] =	vst v21  }
0x76: {  	[tilespmem:s25+$0xFFFFFF60] =	vst v22  }
0x77: {  	[tilespmem:s25+$0xFFFFFF70] =	vst v23  }
0x78: {  	[tilespmem:s25+$0xFFFFFF80] =	vst v24  }
0x79: {  	[tilespmem:s25+$0xFFFFFF90] =	vst v25  }
0x7a: {  	[tilespmem:s25+$0xFFFFFFA0] =	vst v26  }
0x7b: {  	[tilespmem:s25+$0xFFFFFFB0] =	vst v27  }
0x7c: {  	[tilespmem:s25+$0xFFFFFFC0] =	vst v28  }
0x7d: {  	[tilespmem:s25+$0xFFFFFFD0] =	vst v29  }
0x7e: {  	[tilespmem:s25+$0xFFFFFFE0] =	vst v30  }
0x7f: {  	[tilespmem:s25+$0xFFFFFFF0] =	vst v31  }
0x80: {  	[tilespmem:s25+$0x0] =	vst v32  }
0x81: {  	[tilespmem:s25+$0x10] =	vst v33  }
0x82: {  	[tilespmem:s25+$0x20] =	vst v34  }
0x83: {  	[tilespmem:s25+$0x30] =	vst v35  }
0x84: {  	[tilespmem:s25+$0x40] =	vst v36  }
0x85: {  	[tilespmem:s25+$0x50] =	vst v37  }
0x86: {  	[tilespmem:s25+$0x60] =	vst v38  }
0x87: {  	v57 =	vld [tilespmem:$0x1FE20];
	[tilespmem:s25+$0x70] =	vst v39  }
0x88: {  	[tilespmem:s25+$0x80] =	vst v40  }
0x89: {  	[tilespmem:s25+$0x90] =	vst v41  }
0x8a: {  	[tilespmem:s25+$0xA0] =	vst v42  }
0x8b: {  	[tilespmem:s25+$0xB0] =	vst v43  }
0x8c: {  	[tilespmem:s25+$0xFFFFFE80] =	vst v57;
	v57 =	vld [tilespmem:$0x1FE30]  }
0x8d: {  	[tilespmem:s25+$0xC0] =	vst v44  }
0x8e: {  	[tilespmem:s25+$0xD0] =	vst v45  }
0x8f: {  	[tilespmem:s25+$0xE0] =	vst v46  }
0x90: {  	[tilespmem:s25+$0xF0] =	vst v47  }
0x91: {  	[tilespmem:s25+$0xFFFFFE90] =	vst v57;
	v57 =	vld [tilespmem:$0x1FE40]  }
0x92: {  	[tilespmem:s25+$0x100] =	vst v48  }
0x93: {  	[tilespmem:s25+$0x110] =	vst v49  }
0x94: {  	[tilespmem:s25+$0x120] =	vst v50  }
0x95: {  	[tilespmem:s25+$0x130] =	vst v51  }
0x96: {  	[tilespmem:s25+$0xFFFFFEA0] =	vst v57;
	v57 =	vld [tilespmem:$0x1FE50]  }
0x97: {  	[tilespmem:s25+$0x140] =	vst v52  }
0x98: {  	[tilespmem:s25+$0x150] =	vst v53  }
0x99: {  	[tilespmem:s25+$0x160] =	vst v54  }
0x9a: {  	[tilespmem:s25+$0x170] =	vst v55  }
0x9b: {  	[tilespmem:s25+$0xFFFFFEB0] =	vst v57;
	v57 =	vld [tilespmem:$0x1FE60]  }
0x9c: {  	[tilespmem:s25+$0x180] =	vst v56  }
0x9d: {  	[tilespmem:s25+$0x190] =	vst v58  }
0x9e: {  	[tilespmem:s25+$0x1A0] =	vst v59  }
0x9f: {  	[tilespmem:s25+$0x1B0] =	vst v60  }
0xa0: {  	[tilespmem:s25+$0xFFFFFEC0] =	vst v57;
	v57 =	vld [tilespmem:$0x1FE70]  }
0xa1: {  	[tilespmem:s25+$0x1C0] =	vst v61  }
0xa2: {  	[tilespmem:s25+$0x1D0] =	vst v62  }
0xa3: {  	[tilespmem:s25+$0x1E0] =	vst v63  }
0xa4: {  	[tilespmem:s25+$0xFFFFFE10] =	vst v9  }
0xa5: {  	[tilespmem:s25+$0xFFFFFED0] =	vst v57;
	v57 =	vld [tilespmem:$0x1FE80]  }
0xa6: {  	[tilespmem:s25+$0xFFFFFE20] =	vst v10  }
0xa7: {  	[tilespmem:s25+$0xFFFFFE30] =	vst v11  }
0xa8: {  	[tilespmem:s25+$0xFFFFFE40] =	vst v12  }
0xa9: {  	[tilespmem:s25+$0xFFFFFE00] =	vst v8  }
0xaa: {  	v8 =	vadd.s32 $0x2000, v6;
	[tilespmem:s25+$0xFFFFFEE0] =	vst v57;
	v57 =	vld [tilespmem:$0x1FE90]  }
0xab: {  	[tilespmem:$0x1FEA0] =	vst v8;
	v8 =	vadd.s32 s21, v8  }
0xac: {  	[tilespmem:s25+$0xFFFFFE50] =	vst v13  }
0xad: {  	[tilespmem:s25+$0xFFFFFE60] =	vst v14  }
0xae: {  	[tilespmem:s25+$0xFFFFFE70] =	vst v15  }
0xaf: {  	[tilespmem:s25+$0xFFFFFEF0] =	vst v57  }
0xb0: {  	v8 =	vld.idx.msk [tilespmem:v8+s14+$0x0], $0xffff;
	_ =	sdelay $0x2  }
0xb1: {  	v9 =	vadd.s32 $0x2000, v5  }
0xb2: {  	v13 =	vadd.s32 $0x2000, v3;
	[tilespmem:$0x1FEB0] =	vst v9;
	v9 =	vadd.s32 s21, v9  }
0xb3: {  	[tilespmem:$0x1FEF0] =	vst v8;
	v8 =	vadd.s32 s21, v13;
	_ =	sdelay $0x1  }
0xb4: {  	v14 =	vadd.s32 $0x2000, v1  }
0xb5: {  	v10 =	vadd.s32 $0x2000, v4;
	[tilespmem:$0x1FF20] =	vst v14;
	v14 =	vadd.s32 s21, v14  }
0xb6: {  	s31 =	simm.s32 $0x2400;
	[tilespmem:$0x1FEC0] =	vst v10;
	v10 =	vadd.s32 s21, v10;
	v9 =	vld.idx.msk [tilespmem:v9+s14+$0x0], $0xffff  }
0xb7: {  	v16 =	vadd.s32 s31, v6;
	v8 =	vld.idx.msk [tilespmem:v8+s14+$0x0], $0xffff  }
0xb8: {  	v17 =	vadd.s32 s31, v5  }
0xb9: {  	v11 =	vadd.s32 $0x2000, v2;
	v18 =	vadd.s32 s31, v2  }
0xba: {  	v19 =	vadd.s32 s31, v0;
	[tilespmem:$0x1FED0] =	vst v11;
	v14 =	vld.idx.msk [tilespmem:v14+s14+$0x0], $0xffff  }
0xbb: {  	v11 =	vadd.s32 s21, v11;
	[tilespmem:$0x1FF10] =	vst v9;
	v9 =	vld.idx.msk [tilespmem:v10+s14+$0x0], $0xffff  }
0xbc: {  	v24 =	vld.idx.msk [tilespmem:v16+s14+$0x0], $0xffff;
	[tilespmem:$0x1FF70] =	vst v8;
	v8 =	vadd.s32 s31, v4  }
0xbd: {  	v16 =	vadd.s32 s31, v3;
	v25 =	vld.idx.msk [tilespmem:v17+s14+$0x0], $0xffff  }
0xbe: {  	v12 =	vadd.s32 $0x2000, v0;
	[tilespmem:$0x1FF00] =	vst v13;
	v17 =	vadd.s32 s31, v1;
	v27 =	vld.idx.msk [tilespmem:v18+s14+$0x0], $0xffff;
	v13 =	vadd.s32 $0x2000, v7  }
0xbf: {  	[tilespmem:$0x1FEE0] =	vst v12;
	v28 =	vld.idx.msk [tilespmem:v19+s14+$0x0], $0xffff;
	v15 =	vadd.s32 s21, v13  }
0xc0: {  	v12 =	vadd.s32 s21, v12;
	[tilespmem:$0x1FF30] =	vst v9;
	v9 =	vld.idx.msk [tilespmem:v11+s14+$0x0], $0xffff  }
0xc1: {  	v26 =	vld.idx.msk [tilespmem:v8+s14+$0x0], $0xffff;
	v8 =	vadd.s32 s31, v7;
	s31 =	simm.s32 $0x2800  }
0xc2: {  	v29 =	vld.idx.msk [tilespmem:v16+s14+$0x0], $0xffff;
	v18 =	vadd.s32 s31, v6  }
0xc3: {  	v30 =	vld.idx.msk [tilespmem:v17+s14+$0x0], $0xffff;
	v19 =	vadd.s32 s31, v5  }
0xc4: {  	v15 =	vld.idx.msk [tilespmem:v15+s14+$0x0], $0xffff;
	v16 =	vadd.s32 s31, v4  }
0xc5: {  	[tilespmem:$0x1FF50] =	vst v9;
	v9 =	vld.idx.msk [tilespmem:v12+s14+$0x0], $0xffff;
	v17 =	vadd.s32 s31, v2  }
0xc6: {  	v31 =	vld.idx.msk [tilespmem:v8+s14+$0x0], $0xffff;
	v8 =	vadd.s32 s31, v0  }
0xc7: {  	v32 =	vld.idx.msk [tilespmem:v18+s14+$0x0], $0xffff;
	v18 =	vadd.s32 s31, v3  }
0xc8: {  	v33 =	vld.idx.msk [tilespmem:v19+s14+$0x0], $0xffff;
	v19 =	vadd.s32 s31, v1  }
0xc9: {  	v34 =	vld.idx.msk [tilespmem:v16+s14+$0x0], $0xffff;
	v16 =	vadd.s32 s31, v7;
	s31 =	simm.s32 $0x2C00  }
0xca: {  	v35 =	vld.idx.msk [tilespmem:v17+s14+$0x0], $0xffff;
	v17 =	vadd.s32 s31, v6  }
0xcb: {  	v36 =	vld.idx.msk [tilespmem:v8+s14+$0x0], $0xffff;
	v8 =	vadd.s32 s31, v5  }
0xcc: {  	v37 =	vld.idx.msk [tilespmem:v18+s14+$0x0], $0xffff;
	v18 =	vadd.s32 s31, v4  }
0xcd: {  	v38 =	vld.idx.msk [tilespmem:v19+s14+$0x0], $0xffff;
	v19 =	vadd.s32 s31, v2  }
0xce: {  	v39 =	vld.idx.msk [tilespmem:v16+s14+$0x0], $0xffff;
	v16 =	vadd.s32 s31, v0  }
0xcf: {  	v40 =	vld.idx.msk [tilespmem:v17+s14+$0x0], $0xffff;
	v17 =	vadd.s32 s31, v3  }
0xd0: {  	v41 =	vld.idx.msk [tilespmem:v8+s14+$0x0], $0xffff;
	v8 =	vadd.s32 s31, v1  }
0xd1: {  	v42 =	vld.idx.msk [tilespmem:v18+s14+$0x0], $0xffff;
	v18 =	vadd.s32 s31, v7;
	s31 =	simm.s32 $0x3000  }
0xd2: {  	v43 =	vld.idx.msk [tilespmem:v19+s14+$0x0], $0xffff;
	v19 =	vadd.s32 s31, v6  }
0xd3: {  	v44 =	vld.idx.msk [tilespmem:v16+s14+$0x0], $0xffff;
	v16 =	vadd.s32 s31, v5  }
0xd4: {  	v45 =	vld.idx.msk [tilespmem:v17+s14+$0x0], $0xffff;
	v17 =	vadd.s32 s31, v4  }
0xd5: {  	v46 =	vld.idx.msk [tilespmem:v8+s14+$0x0], $0xffff;
	v8 =	vadd.s32 s31, v2  }
0xd6: {  	v47 =	vld.idx.msk [tilespmem:v18+s14+$0x0], $0xffff;
	v18 =	vadd.s32 s31, v0  }
0xd7: {  	v48 =	vld.idx.msk [tilespmem:v19+s14+$0x0], $0xffff;
	v19 =	vadd.s32 s31, v3  }
0xd8: {  	v49 =	vld.idx.msk [tilespmem:v16+s14+$0x0], $0xffff;
	v16 =	vadd.s32 s31, v1  }
0xd9: {  	v50 =	vld.idx.msk [tilespmem:v17+s14+$0x0], $0xffff;
	v17 =	vadd.s32 s31, v7;
	s31 =	simm.s32 $0x3400  }
0xda: {  	v51 =	vld.idx.msk [tilespmem:v8+s14+$0x0], $0xffff;
	v8 =	vadd.s32 s31, v6  }
0xdb: {  	v52 =	vld.idx.msk [tilespmem:v18+s14+$0x0], $0xffff;
	v18 =	vadd.s32 s31, v5  }
0xdc: {  	v53 =	vld.idx.msk [tilespmem:v19+s14+$0x0], $0xffff;
	v19 =	vadd.s32 s31, v4  }
0xdd: {  	v54 =	vld.idx.msk [tilespmem:v16+s14+$0x0], $0xffff;
	v16 =	vadd.s32 s31, v2  }
0xde: {  	v55 =	vld.idx.msk [tilespmem:v17+s14+$0x0], $0xffff;
	v17 =	vadd.s32 s31, v0  }
0xdf: {  	v56 =	vld.idx.msk [tilespmem:v8+s14+$0x0], $0xffff;
	v8 =	vadd.s32 s31, v3  }
0xe0: {  	v57 =	vld.idx.msk [tilespmem:v18+s14+$0x0], $0xffff;
	v18 =	vadd.s32 s31, v1  }
0xe1: {  	[tilespmem:$0x1FF80] =	vst v5;
	v58 =	vld.idx.msk [tilespmem:v19+s14+$0x0], $0xffff;
	v19 =	vadd.s32 s31, v7;
	s31 =	simm.s32 $0x3800  }
0xe2: {  	[tilespmem:$0x1FF90] =	vst v4;
	v59 =	vld.idx.msk [tilespmem:v16+s14+$0x0], $0xffff;
	v16 =	vadd.s32 s31, v6  }
0xe3: {  	[tilespmem:$0x1FFA0] =	vst v2;
	v60 =	vld.idx.msk [tilespmem:v17+s14+$0x0], $0xffff;
	v17 =	vadd.s32 s31, v5  }
0xe4: {  	[tilespmem:$0x1FFB0] =	vst v0;
	v22 =	vadd.s32 s31, v2;
	v61 =	vld.idx.msk [tilespmem:v8+s14+$0x0], $0xffff  }
0xe5: {  	[tilespmem:$0x1FFC0] =	vst v3;
	v8 =	vadd.s32 s31, v4;
	v62 =	vld.idx.msk [tilespmem:v18+s14+$0x0], $0xffff  }
0xe6: {  	[tilespmem:$0x1FFD0] =	vst v1;
	v63 =	vld.idx.msk [tilespmem:v19+s14+$0x0], $0xffff  }
0xe7: {  	[tilespmem:$0x1FFE0] =	vst v7;
	v16 =	vld.idx.msk [tilespmem:v16+s14+$0x0], $0xffff  }
0xe8: {  	s30 =	simm.s32 $0x3C00;
	[tilespmem:$0x1FFF0] =	vst v6;
	v21 =	vadd.s32 s31, v0;
	v17 =	vld.idx.msk [tilespmem:v17+s14+$0x0], $0xffff  }
0xe9: {  	v23 =	vadd.s32 s30, v6;
	[tilespmem:$0x1FF40] =	vst v13;
	v19 =	vld.idx.msk [tilespmem:v22+s14+$0x0], $0xffff  }
0xea: {  	s28 =	simm.s32 $0x2000;
	s29 =	simm.s32 $0x4000;
	s26 =	sshll.u32 s24, $0x1;
	[tilespmem:$0x1FF60] =	vst v9;
	v20 =	vadd.s32 s31, v3;
	v22 =	vadd.s32 s31, v7;
	v18 =	vld.idx.msk [tilespmem:v8+s14+$0x0], $0xffff;
	v8 =	vadd.s32 s31, v1  }
.LBB2_4:
0xeb: {  	_ =	sdelay $0x1  }
0xec: {  	v21 =	vld.idx.msk [tilespmem:v21+s14+$0x0], $0xffff  }
0xed: {  	v7 =	vld [tilespmem:$0x1FFE0]  }
0xee: {  	v20 =	vld.idx.msk [tilespmem:v20+s14+$0x0], $0xffff  }
0xef: {  	v6 =	vld [tilespmem:$0x1FF80]  }
0xf0: {  	v5 =	vld [tilespmem:$0x1FF90]  }
0xf1: {  	v3 =	vld [tilespmem:$0x1FFA0]  }
0xf2: {  	v1 =	vld [tilespmem:$0x1FFB0]  }
0xf3: {  	v4 =	vld [tilespmem:$0x1FFC0];
	v9 =	vadd.s32 s30, v7  }
0xf4: {  	v2 =	vld [tilespmem:$0x1FFD0];
	v10 =	vadd.s32 s30, v6  }
0xf5: {  	v8 =	vld.idx.msk [tilespmem:v8+s14+$0x0], $0xffff;
	v11 =	vadd.s32 s30, v5  }
0xf6: {  	v22 =	vld.idx.msk [tilespmem:v22+s14+$0x0], $0xffff;
	v12 =	vadd.s32 s30, v3  }
0xf7: {  	v23 =	vld.idx.msk [tilespmem:v23+s14+$0x0], $0xffff;
	v13 =	vadd.s32 s30, v1  }
0xf8: {  	[tilespmem:$0x1FE10] =	vst v14;
	v14 =	vadd.s32 s30, v4;
	v9 =	vld.idx.msk [tilespmem:v9+s14+$0x0], $0xffff  }
0xf9: {  	v0 =	vmov v15;
	v15 =	vadd.s32 s30, v2;
	v10 =	vld.idx.msk [tilespmem:v10+s14+$0x0], $0xffff  }
0xfa: {  	v11 =	vld.idx.msk [tilespmem:v11+s14+$0x0], $0xffff  }
0xfb: {  	v12 =	vld.idx.msk [tilespmem:v12+s14+$0x0], $0xffff  }
0xfc: {  	v13 =	vld.idx.msk [tilespmem:v13+s14+$0x0], $0xffff  }
0xfd: {  	s25 =	sadd.s32 $0x400, s25;
	v14 =	vld.idx.msk [tilespmem:v14+s14+$0x0], $0xffff  }
0xfe: {  	v15 =	vld.idx.msk [tilespmem:v15+s14+$0x0], $0xffff;
	[tilespmem:s25+$0xFFFFFE80] =	vst v24  }
0xff: {  	[tilespmem:s25+$0xFFFFFE90] =	vst v25  }
0x100: {  	[tilespmem:s25+$0xFFFFFEA0] =	vst v26  }
0x101: {  	[tilespmem:s25+$0xFFFFFEB0] =	vst v27  }
0x102: {  	[tilespmem:s25+$0xFFFFFEC0] =	vst v28  }
0x103: {  	[tilespmem:s25+$0xFFFFFED0] =	vst v29  }
0x104: {  	[tilespmem:s25+$0xFFFFFEE0] =	vst v30  }
0x105: {  	[tilespmem:s25+$0xFFFFFEF0] =	vst v31  }
0x106: {  	[tilespmem:s25+$0xFFFFFF00] =	vst v32  }
0x107: {  	[tilespmem:s25+$0xFFFFFF10] =	vst v33  }
0x108: {  	[tilespmem:s25+$0xFFFFFF20] =	vst v34  }
0x109: {  	[tilespmem:s25+$0xFFFFFF30] =	vst v35  }
0x10a: {  	[tilespmem:s25+$0xFFFFFF40] =	vst v36  }
0x10b: {  	[tilespmem:s25+$0xFFFFFF50] =	vst v37  }
0x10c: {  	[tilespmem:s25+$0xFFFFFF60] =	vst v38  }
0x10d: {  	[tilespmem:s25+$0xFFFFFF70] =	vst v39  }
0x10e: {  	[tilespmem:s25+$0xFFFFFF80] =	vst v40  }
0x10f: {  	[tilespmem:s25+$0xFFFFFF90] =	vst v41  }
0x110: {  	[tilespmem:s25+$0xFFFFFFA0] =	vst v42  }
0x111: {  	[tilespmem:s25+$0xFFFFFFB0] =	vst v43  }
0x112: {  	[tilespmem:s25+$0xFFFFFFC0] =	vst v44  }
0x113: {  	[tilespmem:s25+$0xFFFFFFD0] =	vst v45  }
0x114: {  	[tilespmem:s25+$0xFFFFFFE0] =	vst v46  }
0x115: {  	[tilespmem:s25+$0xFFFFFFF0] =	vst v47  }
0x116: {  	[tilespmem:s25+$0x0] =	vst v48  }
0x117: {  	[tilespmem:s25+$0x10] =	vst v49  }
0x118: {  	[tilespmem:s25+$0x20] =	vst v50  }
0x119: {  	[tilespmem:s25+$0x30] =	vst v51  }
0x11a: {  	[tilespmem:s25+$0x40] =	vst v52  }
0x11b: {  	[tilespmem:s25+$0x50] =	vst v53  }
0x11c: {  	[tilespmem:s25+$0x60] =	vst v54  }
0x11d: {  	[tilespmem:s25+$0x70] =	vst v55  }
0x11e: {  	[tilespmem:s25+$0x80] =	vst v56  }
0x11f: {  	[tilespmem:s25+$0x90] =	vst v57  }
0x120: {  	[tilespmem:s25+$0xA0] =	vst v58  }
0x121: {  	[tilespmem:s25+$0xB0] =	vst v59  }
0x122: {  	[tilespmem:s25+$0xC0] =	vst v60  }
0x123: {  	[tilespmem:s25+$0xD0] =	vst v61  }
0x124: {  	[tilespmem:s25+$0xE0] =	vst v62  }
0x125: {  	[tilespmem:s25+$0x160] =	vst v8;
	v8 =	vld [tilespmem:$0x1FEF0]  }
0x126: {  	[tilespmem:s25+$0xF0] =	vst v63  }
0x127: {  	[tilespmem:s25+$0x100] =	vst v16  }
0x128: {  	[tilespmem:s25+$0x110] =	vst v17  }
0x129: {  	[tilespmem:s25+$0x120] =	vst v18  }
0x12a: {  	[tilespmem:s25+$0xFFFFFE00] =	vst v8;
	v8 =	vld [tilespmem:$0x1FF10]  }
0x12b: {  	[tilespmem:s25+$0x130] =	vst v19  }
0x12c: {  	[tilespmem:s25+$0x140] =	vst v21  }
0x12d: {  	[tilespmem:s25+$0x150] =	vst v20  }
0x12e: {  	[tilespmem:s25+$0x170] =	vst v22  }
0x12f: {  	[tilespmem:s25+$0xFFFFFE10] =	vst v8;
	v8 =	vld [tilespmem:$0x1FF30]  }
0x130: {  	[tilespmem:s25+$0x180] =	vst v23  }
0x131: {  	[tilespmem:s25+$0xFFFFFE70] =	vst v0  }
0x132: {  	[tilespmem:s25+$0x1F0] =	vst v9  }
0x133: {  	[tilespmem:s25+$0x190] =	vst v10  }
0x134: {  	[tilespmem:s25+$0xFFFFFE20] =	vst v8;
	v8 =	vld [tilespmem:$0x1FEA0]  }
0x135: {  	[tilespmem:s25+$0x1A0] =	vst v11;
	v9 =	vld [tilespmem:$0x1FF50]  }
0x136: {  	[tilespmem:s25+$0x1B0] =	vst v12;
	v10 =	vld [tilespmem:$0x1FF60]  }
0x137: {  	[tilespmem:s25+$0x1C0] =	vst v13;
	v11 =	vld [tilespmem:$0x1FF70]  }
0x138: {  	[tilespmem:s25+$0x1D0] =	vst v14;
	v12 =	vld [tilespmem:$0x1FE10]  }
0x139: {  	v61 =	vld [tilespmem:$0x1FF00];
	[tilespmem:s25+$0x1E0] =	vst v15;
	v8 =	vadd.s32 s28, v8  }
0x13a: {  	[tilespmem:s25+$0xFFFFFE30] =	vst v9;
	v9 =	vld [tilespmem:$0x1FEB0]  }
0x13b: {  	[tilespmem:s25+$0xFFFFFE40] =	vst v10;
	v10 =	vld [tilespmem:$0x1FEC0]  }
0x13c: {  	[tilespmem:s25+$0xFFFFFE50] =	vst v11;
	v11 =	vld [tilespmem:$0x1FED0]  }
0x13d: {  	[tilespmem:s25+$0xFFFFFE60] =	vst v12;
	v12 =	vld [tilespmem:$0x1FEE0]  }
0x13e: {  	v8 =	vld.idx.msk [tilespmem:v8+s14+$0x0], $0xffff  }
0x13f: {  	v9 =	vadd.s32 s28, v9  }
0x140: {  	v10 =	vadd.s32 s28, v10  }
0x141: {  	v62 =	vld [tilespmem:$0x1FF20];
	v11 =	vadd.s32 s28, v11  }
0x142: {  	v63 =	vld [tilespmem:$0x1FF40];
	v12 =	vadd.s32 s28, v12  }
0x143: {  	v0 =	vld [tilespmem:$0x1FFF0];
	[tilespmem:$0x1FEF0] =	vst v8;
	v8 =	vadd.s32 s28, v61  }
0x144: {  	v9 =	vld.idx.msk [tilespmem:v9+s14+$0x0], $0xffff  }
0x145: {  	v10 =	vld.idx.msk [tilespmem:v10+s14+$0x0], $0xffff  }
0x146: {  	v11 =	vld.idx.msk [tilespmem:v11+s14+$0x0], $0xffff  }
0x147: {  	v12 =	vld.idx.msk [tilespmem:v12+s14+$0x0], $0xffff  }
0x148: {  	v8 =	vld.idx.msk [tilespmem:v8+s14+$0x0], $0xffff  }
0x149: {  	[tilespmem:$0x1FF10] =	vst v9;
	v9 =	vadd.s32 s28, v62  }
0x14a: {  	s30 =	sadd.s32 $0x400, s29;
	[tilespmem:$0x1FF30] =	vst v10;
	v10 =	vadd.s32 s28, v63  }
0x14b: {  	[tilespmem:$0x1FF50] =	vst v11;
	v11 =	vadd.s32 s30, v0  }
0x14c: {  	[tilespmem:$0x1FF60] =	vst v12;
	v12 =	vadd.s32 s30, v6  }
0x14d: {  	[tilespmem:$0x1FF70] =	vst v8;
	v8 =	vadd.s32 s30, v5  }
0x14e: {  	v14 =	vld.idx.msk [tilespmem:v9+s14+$0x0], $0xffff;
	v9 =	vadd.s32 s30, v3  }
0x14f: {  	v15 =	vld.idx.msk [tilespmem:v10+s14+$0x0], $0xffff;
	v10 =	vadd.s32 s30, v1  }
0x150: {  	v24 =	vld.idx.msk [tilespmem:v11+s14+$0x0], $0xffff;
	v11 =	vadd.s32 s30, v4  }
0x151: {  	v25 =	vld.idx.msk [tilespmem:v12+s14+$0x0], $0xffff;
	v12 =	vadd.s32 s30, v2  }
0x152: {  	v26 =	vld.idx.msk [tilespmem:v8+s14+$0x0], $0xffff;
	v8 =	vadd.s32 s30, v7;
	s30 =	sadd.s32 $0x800, s29  }
0x153: {  	v27 =	vld.idx.msk [tilespmem:v9+s14+$0x0], $0xffff;
	v9 =	vadd.s32 s30, v0  }
0x154: {  	v28 =	vld.idx.msk [tilespmem:v10+s14+$0x0], $0xffff;
	v10 =	vadd.s32 s30, v6  }
0x155: {  	v29 =	vld.idx.msk [tilespmem:v11+s14+$0x0], $0xffff;
	v11 =	vadd.s32 s30, v5  }
0x156: {  	v30 =	vld.idx.msk [tilespmem:v12+s14+$0x0], $0xffff;
	v12 =	vadd.s32 s30, v3  }
0x157: {  	v31 =	vld.idx.msk [tilespmem:v8+s14+$0x0], $0xffff;
	v8 =	vadd.s32 s30, v1  }
0x158: {  	v32 =	vld.idx.msk [tilespmem:v9+s14+$0x0], $0xffff;
	v9 =	vadd.s32 s30, v4  }
0x159: {  	v33 =	vld.idx.msk [tilespmem:v10+s14+$0x0], $0xffff;
	v10 =	vadd.s32 s30, v2  }
0x15a: {  	v34 =	vld.idx.msk [tilespmem:v11+s14+$0x0], $0xffff;
	v11 =	vadd.s32 s30, v7;
	s30 =	sadd.s32 $0xC00, s29  }
0x15b: {  	v35 =	vld.idx.msk [tilespmem:v12+s14+$0x0], $0xffff;
	v12 =	vadd.s32 s30, v0  }
0x15c: {  	v36 =	vld.idx.msk [tilespmem:v8+s14+$0x0], $0xffff;
	v8 =	vadd.s32 s30, v6  }
0x15d: {  	v37 =	vld.idx.msk [tilespmem:v9+s14+$0x0], $0xffff;
	v9 =	vadd.s32 s30, v5  }
0x15e: {  	v38 =	vld.idx.msk [tilespmem:v10+s14+$0x0], $0xffff;
	v10 =	vadd.s32 s30, v3  }
0x15f: {  	v39 =	vld.idx.msk [tilespmem:v11+s14+$0x0], $0xffff;
	v11 =	vadd.s32 s30, v1  }
0x160: {  	v40 =	vld.idx.msk [tilespmem:v12+s14+$0x0], $0xffff;
	v12 =	vadd.s32 s30, v4  }
0x161: {  	v41 =	vld.idx.msk [tilespmem:v8+s14+$0x0], $0xffff;
	v8 =	vadd.s32 s30, v2  }
0x162: {  	v42 =	vld.idx.msk [tilespmem:v9+s14+$0x0], $0xffff;
	v9 =	vadd.s32 s30, v7;
	s30 =	sadd.s32 $0x1000, s29  }
0x163: {  	v43 =	vld.idx.msk [tilespmem:v10+s14+$0x0], $0xffff;
	v10 =	vadd.s32 s30, v0  }
0x164: {  	v44 =	vld.idx.msk [tilespmem:v11+s14+$0x0], $0xffff;
	v11 =	vadd.s32 s30, v6  }
0x165: {  	v45 =	vld.idx.msk [tilespmem:v12+s14+$0x0], $0xffff;
	v12 =	vadd.s32 s30, v5  }
0x166: {  	v46 =	vld.idx.msk [tilespmem:v8+s14+$0x0], $0xffff;
	v8 =	vadd.s32 s30, v3  }
0x167: {  	v47 =	vld.idx.msk [tilespmem:v9+s14+$0x0], $0xffff;
	v9 =	vadd.s32 s30, v1  }
0x168: {  	v48 =	vld.idx.msk [tilespmem:v10+s14+$0x0], $0xffff;
	v10 =	vadd.s32 s30, v4  }
0x169: {  	v49 =	vld.idx.msk [tilespmem:v11+s14+$0x0], $0xffff;
	v11 =	vadd.s32 s30, v2  }
0x16a: {  	v50 =	vld.idx.msk [tilespmem:v12+s14+$0x0], $0xffff;
	v12 =	vadd.s32 s30, v7;
	s30 =	sadd.s32 $0x1400, s29  }
0x16b: {  	v51 =	vld.idx.msk [tilespmem:v8+s14+$0x0], $0xffff;
	v8 =	vadd.s32 s30, v0  }
0x16c: {  	v52 =	vld.idx.msk [tilespmem:v9+s14+$0x0], $0xffff;
	v9 =	vadd.s32 s30, v6  }
0x16d: {  	v53 =	vld.idx.msk [tilespmem:v10+s14+$0x0], $0xffff;
	v10 =	vadd.s32 s30, v5  }
0x16e: {  	v54 =	vld.idx.msk [tilespmem:v11+s14+$0x0], $0xffff;
	v11 =	vadd.s32 s30, v3  }
0x16f: {  	v55 =	vld.idx.msk [tilespmem:v12+s14+$0x0], $0xffff;
	v12 =	vadd.s32 s30, v1  }
0x170: {  	v56 =	vld.idx.msk [tilespmem:v8+s14+$0x0], $0xffff;
	v8 =	vadd.s32 s30, v4  }
0x171: {  	v57 =	vld.idx.msk [tilespmem:v9+s14+$0x0], $0xffff;
	v9 =	vadd.s32 s30, v2  }
0x172: {  	v58 =	vld.idx.msk [tilespmem:v10+s14+$0x0], $0xffff;
	v10 =	vadd.s32 s30, v7;
	s30 =	sadd.s32 $0x1800, s29  }
0x173: {  	v59 =	vld.idx.msk [tilespmem:v11+s14+$0x0], $0xffff;
	v11 =	vadd.s32 s30, v0  }
0x174: {  	v60 =	vld.idx.msk [tilespmem:v12+s14+$0x0], $0xffff;
	v12 =	vadd.s32 s30, v6  }
0x175: {  	v13 =	vadd.s32 s30, v5;
	v61 =	vld.idx.msk [tilespmem:v8+s14+$0x0], $0xffff  }
0x176: {  	p0 =	sne.s32 s29, $0xE000;
	v62 =	vld.idx.msk [tilespmem:v9+s14+$0x0], $0xffff;
	v9 =	vadd.s32 s30, v3  }
.Ltmp0:
0x177: {  	v63 =	vld.idx.msk [tilespmem:v10+s14+$0x0], $0xffff;
	(pc) =	sbr.rel @p0 .LBB2_4-.Ltmp0, $4  }
0x178: {  	v16 =	vld.idx.msk [tilespmem:v11+s14+$0x0], $0xffff  }
0x179: {  	v21 =	vadd.s32 s30, v1;
	v17 =	vld.idx.msk [tilespmem:v12+s14+$0x0], $0xffff  }
0x17a: {  	v20 =	vadd.s32 s30, v4;
	v22 =	vadd.s32 s30, v7;
	v8 =	vadd.s32 s30, v2;
	s30 =	sadd.s32 $0x1C00, s29;
	v18 =	vld.idx.msk [tilespmem:v13+s14+$0x0], $0xffff  }
0x17b: {  	s28 =	smov.u32 s29;
	s29 =	sadd.s32 $0x2000, s29;
	v23 =	vadd.s32 s30, v0;
	v19 =	vld.idx.msk [tilespmem:v9+s14+$0x0], $0xffff  }
0x17c: {  	v0 =	vld [tilespmem:$0x1FFE0];
	_ =	sdelay $0x2  }
0x17d: {  	v5 =	vld [tilespmem:$0x1FF80]  }
0x17e: {  	v1 =	vld [tilespmem:$0x1FFC0]  }
0x17f: {  	v7 =	vadd.s32 s30, v0;
	v0 =	vld [tilespmem:$0x1FFA0]  }
0x180: {  	v4 =	vld [tilespmem:$0x1FF90]  }
0x181: {  	v6 =	vld.idx.msk [tilespmem:v21+s14+$0x0], $0xffff  }
0x182: {  	v9 =	vld.idx.msk [tilespmem:v20+s14+$0x0], $0xffff  }
0x183: {  	v3 =	vadd.s32 s30, v1;
	v1 =	vld [tilespmem:$0x1FFD0]  }
0x184: {  	v5 =	vadd.s32 s30, v5;
	v2 =	vadd.s32 s30, v0;
	v0 =	vld [tilespmem:$0x1FFB0]  }
0x185: {  	v8 =	vld.idx.msk [tilespmem:v8+s14+$0x0], $0xffff;
	v4 =	vadd.s32 s30, v4  }
0x186: {  	v10 =	vld.idx.msk [tilespmem:v22+s14+$0x0], $0xffff  }
0x187: {  	v11 =	vld.idx.msk [tilespmem:v23+s14+$0x0], $0xffff  }
0x188: {  	v7 =	vld.idx.msk [tilespmem:v7+s14+$0x0], $0xffff;
	v1 =	vadd.s32 s30, v1  }
0x189: {  	v5 =	vld.idx.msk [tilespmem:v5+s14+$0x0], $0xffff;
	v0 =	vadd.s32 s30, v0  }
0x18a: {  	v4 =	vld.idx.msk [tilespmem:v4+s14+$0x0], $0xffff  }
0x18b: {  	v3 =	vld.idx.msk [tilespmem:v3+s14+$0x0], $0xffff  }
0x18c: {  	v2 =	vld.idx.msk [tilespmem:v2+s14+$0x0], $0xffff  }
0x18d: {  	s25 =	sadd.s32 $0x400, s25;
	v1 =	vld.idx.msk [tilespmem:v1+s14+$0x0], $0xffff  }
0x18e: {  	v0 =	vld.idx.msk [tilespmem:v0+s14+$0x0], $0xffff;
	[tilespmem:s25+$0x1F0] =	vst v7  }
0x18f: {  	[tilespmem:s25+$0xFFFFFE80] =	vst v24  }
0x190: {  	[tilespmem:s25+$0xFFFFFE90] =	vst v25  }
0x191: {  	[tilespmem:s25+$0xFFFFFEA0] =	vst v26  }
0x192: {  	[tilespmem:s25+$0xFFFFFEB0] =	vst v27  }
0x193: {  	[tilespmem:s25+$0xFFFFFEC0] =	vst v28  }
0x194: {  	[tilespmem:s25+$0xFFFFFED0] =	vst v29  }
0x195: {  	[tilespmem:s25+$0xFFFFFEE0] =	vst v30  }
0x196: {  	[tilespmem:s25+$0xFFFFFEF0] =	vst v31  }
0x197: {  	[tilespmem:s25+$0xFFFFFF00] =	vst v32  }
0x198: {  	[tilespmem:s25+$0xFFFFFF10] =	vst v33  }
0x199: {  	[tilespmem:s25+$0xFFFFFF20] =	vst v34  }
0x19a: {  	[tilespmem:s25+$0xFFFFFF30] =	vst v35  }
0x19b: {  	[tilespmem:s25+$0xFFFFFF40] =	vst v36  }
0x19c: {  	[tilespmem:s25+$0xFFFFFF50] =	vst v37  }
0x19d: {  	[tilespmem:s25+$0xFFFFFF60] =	vst v38  }
0x19e: {  	[tilespmem:s25+$0xFFFFFF70] =	vst v39  }
0x19f: {  	[tilespmem:s25+$0xFFFFFF80] =	vst v40  }
0x1a0: {  	[tilespmem:s25+$0xFFFFFF90] =	vst v41  }
0x1a1: {  	[tilespmem:s25+$0xFFFFFFA0] =	vst v42  }
0x1a2: {  	[tilespmem:s25+$0xFFFFFFB0] =	vst v43  }
0x1a3: {  	[tilespmem:s25+$0xFFFFFFC0] =	vst v44  }
0x1a4: {  	[tilespmem:s25+$0xFFFFFFD0] =	vst v45  }
0x1a5: {  	[tilespmem:s25+$0xFFFFFFE0] =	vst v46  }
0x1a6: {  	[tilespmem:s25+$0xFFFFFFF0] =	vst v47  }
0x1a7: {  	[tilespmem:s25+$0x0] =	vst v48  }
0x1a8: {  	[tilespmem:s25+$0x10] =	vst v49  }
0x1a9: {  	[tilespmem:s25+$0x20] =	vst v50  }
0x1aa: {  	[tilespmem:s25+$0x30] =	vst v51  }
0x1ab: {  	[tilespmem:s25+$0x40] =	vst v52  }
0x1ac: {  	[tilespmem:s25+$0x50] =	vst v53  }
0x1ad: {  	[tilespmem:s25+$0x60] =	vst v54  }
0x1ae: {  	[tilespmem:s25+$0x70] =	vst v55  }
0x1af: {  	[tilespmem:s25+$0x80] =	vst v56  }
0x1b0: {  	[tilespmem:s25+$0x90] =	vst v57  }
0x1b1: {  	[tilespmem:s25+$0xA0] =	vst v58  }
0x1b2: {  	[tilespmem:s25+$0xB0] =	vst v59  }
0x1b3: {  	[tilespmem:s25+$0xC0] =	vst v60  }
0x1b4: {  	[tilespmem:s25+$0xD0] =	vst v61  }
0x1b5: {  	[tilespmem:s25+$0xE0] =	vst v62  }
0x1b6: {  	[tilespmem:s25+$0xF0] =	vst v63  }
0x1b7: {  	[tilespmem:s25+$0x100] =	vst v16  }
0x1b8: {  	[tilespmem:s25+$0x110] =	vst v17  }
0x1b9: {  	[tilespmem:s25+$0x120] =	vst v18  }
0x1ba: {  	[tilespmem:s25+$0x130] =	vst v19  }
0x1bb: {  	[tilespmem:s25+$0x140] =	vst v6  }
0x1bc: {  	[tilespmem:s25+$0x150] =	vst v9  }
0x1bd: {  	[tilespmem:s25+$0x160] =	vst v8  }
0x1be: {  	[tilespmem:s25+$0x170] =	vst v10  }
0x1bf: {  	[tilespmem:s25+$0x180] =	vst v11  }
0x1c0: {  	[tilespmem:s25+$0x190] =	vst v5  }
0x1c1: {  	[tilespmem:s25+$0x1A0] =	vst v4  }
0x1c2: {  	[tilespmem:s25+$0x1B0] =	vst v2  }
0x1c3: {  	[tilespmem:s25+$0x1D0] =	vst v3;
	v34 =	vld [tilespmem:$0x1FEF0]  }
0x1c4: {  	[tilespmem:s25+$0x1E0] =	vst v1;
	v35 =	vld [tilespmem:$0x1FF10]  }
0x1c5: {  	v36 =	vld [tilespmem:$0x1FF30];
	[tilespmem:s25+$0xFFFFFE60] =	vst v14  }
0x1c6: {  	v37 =	vld [tilespmem:$0x1FF50];
	[tilespmem:s25+$0xFFFFFE70] =	vst v15  }
0x1c7: {  	v38 =	vld [tilespmem:$0x1FF60];
	[tilespmem:s25+$0x1C0] =	vst v0  }
0x1c8: {  	v39 =	vld [tilespmem:$0x1FF70];
	[tilespmem:s25+$0xFFFFFE00] =	vst v34  }
0x1c9: {  	s28 =	smul.u32 $0x1F4000, s24;
	[tilespmem:s25+$0xFFFFFE10] =	vst v35  }
0x1ca: {  	[tilespmem:s25+$0xFFFFFE20] =	vst v36  }
0x1cb: {  	s28 =	sadd.s32 s23, s28;
	[tilespmem:s25+$0xFFFFFE30] =	vst v37  }
0x1cc: {  	s28 =	sshrl.u32 s28, $0x3;
	[tilespmem:s25+$0xFFFFFE40] =	vst v38  }
0x1cd: {  	s31 =	sadd.s32 s2, s28;
	[tilespmem:s25+$0xFFFFFE50] =	vst v39;
	s25 =	sor.u32 $0x1, s26  }
0x1ce: {  	[hbm4b:s31+s10] =	stream.strided.scatter [tilespmem:s15], [sflag:$0x1], $0x2000, s11, s10, $0x38;
	[tilespmem:$0x15C00] =	vst v63  }
0x1cf: {  	s26 =	sadd.s32 s22, s25  }
0x1d0: {  	p0 =	seq.s32 s26, $0x1  }
0x1d1: {  	s26 =	simm.s32 @!p0 $0x2  }
0x1d2: {  	_ =	swait.ge @!p0 [sflag:s26], $0x2000  }
0x1d3: {  	s28 =	sshll.u32 s25, $0x7;
	[sflag:s26] =	ssyncset.done @!p0 $0x0  }
0x1d4: {  	s31 =	sand.u32 $0x3FFFFF80, s28;
	[sflag:s26] =	ssyncadd.s32 @!p0 $0xFFFFE000  }
0x1d5: {  	v6 =	vld [tilespmem:s31+$0x0]  }
0x1d6: {  	v5 =	vld [tilespmem:s31+$0x10]  }
0x1d7: {  	v4 =	vld [tilespmem:s31+$0x20]  }
0x1d8: {  	v2 =	vld [tilespmem:s31+$0x30]  }
0x1d9: {  	v0 =	vld [tilespmem:s31+$0x40]  }
0x1da: {  	v3 =	vld [tilespmem:s31+$0x50]  }
0x1db: {  	s28 =	simm.s32 $0x400;
	v1 =	vld [tilespmem:s31+$0x60]  }
0x1dc: {  	v7 =	vld [tilespmem:s31+$0x70];
	s31 =	simm.s32 $0x800;
	v8 =	vadd.s32 s28, v6  }
0x1dd: {  	v16 =	vadd.s32 s31, v6  }
0x1de: {  	v17 =	vadd.s32 s31, v5  }
0x1df: {  	v18 =	vadd.s32 s31, v4  }
0x1e0: {  	v19 =	vadd.s32 s31, v2  }
0x1e1: {  	v20 =	vadd.s32 s31, v0;
	v8 =	vld.idx.msk [tilespmem:v8+s14+$0x0], $0xffff  }
0x1e2: {  	v21 =	vadd.s32 s31, v3;
	v16 =	vld.idx.msk [tilespmem:v16+s14+$0x0], $0xffff  }
0x1e3: {  	v22 =	vadd.s32 s31, v1;
	v17 =	vld.idx.msk [tilespmem:v17+s14+$0x0], $0xffff  }
0x1e4: {  	v23 =	vadd.s32 s31, v7;
	s31 =	simm.s32 $0xC00;
	v18 =	vld.idx.msk [tilespmem:v18+s14+$0x0], $0xffff  }
0x1e5: {  	v24 =	vadd.s32 s31, v6;
	v19 =	vld.idx.msk [tilespmem:v19+s14+$0x0], $0xffff  }
0x1e6: {  	v25 =	vadd.s32 s31, v5;
	v20 =	vld.idx.msk [tilespmem:v20+s14+$0x0], $0xffff  }
0x1e7: {  	v26 =	vadd.s32 s31, v4;
	v21 =	vld.idx.msk [tilespmem:v21+s14+$0x0], $0xffff  }
0x1e8: {  	v27 =	vadd.s32 s31, v2;
	v22 =	vld.idx.msk [tilespmem:v22+s14+$0x0], $0xffff  }
0x1e9: {  	v28 =	vadd.s32 s31, v0;
	v23 =	vld.idx.msk [tilespmem:v23+s14+$0x0], $0xffff  }
0x1ea: {  	v29 =	vadd.s32 s31, v3;
	v24 =	vld.idx.msk [tilespmem:v24+s14+$0x0], $0xffff  }
0x1eb: {  	v30 =	vadd.s32 s31, v1;
	v25 =	vld.idx.msk [tilespmem:v25+s14+$0x0], $0xffff  }
0x1ec: {  	v31 =	vadd.s32 s31, v7;
	s31 =	simm.s32 $0x1000;
	v26 =	vld.idx.msk [tilespmem:v26+s14+$0x0], $0xffff  }
0x1ed: {  	v40 =	vadd.s32 s31, v6;
	v27 =	vld.idx.msk [tilespmem:v27+s14+$0x0], $0xffff  }
0x1ee: {  	v41 =	vadd.s32 s31, v5;
	v28 =	vld.idx.msk [tilespmem:v28+s14+$0x0], $0xffff  }
0x1ef: {  	v42 =	vadd.s32 s31, v4;
	v29 =	vld.idx.msk [tilespmem:v29+s14+$0x0], $0xffff  }
0x1f0: {  	v43 =	vadd.s32 s31, v2;
	v30 =	vld.idx.msk [tilespmem:v30+s14+$0x0], $0xffff  }
0x1f1: {  	v44 =	vadd.s32 s31, v0;
	v31 =	vld.idx.msk [tilespmem:v31+s14+$0x0], $0xffff  }
0x1f2: {  	v45 =	vadd.s32 s31, v3;
	v32 =	vld.idx.msk [tilespmem:v40+s14+$0x0], $0xffff  }
0x1f3: {  	v46 =	vadd.s32 s31, v1;
	v33 =	vld.idx.msk [tilespmem:v41+s14+$0x0], $0xffff  }
0x1f4: {  	v47 =	vadd.s32 s31, v7;
	s31 =	simm.s32 $0x1400;
	v34 =	vld.idx.msk [tilespmem:v42+s14+$0x0], $0xffff  }
0x1f5: {  	v48 =	vadd.s32 s31, v6;
	v35 =	vld.idx.msk [tilespmem:v43+s14+$0x0], $0xffff  }
0x1f6: {  	v49 =	vadd.s32 s31, v5;
	v36 =	vld.idx.msk [tilespmem:v44+s14+$0x0], $0xffff  }
0x1f7: {  	v9 =	vadd.s32 s28, v5;
	v37 =	vld.idx.msk [tilespmem:v45+s14+$0x0], $0xffff  }
0x1f8: {  	v50 =	vadd.s32 s31, v4;
	v38 =	vld.idx.msk [tilespmem:v46+s14+$0x0], $0xffff  }
0x1f9: {  	v51 =	vadd.s32 s31, v2;
	v39 =	vld.idx.msk [tilespmem:v47+s14+$0x0], $0xffff  }
0x1fa: {  	v52 =	vadd.s32 s31, v0;
	v40 =	vld.idx.msk [tilespmem:v48+s14+$0x0], $0xffff  }
0x1fb: {  	v53 =	vadd.s32 s31, v3;
	v41 =	vld.idx.msk [tilespmem:v49+s14+$0x0], $0xffff  }
0x1fc: {  	v10 =	vadd.s32 s28, v4;
	[tilespmem:$0x1FC30] =	vst v8;
	v8 =	vld.idx.msk [tilespmem:v9+s14+$0x0], $0xffff  }
0x1fd: {  	v54 =	vadd.s32 s31, v1;
	v42 =	vld.idx.msk [tilespmem:v50+s14+$0x0], $0xffff  }
0x1fe: {  	v55 =	vadd.s32 s31, v7;
	s31 =	simm.s32 $0x1800;
	v43 =	vld.idx.msk [tilespmem:v51+s14+$0x0], $0xffff  }
0x1ff: {  	v56 =	vadd.s32 s31, v6;
	v44 =	vld.idx.msk [tilespmem:v52+s14+$0x0], $0xffff  }
0x200: {  	v57 =	vadd.s32 s31, v5;
	v45 =	vld.idx.msk [tilespmem:v53+s14+$0x0], $0xffff  }
0x201: {  	v11 =	vadd.s32 s28, v2;
	[tilespmem:$0x1FC40] =	vst v8;
	v8 =	vld.idx.msk [tilespmem:v10+s14+$0x0], $0xffff  }
0x202: {  	v58 =	vadd.s32 s31, v4;
	v46 =	vld.idx.msk [tilespmem:v54+s14+$0x0], $0xffff  }
0x203: {  	v59 =	vadd.s32 s31, v2;
	v47 =	vld.idx.msk [tilespmem:v55+s14+$0x0], $0xffff  }
0x204: {  	v60 =	vadd.s32 s31, v0;
	v48 =	vld.idx.msk [tilespmem:v56+s14+$0x0], $0xffff  }
0x205: {  	v61 =	vadd.s32 s31, v3;
	v49 =	vld.idx.msk [tilespmem:v57+s14+$0x0], $0xffff  }
0x206: {  	v12 =	vadd.s32 s28, v0;
	[tilespmem:$0x1FC50] =	vst v8;
	v8 =	vld.idx.msk [tilespmem:v11+s14+$0x0], $0xffff  }
0x207: {  	v62 =	vadd.s32 s31, v1;
	v50 =	vld.idx.msk [tilespmem:v58+s14+$0x0], $0xffff  }
0x208: {  	v63 =	vadd.s32 s31, v7;
	v51 =	vld.idx.msk [tilespmem:v59+s14+$0x0], $0xffff  }
0x209: {  	s31 =	simm.s32 $0x1C00;
	v52 =	vld.idx.msk [tilespmem:v60+s14+$0x0], $0xffff  }
0x20a: {  	v56 =	vadd.s32 s31, v6;
	v53 =	vld.idx.msk [tilespmem:v61+s14+$0x0], $0xffff  }
0x20b: {  	v13 =	vadd.s32 s28, v3;
	[tilespmem:$0x1FC60] =	vst v8;
	v8 =	vld.idx.msk [tilespmem:v12+s14+$0x0], $0xffff  }
0x20c: {  	v57 =	vadd.s32 s31, v7;
	v54 =	vld.idx.msk [tilespmem:v62+s14+$0x0], $0xffff  }
0x20d: {  	v58 =	vadd.s32 s31, v5;
	v55 =	vld.idx.msk [tilespmem:v63+s14+$0x0], $0xffff  }
0x20e: {  	v59 =	vadd.s32 s31, v4;
	v9 =	vld.idx.msk [tilespmem:v5+s14+$0x0], $0xffff  }
0x20f: {  	v60 =	vadd.s32 s31, v2;
	v56 =	vld.idx.msk [tilespmem:v56+s14+$0x0], $0xffff  }
0x210: {  	v14 =	vadd.s32 s28, v1;
	[tilespmem:$0x1FC70] =	vst v8;
	v8 =	vld.idx.msk [tilespmem:v13+s14+$0x0], $0xffff  }
0x211: {  	v61 =	vadd.s32 s31, v0;
	v57 =	vld.idx.msk [tilespmem:v57+s14+$0x0], $0xffff  }
0x212: {  	v62 =	vadd.s32 s31, v3;
	v58 =	vld.idx.msk [tilespmem:v58+s14+$0x0], $0xffff  }
0x213: {  	v63 =	vadd.s32 s31, v1;
	v59 =	vld.idx.msk [tilespmem:v59+s14+$0x0], $0xffff  }
0x214: {  	v60 =	vld.idx.msk [tilespmem:v60+s14+$0x0], $0xffff  }
0x215: {  	v15 =	vadd.s32 s28, v7;
	[tilespmem:$0x1FC80] =	vst v8;
	v8 =	vld.idx.msk [tilespmem:v14+s14+$0x0], $0xffff  }
0x216: {  	v61 =	vld.idx.msk [tilespmem:v61+s14+$0x0], $0xffff  }
0x217: {  	v62 =	vld.idx.msk [tilespmem:v62+s14+$0x0], $0xffff  }
0x218: {  	v63 =	vld.idx.msk [tilespmem:v63+s14+$0x0], $0xffff  }
0x219: {  	v10 =	vld.idx.msk [tilespmem:v4+s14+$0x0], $0xffff  }
0x21a: {  	[tilespmem:$0x1FC90] =	vst v8;
	v8 =	vld.idx.msk [tilespmem:v15+s14+$0x0], $0xffff  }
0x21b: {  	v11 =	vld.idx.msk [tilespmem:v2+s14+$0x0], $0xffff  }
0x21c: {  	v12 =	vld.idx.msk [tilespmem:v0+s14+$0x0], $0xffff  }
0x21d: {  	v13 =	vld.idx.msk [tilespmem:v3+s14+$0x0], $0xffff  }
0x21e: {  	v14 =	vld.idx.msk [tilespmem:v1+s14+$0x0], $0xffff  }
0x21f: {  	s26 =	simm.s32 $0x13FF0;
	v15 =	vld.idx.msk [tilespmem:v7+s14+$0x0], $0xffff;
	[tilespmem:$0x1FCA0] =	vst v8  }
0x220: {  	v8 =	vld.idx.msk [tilespmem:v6+s14+$0x0], $0xffff;
	[tilespmem:s26+$0x0] =	vst v57  }
0x221: {  	[tilespmem:s26+$0xFFFFFD10] =	vst v16  }
0x222: {  	[tilespmem:s26+$0xFFFFFD20] =	vst v17  }
0x223: {  	[tilespmem:s26+$0xFFFFFD30] =	vst v18  }
0x224: {  	[tilespmem:s26+$0xFFFFFD40] =	vst v19  }
0x225: {  	[tilespmem:s26+$0xFFFFFD50] =	vst v20  }
0x226: {  	[tilespmem:s26+$0xFFFFFD60] =	vst v21  }
0x227: {  	[tilespmem:s26+$0xFFFFFD70] =	vst v22  }
0x228: {  	[tilespmem:s26+$0xFFFFFD80] =	vst v23  }
0x229: {  	[tilespmem:s26+$0xFFFFFD90] =	vst v24  }
0x22a: {  	[tilespmem:s26+$0xFFFFFDA0] =	vst v25  }
0x22b: {  	[tilespmem:s26+$0xFFFFFDB0] =	vst v26  }
0x22c: {  	[tilespmem:s26+$0xFFFFFDC0] =	vst v27  }
0x22d: {  	[tilespmem:s26+$0xFFFFFDD0] =	vst v28  }
0x22e: {  	[tilespmem:s26+$0xFFFFFDE0] =	vst v29  }
0x22f: {  	[tilespmem:s26+$0xFFFFFDF0] =	vst v30  }
0x230: {  	[tilespmem:s26+$0xFFFFFE00] =	vst v31  }
0x231: {  	[tilespmem:s26+$0xFFFFFE10] =	vst v32  }
0x232: {  	[tilespmem:s26+$0xFFFFFE20] =	vst v33  }
0x233: {  	[tilespmem:s26+$0xFFFFFE30] =	vst v34  }
0x234: {  	[tilespmem:s26+$0xFFFFFE40] =	vst v35  }
0x235: {  	[tilespmem:s26+$0xFFFFFE50] =	vst v36  }
0x236: {  	[tilespmem:s26+$0xFFFFFE60] =	vst v37  }
0x237: {  	[tilespmem:s26+$0xFFFFFE70] =	vst v38  }
0x238: {  	v57 =	vld [tilespmem:$0x1FC30];
	[tilespmem:s26+$0xFFFFFE80] =	vst v39  }
0x239: {  	[tilespmem:s26+$0xFFFFFE90] =	vst v40  }
0x23a: {  	[tilespmem:s26+$0xFFFFFEA0] =	vst v41  }
0x23b: {  	[tilespmem:s26+$0xFFFFFEB0] =	vst v42  }
0x23c: {  	[tilespmem:s26+$0xFFFFFEC0] =	vst v43  }
0x23d: {  	[tilespmem:s26+$0xFFFFFC90] =	vst v57;
	v57 =	vld [tilespmem:$0x1FC40]  }
0x23e: {  	[tilespmem:s26+$0xFFFFFED0] =	vst v44  }
0x23f: {  	[tilespmem:s26+$0xFFFFFEE0] =	vst v45  }
0x240: {  	[tilespmem:s26+$0xFFFFFEF0] =	vst v46  }
0x241: {  	[tilespmem:s26+$0xFFFFFF00] =	vst v47  }
0x242: {  	[tilespmem:s26+$0xFFFFFCA0] =	vst v57;
	v57 =	vld [tilespmem:$0x1FC50]  }
0x243: {  	[tilespmem:s26+$0xFFFFFF10] =	vst v48  }
0x244: {  	[tilespmem:s26+$0xFFFFFF20] =	vst v49  }
0x245: {  	[tilespmem:s26+$0xFFFFFF30] =	vst v50  }
0x246: {  	[tilespmem:s26+$0xFFFFFF40] =	vst v51  }
0x247: {  	[tilespmem:s26+$0xFFFFFCB0] =	vst v57;
	v57 =	vld [tilespmem:$0x1FC60]  }
0x248: {  	[tilespmem:s26+$0xFFFFFF50] =	vst v52  }
0x249: {  	[tilespmem:s26+$0xFFFFFF60] =	vst v53  }
0x24a: {  	[tilespmem:s26+$0xFFFFFF70] =	vst v54  }
0x24b: {  	[tilespmem:s26+$0xFFFFFF80] =	vst v55  }
0x24c: {  	[tilespmem:s26+$0xFFFFFCC0] =	vst v57;
	v57 =	vld [tilespmem:$0x1FC70]  }
0x24d: {  	[tilespmem:s26+$0xFFFFFF90] =	vst v56  }
0x24e: {  	[tilespmem:s26+$0xFFFFFFA0] =	vst v58  }
0x24f: {  	[tilespmem:s26+$0xFFFFFFB0] =	vst v59  }
0x250: {  	[tilespmem:s26+$0xFFFFFFC0] =	vst v60  }
0x251: {  	[tilespmem:s26+$0xFFFFFCD0] =	vst v57;
	v57 =	vld [tilespmem:$0x1FC80]  }
0x252: {  	[tilespmem:s26+$0xFFFFFFD0] =	vst v61  }
0x253: {  	[tilespmem:s26+$0xFFFFFFE0] =	vst v62  }
0x254: {  	[tilespmem:s26+$0xFFFFFFF0] =	vst v63  }
0x255: {  	[tilespmem:s26+$0xFFFFFC20] =	vst v9  }
0x256: {  	[tilespmem:s26+$0xFFFFFCE0] =	vst v57;
	v57 =	vld [tilespmem:$0x1FC90]  }
0x257: {  	[tilespmem:s26+$0xFFFFFC30] =	vst v10  }
0x258: {  	[tilespmem:s26+$0xFFFFFC40] =	vst v11  }
0x259: {  	[tilespmem:s26+$0xFFFFFC50] =	vst v12  }
0x25a: {  	[tilespmem:s26+$0xFFFFFC10] =	vst v8  }
0x25b: {  	s28 =	simm.s32 $0x0;
	v8 =	vadd.s32 $0x2000, v6;
	[tilespmem:s26+$0xFFFFFCF0] =	vst v57;
	v57 =	vld [tilespmem:$0x1FCA0]  }
0x25c: {  	[tilespmem:$0x1FCB0] =	vst v8;
	v8 =	vadd.s32 s28, v8  }
0x25d: {  	[tilespmem:s26+$0xFFFFFC60] =	vst v13  }
0x25e: {  	[tilespmem:s26+$0xFFFFFC70] =	vst v14  }
0x25f: {  	[tilespmem:s26+$0xFFFFFC80] =	vst v15  }
0x260: {  	[tilespmem:s26+$0xFFFFFD00] =	vst v57  }
0x261: {  	v8 =	vld.idx.msk [tilespmem:v8+s14+$0x0], $0xffff;
	_ =	sdelay $0x3  }
0x262: {  	v13 =	vadd.s32 $0x2000, v3  }
0x263: {  	v9 =	vadd.s32 $0x2000, v5;
	[tilespmem:$0x1FD00] =	vst v8;
	v8 =	vadd.s32 s28, v13  }
0x264: {  	v14 =	vadd.s32 $0x2000, v1;
	[tilespmem:$0x1FCC0] =	vst v9;
	v9 =	vadd.s32 s28, v9  }
0x265: {  	s29 =	simm.s32 $0x2400;
	[tilespmem:$0x1FD30] =	vst v14;
	v14 =	vadd.s32 s28, v14  }
0x266: {  	v16 =	vadd.s32 s29, v6  }
0x267: {  	v17 =	vadd.s32 s29, v5  }
0x268: {  	v10 =	vadd.s32 $0x2000, v4;
	v18 =	vadd.s32 s29, v2;
	v8 =	vld.idx.msk [tilespmem:v8+s14+$0x0], $0xffff  }
0x269: {  	[tilespmem:$0x1FCD0] =	vst v10;
	v10 =	vadd.s32 s28, v10;
	v9 =	vld.idx.msk [tilespmem:v9+s14+$0x0], $0xffff  }
0x26a: {  	v11 =	vadd.s32 $0x2000, v2;
	v19 =	vadd.s32 s29, v0;
	v14 =	vld.idx.msk [tilespmem:v14+s14+$0x0], $0xffff  }
0x26b: {  	[tilespmem:$0x1FCE0] =	vst v11;
	v24 =	vld.idx.msk [tilespmem:v16+s14+$0x0], $0xffff;
	v16 =	vadd.s32 s29, v3  }
0x26c: {  	[tilespmem:$0x1FD10] =	vst v13;
	v25 =	vld.idx.msk [tilespmem:v17+s14+$0x0], $0xffff;
	v17 =	vadd.s32 s29, v1  }
0x26d: {  	v27 =	vld.idx.msk [tilespmem:v18+s14+$0x0], $0xffff;
	[tilespmem:$0x1FD80] =	vst v8;
	v8 =	vadd.s32 s29, v4  }
0x26e: {  	v12 =	vadd.s32 $0x2000, v0;
	v11 =	vadd.s32 s28, v11;
	v13 =	vadd.s32 $0x2000, v7;
	[tilespmem:$0x1FD20] =	vst v9;
	v9 =	vld.idx.msk [tilespmem:v10+s14+$0x0], $0xffff  }
0x26f: {  	[tilespmem:$0x1FCF0] =	vst v12;
	v12 =	vadd.s32 s28, v12;
	v28 =	vld.idx.msk [tilespmem:v19+s14+$0x0], $0xffff;
	v15 =	vadd.s32 s28, v13;
	s28 =	simm.s32 $0x2800  }
0x270: {  	v29 =	vld.idx.msk [tilespmem:v16+s14+$0x0], $0xffff;
	v18 =	vadd.s32 s28, v6  }
0x271: {  	v30 =	vld.idx.msk [tilespmem:v17+s14+$0x0], $0xffff;
	v19 =	vadd.s32 s28, v5  }
0x272: {  	v26 =	vld.idx.msk [tilespmem:v8+s14+$0x0], $0xffff;
	v8 =	vadd.s32 s29, v7  }
0x273: {  	v16 =	vadd.s32 s28, v4;
	[tilespmem:$0x1FD40] =	vst v9;
	v9 =	vld.idx.msk [tilespmem:v11+s14+$0x0], $0xffff  }
0x274: {  	v17 =	vadd.s32 s28, v2;
	v15 =	vld.idx.msk [tilespmem:v15+s14+$0x0], $0xffff  }
0x275: {  	v32 =	vld.idx.msk [tilespmem:v18+s14+$0x0], $0xffff  }
0x276: {  	v18 =	vadd.s32 s28, v3;
	v33 =	vld.idx.msk [tilespmem:v19+s14+$0x0], $0xffff  }
0x277: {  	v31 =	vld.idx.msk [tilespmem:v8+s14+$0x0], $0xffff;
	v8 =	vadd.s32 s28, v0  }
0x278: {  	v19 =	vadd.s32 s28, v1;
	v34 =	vld.idx.msk [tilespmem:v16+s14+$0x0], $0xffff  }
0x279: {  	v16 =	vadd.s32 s28, v7;
	v35 =	vld.idx.msk [tilespmem:v17+s14+$0x0], $0xffff;
	s28 =	simm.s32 $0x2C00  }
0x27a: {  	[tilespmem:$0x1FD60] =	vst v9;
	v9 =	vld.idx.msk [tilespmem:v12+s14+$0x0], $0xffff;
	v17 =	vadd.s32 s28, v6  }
0x27b: {  	v37 =	vld.idx.msk [tilespmem:v18+s14+$0x0], $0xffff;
	v18 =	vadd.s32 s28, v4  }
0x27c: {  	v36 =	vld.idx.msk [tilespmem:v8+s14+$0x0], $0xffff;
	v8 =	vadd.s32 s28, v5  }
0x27d: {  	v38 =	vld.idx.msk [tilespmem:v19+s14+$0x0], $0xffff;
	v19 =	vadd.s32 s28, v2  }
0x27e: {  	v39 =	vld.idx.msk [tilespmem:v16+s14+$0x0], $0xffff;
	v16 =	vadd.s32 s28, v0  }
0x27f: {  	v40 =	vld.idx.msk [tilespmem:v17+s14+$0x0], $0xffff;
	v17 =	vadd.s32 s28, v3  }
0x280: {  	v42 =	vld.idx.msk [tilespmem:v18+s14+$0x0], $0xffff;
	v18 =	vadd.s32 s28, v7  }
0x281: {  	v41 =	vld.idx.msk [tilespmem:v8+s14+$0x0], $0xffff;
	v8 =	vadd.s32 s28, v1;
	s28 =	simm.s32 $0x3000  }
0x282: {  	v43 =	vld.idx.msk [tilespmem:v19+s14+$0x0], $0xffff;
	v19 =	vadd.s32 s28, v6  }
0x283: {  	v44 =	vld.idx.msk [tilespmem:v16+s14+$0x0], $0xffff;
	v16 =	vadd.s32 s28, v5  }
0x284: {  	v45 =	vld.idx.msk [tilespmem:v17+s14+$0x0], $0xffff;
	v17 =	vadd.s32 s28, v4  }
0x285: {  	v47 =	vld.idx.msk [tilespmem:v18+s14+$0x0], $0xffff;
	v18 =	vadd.s32 s28, v0  }
0x286: {  	v46 =	vld.idx.msk [tilespmem:v8+s14+$0x0], $0xffff;
	v8 =	vadd.s32 s28, v2  }
0x287: {  	v48 =	vld.idx.msk [tilespmem:v19+s14+$0x0], $0xffff;
	v19 =	vadd.s32 s28, v3  }
0x288: {  	v49 =	vld.idx.msk [tilespmem:v16+s14+$0x0], $0xffff;
	v16 =	vadd.s32 s28, v1  }
0x289: {  	v50 =	vld.idx.msk [tilespmem:v17+s14+$0x0], $0xffff;
	v17 =	vadd.s32 s28, v7;
	s28 =	simm.s32 $0x3400  }
0x28a: {  	v52 =	vld.idx.msk [tilespmem:v18+s14+$0x0], $0xffff;
	v18 =	vadd.s32 s28, v5  }
0x28b: {  	v51 =	vld.idx.msk [tilespmem:v8+s14+$0x0], $0xffff;
	v8 =	vadd.s32 s28, v6  }
0x28c: {  	v53 =	vld.idx.msk [tilespmem:v19+s14+$0x0], $0xffff;
	v19 =	vadd.s32 s28, v4  }
0x28d: {  	v54 =	vld.idx.msk [tilespmem:v16+s14+$0x0], $0xffff;
	v16 =	vadd.s32 s28, v2  }
0x28e: {  	v55 =	vld.idx.msk [tilespmem:v17+s14+$0x0], $0xffff;
	v17 =	vadd.s32 s28, v0  }
0x28f: {  	v57 =	vld.idx.msk [tilespmem:v18+s14+$0x0], $0xffff;
	v18 =	vadd.s32 s28, v1  }
0x290: {  	v56 =	vld.idx.msk [tilespmem:v8+s14+$0x0], $0xffff;
	v8 =	vadd.s32 s28, v3  }
0x291: {  	[tilespmem:$0x1FD90] =	vst v5;
	s31 =	simm.s32 $0x3800;
	v58 =	vld.idx.msk [tilespmem:v19+s14+$0x0], $0xffff;
	v19 =	vadd.s32 s28, v7  }
0x292: {  	[tilespmem:$0x1FDA0] =	vst v4;
	v59 =	vld.idx.msk [tilespmem:v16+s14+$0x0], $0xffff;
	v16 =	vadd.s32 s31, v6  }
0x293: {  	[tilespmem:$0x1FDB0] =	vst v2;
	v60 =	vld.idx.msk [tilespmem:v17+s14+$0x0], $0xffff;
	v17 =	vadd.s32 s31, v5  }
0x294: {  	[tilespmem:$0x1FDC0] =	vst v0;
	v22 =	vadd.s32 s31, v2;
	v62 =	vld.idx.msk [tilespmem:v18+s14+$0x0], $0xffff  }
0x295: {  	[tilespmem:$0x1FDD0] =	vst v3;
	v61 =	vld.idx.msk [tilespmem:v8+s14+$0x0], $0xffff;
	v8 =	vadd.s32 s31, v4  }
0x296: {  	[tilespmem:$0x1FDE0] =	vst v1;
	v63 =	vld.idx.msk [tilespmem:v19+s14+$0x0], $0xffff  }
0x297: {  	[tilespmem:$0x1FDF0] =	vst v7;
	v16 =	vld.idx.msk [tilespmem:v16+s14+$0x0], $0xffff  }
0x298: {  	[tilespmem:$0x1FE00] =	vst v6;
	v21 =	vadd.s32 s31, v0;
	v17 =	vld.idx.msk [tilespmem:v17+s14+$0x0], $0xffff  }
0x299: {  	s30 =	simm.s32 $0x3C00;
	v20 =	vadd.s32 s31, v3;
	[tilespmem:$0x1FD50] =	vst v13;
	v19 =	vld.idx.msk [tilespmem:v22+s14+$0x0], $0xffff  }
0x29a: {  	v23 =	vadd.s32 s30, v6;
	[tilespmem:$0x1FD70] =	vst v9;
	s29 =	simm.s32 $0x4000;
	s28 =	simm.s32 $0x2000;
	v22 =	vadd.s32 s31, v7;
	v18 =	vld.idx.msk [tilespmem:v8+s14+$0x0], $0xffff;
	v8 =	vadd.s32 s31, v1  }
.LBB2_6:
0x29b: {  	_ =	sdelay $0x1  }
0x29c: {  	v21 =	vld.idx.msk [tilespmem:v21+s14+$0x0], $0xffff  }
0x29d: {  	v7 =	vld [tilespmem:$0x1FDF0]  }
0x29e: {  	v20 =	vld.idx.msk [tilespmem:v20+s14+$0x0], $0xffff  }
0x29f: {  	v6 =	vld [tilespmem:$0x1FD90]  }
0x2a0: {  	v5 =	vld [tilespmem:$0x1FDA0]  }
0x2a1: {  	v3 =	vld [tilespmem:$0x1FDB0]  }
0x2a2: {  	v1 =	vld [tilespmem:$0x1FDC0]  }
0x2a3: {  	v4 =	vld [tilespmem:$0x1FDD0];
	v9 =	vadd.s32 s30, v7  }
0x2a4: {  	v2 =	vld [tilespmem:$0x1FDE0];
	v10 =	vadd.s32 s30, v6  }
0x2a5: {  	v8 =	vld.idx.msk [tilespmem:v8+s14+$0x0], $0xffff;
	v11 =	vadd.s32 s30, v5  }
0x2a6: {  	v22 =	vld.idx.msk [tilespmem:v22+s14+$0x0], $0xffff;
	v12 =	vadd.s32 s30, v3  }
0x2a7: {  	v23 =	vld.idx.msk [tilespmem:v23+s14+$0x0], $0xffff;
	v13 =	vadd.s32 s30, v1  }
0x2a8: {  	[tilespmem:$0x1FC20] =	vst v14;
	v14 =	vadd.s32 s30, v4;
	v9 =	vld.idx.msk [tilespmem:v9+s14+$0x0], $0xffff  }
0x2a9: {  	v0 =	vmov v15;
	v15 =	vadd.s32 s30, v2;
	v10 =	vld.idx.msk [tilespmem:v10+s14+$0x0], $0xffff  }
0x2aa: {  	v11 =	vld.idx.msk [tilespmem:v11+s14+$0x0], $0xffff  }
0x2ab: {  	v12 =	vld.idx.msk [tilespmem:v12+s14+$0x0], $0xffff  }
0x2ac: {  	v13 =	vld.idx.msk [tilespmem:v13+s14+$0x0], $0xffff  }
0x2ad: {  	s26 =	sadd.s32 $0x400, s26;
	v14 =	vld.idx.msk [tilespmem:v14+s14+$0x0], $0xffff  }
0x2ae: {  	v15 =	vld.idx.msk [tilespmem:v15+s14+$0x0], $0xffff;
	[tilespmem:s26+$0xFFFFFC90] =	vst v24  }
0x2af: {  	[tilespmem:s26+$0xFFFFFCA0] =	vst v25  }
0x2b0: {  	[tilespmem:s26+$0xFFFFFCB0] =	vst v26  }
0x2b1: {  	[tilespmem:s26+$0xFFFFFCC0] =	vst v27  }
0x2b2: {  	[tilespmem:s26+$0xFFFFFCD0] =	vst v28  }
0x2b3: {  	[tilespmem:s26+$0xFFFFFCE0] =	vst v29  }
0x2b4: {  	[tilespmem:s26+$0xFFFFFCF0] =	vst v30  }
0x2b5: {  	[tilespmem:s26+$0xFFFFFD00] =	vst v31  }
0x2b6: {  	[tilespmem:s26+$0xFFFFFD10] =	vst v32  }
0x2b7: {  	[tilespmem:s26+$0xFFFFFD20] =	vst v33  }
0x2b8: {  	[tilespmem:s26+$0xFFFFFD30] =	vst v34  }
0x2b9: {  	[tilespmem:s26+$0xFFFFFD40] =	vst v35  }
0x2ba: {  	[tilespmem:s26+$0xFFFFFD50] =	vst v36  }
0x2bb: {  	[tilespmem:s26+$0xFFFFFD60] =	vst v37  }
0x2bc: {  	[tilespmem:s26+$0xFFFFFD70] =	vst v38  }
0x2bd: {  	[tilespmem:s26+$0xFFFFFD80] =	vst v39  }
0x2be: {  	[tilespmem:s26+$0xFFFFFD90] =	vst v40  }
0x2bf: {  	[tilespmem:s26+$0xFFFFFDA0] =	vst v41  }
0x2c0: {  	[tilespmem:s26+$0xFFFFFDB0] =	vst v42  }
0x2c1: {  	[tilespmem:s26+$0xFFFFFDC0] =	vst v43  }
0x2c2: {  	[tilespmem:s26+$0xFFFFFDD0] =	vst v44  }
0x2c3: {  	[tilespmem:s26+$0xFFFFFDE0] =	vst v45  }
0x2c4: {  	[tilespmem:s26+$0xFFFFFDF0] =	vst v46  }
0x2c5: {  	[tilespmem:s26+$0xFFFFFE00] =	vst v47  }
0x2c6: {  	[tilespmem:s26+$0xFFFFFE10] =	vst v48  }
0x2c7: {  	[tilespmem:s26+$0xFFFFFE20] =	vst v49  }
0x2c8: {  	[tilespmem:s26+$0xFFFFFE30] =	vst v50  }
0x2c9: {  	[tilespmem:s26+$0xFFFFFE40] =	vst v51  }
0x2ca: {  	[tilespmem:s26+$0xFFFFFE50] =	vst v52  }
0x2cb: {  	[tilespmem:s26+$0xFFFFFE60] =	vst v53  }
0x2cc: {  	[tilespmem:s26+$0xFFFFFE70] =	vst v54  }
0x2cd: {  	[tilespmem:s26+$0xFFFFFE80] =	vst v55  }
0x2ce: {  	[tilespmem:s26+$0xFFFFFE90] =	vst v56  }
0x2cf: {  	[tilespmem:s26+$0xFFFFFEA0] =	vst v57  }
0x2d0: {  	[tilespmem:s26+$0xFFFFFEB0] =	vst v58  }
0x2d1: {  	[tilespmem:s26+$0xFFFFFEC0] =	vst v59  }
0x2d2: {  	[tilespmem:s26+$0xFFFFFED0] =	vst v60  }
0x2d3: {  	[tilespmem:s26+$0xFFFFFEE0] =	vst v61  }
0x2d4: {  	[tilespmem:s26+$0xFFFFFEF0] =	vst v62  }
0x2d5: {  	[tilespmem:s26+$0xFFFFFF70] =	vst v8;
	v8 =	vld [tilespmem:$0x1FD00]  }
0x2d6: {  	[tilespmem:s26+$0xFFFFFF00] =	vst v63  }
0x2d7: {  	[tilespmem:s26+$0xFFFFFF10] =	vst v16  }
0x2d8: {  	[tilespmem:s26+$0xFFFFFF20] =	vst v17  }
0x2d9: {  	[tilespmem:s26+$0xFFFFFF30] =	vst v18  }
0x2da: {  	[tilespmem:s26+$0xFFFFFC10] =	vst v8;
	v8 =	vld [tilespmem:$0x1FD20]  }
0x2db: {  	[tilespmem:s26+$0xFFFFFF40] =	vst v19  }
0x2dc: {  	[tilespmem:s26+$0xFFFFFF50] =	vst v21  }
0x2dd: {  	[tilespmem:s26+$0xFFFFFF60] =	vst v20  }
0x2de: {  	[tilespmem:s26+$0xFFFFFF80] =	vst v22  }
0x2df: {  	[tilespmem:s26+$0xFFFFFC20] =	vst v8;
	v8 =	vld [tilespmem:$0x1FD40]  }
0x2e0: {  	[tilespmem:s26+$0xFFFFFF90] =	vst v23  }
0x2e1: {  	[tilespmem:s26+$0xFFFFFC80] =	vst v0  }
0x2e2: {  	[tilespmem:s26+$0x0] =	vst v9  }
0x2e3: {  	[tilespmem:s26+$0xFFFFFFA0] =	vst v10  }
0x2e4: {  	[tilespmem:s26+$0xFFFFFC30] =	vst v8;
	v8 =	vld [tilespmem:$0x1FCB0]  }
0x2e5: {  	[tilespmem:s26+$0xFFFFFFB0] =	vst v11;
	v9 =	vld [tilespmem:$0x1FD60]  }
0x2e6: {  	[tilespmem:s26+$0xFFFFFFC0] =	vst v12;
	v10 =	vld [tilespmem:$0x1FD70]  }
0x2e7: {  	[tilespmem:s26+$0xFFFFFFD0] =	vst v13;
	v11 =	vld [tilespmem:$0x1FD80]  }
0x2e8: {  	[tilespmem:s26+$0xFFFFFFE0] =	vst v14;
	v12 =	vld [tilespmem:$0x1FC20]  }
0x2e9: {  	v61 =	vld [tilespmem:$0x1FD10];
	[tilespmem:s26+$0xFFFFFFF0] =	vst v15;
	v8 =	vadd.s32 s28, v8  }
0x2ea: {  	[tilespmem:s26+$0xFFFFFC40] =	vst v9;
	v9 =	vld [tilespmem:$0x1FCC0]  }
0x2eb: {  	[tilespmem:s26+$0xFFFFFC50] =	vst v10;
	v10 =	vld [tilespmem:$0x1FCD0]  }
0x2ec: {  	[tilespmem:s26+$0xFFFFFC60] =	vst v11;
	v11 =	vld [tilespmem:$0x1FCE0]  }
0x2ed: {  	[tilespmem:s26+$0xFFFFFC70] =	vst v12;
	v12 =	vld [tilespmem:$0x1FCF0]  }
0x2ee: {  	v8 =	vld.idx.msk [tilespmem:v8+s14+$0x0], $0xffff  }
0x2ef: {  	v9 =	vadd.s32 s28, v9  }
0x2f0: {  	v10 =	vadd.s32 s28, v10  }
0x2f1: {  	v62 =	vld [tilespmem:$0x1FD30];
	v11 =	vadd.s32 s28, v11  }
0x2f2: {  	v63 =	vld [tilespmem:$0x1FD50];
	v12 =	vadd.s32 s28, v12  }
0x2f3: {  	v0 =	vld [tilespmem:$0x1FE00];
	[tilespmem:$0x1FD00] =	vst v8;
	v8 =	vadd.s32 s28, v61  }
0x2f4: {  	v9 =	vld.idx.msk [tilespmem:v9+s14+$0x0], $0xffff  }
0x2f5: {  	v10 =	vld.idx.msk [tilespmem:v10+s14+$0x0], $0xffff  }
0x2f6: {  	v11 =	vld.idx.msk [tilespmem:v11+s14+$0x0], $0xffff  }
0x2f7: {  	v12 =	vld.idx.msk [tilespmem:v12+s14+$0x0], $0xffff  }
0x2f8: {  	v8 =	vld.idx.msk [tilespmem:v8+s14+$0x0], $0xffff  }
0x2f9: {  	[tilespmem:$0x1FD20] =	vst v9;
	v9 =	vadd.s32 s28, v62  }
0x2fa: {  	s30 =	sadd.s32 $0x400, s29;
	[tilespmem:$0x1FD40] =	vst v10;
	v10 =	vadd.s32 s28, v63  }
0x2fb: {  	[tilespmem:$0x1FD60] =	vst v11;
	v11 =	vadd.s32 s30, v0  }
0x2fc: {  	[tilespmem:$0x1FD70] =	vst v12;
	v12 =	vadd.s32 s30, v6  }
0x2fd: {  	[tilespmem:$0x1FD80] =	vst v8;
	v8 =	vadd.s32 s30, v5  }
0x2fe: {  	v14 =	vld.idx.msk [tilespmem:v9+s14+$0x0], $0xffff;
	v9 =	vadd.s32 s30, v3  }
0x2ff: {  	v15 =	vld.idx.msk [tilespmem:v10+s14+$0x0], $0xffff;
	v10 =	vadd.s32 s30, v1  }
0x300: {  	v24 =	vld.idx.msk [tilespmem:v11+s14+$0x0], $0xffff;
	v11 =	vadd.s32 s30, v4  }
0x301: {  	v25 =	vld.idx.msk [tilespmem:v12+s14+$0x0], $0xffff;
	v12 =	vadd.s32 s30, v2  }
0x302: {  	v26 =	vld.idx.msk [tilespmem:v8+s14+$0x0], $0xffff;
	v8 =	vadd.s32 s30, v7;
	s30 =	sadd.s32 $0x800, s29  }
0x303: {  	v27 =	vld.idx.msk [tilespmem:v9+s14+$0x0], $0xffff;
	v9 =	vadd.s32 s30, v0  }
0x304: {  	v28 =	vld.idx.msk [tilespmem:v10+s14+$0x0], $0xffff;
	v10 =	vadd.s32 s30, v6  }
0x305: {  	v29 =	vld.idx.msk [tilespmem:v11+s14+$0x0], $0xffff;
	v11 =	vadd.s32 s30, v5  }
0x306: {  	v30 =	vld.idx.msk [tilespmem:v12+s14+$0x0], $0xffff;
	v12 =	vadd.s32 s30, v3  }
0x307: {  	v31 =	vld.idx.msk [tilespmem:v8+s14+$0x0], $0xffff;
	v8 =	vadd.s32 s30, v1  }
0x308: {  	v32 =	vld.idx.msk [tilespmem:v9+s14+$0x0], $0xffff;
	v9 =	vadd.s32 s30, v4  }
0x309: {  	v33 =	vld.idx.msk [tilespmem:v10+s14+$0x0], $0xffff;
	v10 =	vadd.s32 s30, v2  }
0x30a: {  	v34 =	vld.idx.msk [tilespmem:v11+s14+$0x0], $0xffff;
	v11 =	vadd.s32 s30, v7;
	s30 =	sadd.s32 $0xC00, s29  }
0x30b: {  	v35 =	vld.idx.msk [tilespmem:v12+s14+$0x0], $0xffff;
	v12 =	vadd.s32 s30, v0  }
0x30c: {  	v36 =	vld.idx.msk [tilespmem:v8+s14+$0x0], $0xffff;
	v8 =	vadd.s32 s30, v6  }
0x30d: {  	v37 =	vld.idx.msk [tilespmem:v9+s14+$0x0], $0xffff;
	v9 =	vadd.s32 s30, v5  }
0x30e: {  	v38 =	vld.idx.msk [tilespmem:v10+s14+$0x0], $0xffff;
	v10 =	vadd.s32 s30, v3  }
0x30f: {  	v39 =	vld.idx.msk [tilespmem:v11+s14+$0x0], $0xffff;
	v11 =	vadd.s32 s30, v1  }
0x310: {  	v40 =	vld.idx.msk [tilespmem:v12+s14+$0x0], $0xffff;
	v12 =	vadd.s32 s30, v4  }
0x311: {  	v41 =	vld.idx.msk [tilespmem:v8+s14+$0x0], $0xffff;
	v8 =	vadd.s32 s30, v2  }
0x312: {  	v42 =	vld.idx.msk [tilespmem:v9+s14+$0x0], $0xffff;
	v9 =	vadd.s32 s30, v7;
	s30 =	sadd.s32 $0x1000, s29  }
0x313: {  	v43 =	vld.idx.msk [tilespmem:v10+s14+$0x0], $0xffff;
	v10 =	vadd.s32 s30, v0  }
0x314: {  	v44 =	vld.idx.msk [tilespmem:v11+s14+$0x0], $0xffff;
	v11 =	vadd.s32 s30, v6  }
0x315: {  	v45 =	vld.idx.msk [tilespmem:v12+s14+$0x0], $0xffff;
	v12 =	vadd.s32 s30, v5  }
0x316: {  	v46 =	vld.idx.msk [tilespmem:v8+s14+$0x0], $0xffff;
	v8 =	vadd.s32 s30, v3  }
0x317: {  	v47 =	vld.idx.msk [tilespmem:v9+s14+$0x0], $0xffff;
	v9 =	vadd.s32 s30, v1  }
0x318: {  	v48 =	vld.idx.msk [tilespmem:v10+s14+$0x0], $0xffff;
	v10 =	vadd.s32 s30, v4  }
0x319: {  	v49 =	vld.idx.msk [tilespmem:v11+s14+$0x0], $0xffff;
	v11 =	vadd.s32 s30, v2  }
0x31a: {  	v50 =	vld.idx.msk [tilespmem:v12+s14+$0x0], $0xffff;
	v12 =	vadd.s32 s30, v7;
	s30 =	sadd.s32 $0x1400, s29  }
0x31b: {  	v51 =	vld.idx.msk [tilespmem:v8+s14+$0x0], $0xffff;
	v8 =	vadd.s32 s30, v0  }
0x31c: {  	v52 =	vld.idx.msk [tilespmem:v9+s14+$0x0], $0xffff;
	v9 =	vadd.s32 s30, v6  }
0x31d: {  	v53 =	vld.idx.msk [tilespmem:v10+s14+$0x0], $0xffff;
	v10 =	vadd.s32 s30, v5  }
0x31e: {  	v54 =	vld.idx.msk [tilespmem:v11+s14+$0x0], $0xffff;
	v11 =	vadd.s32 s30, v3  }
0x31f: {  	v55 =	vld.idx.msk [tilespmem:v12+s14+$0x0], $0xffff;
	v12 =	vadd.s32 s30, v1  }
0x320: {  	v56 =	vld.idx.msk [tilespmem:v8+s14+$0x0], $0xffff;
	v8 =	vadd.s32 s30, v4  }
0x321: {  	v57 =	vld.idx.msk [tilespmem:v9+s14+$0x0], $0xffff;
	v9 =	vadd.s32 s30, v2  }
0x322: {  	v58 =	vld.idx.msk [tilespmem:v10+s14+$0x0], $0xffff;
	v10 =	vadd.s32 s30, v7;
	s30 =	sadd.s32 $0x1800, s29  }
0x323: {  	v59 =	vld.idx.msk [tilespmem:v11+s14+$0x0], $0xffff;
	v11 =	vadd.s32 s30, v0  }
0x324: {  	v60 =	vld.idx.msk [tilespmem:v12+s14+$0x0], $0xffff;
	v12 =	vadd.s32 s30, v6  }
0x325: {  	v13 =	vadd.s32 s30, v5;
	v61 =	vld.idx.msk [tilespmem:v8+s14+$0x0], $0xffff  }
0x326: {  	p0 =	sne.s32 s29, $0xE000;
	v62 =	vld.idx.msk [tilespmem:v9+s14+$0x0], $0xffff;
	v9 =	vadd.s32 s30, v3  }
.Ltmp1:
0x327: {  	v63 =	vld.idx.msk [tilespmem:v10+s14+$0x0], $0xffff;
	(pc) =	sbr.rel @p0 .LBB2_6-.Ltmp1, $4  }
0x328: {  	v16 =	vld.idx.msk [tilespmem:v11+s14+$0x0], $0xffff  }
0x329: {  	v21 =	vadd.s32 s30, v1;
	v17 =	vld.idx.msk [tilespmem:v12+s14+$0x0], $0xffff  }
0x32a: {  	v20 =	vadd.s32 s30, v4;
	v22 =	vadd.s32 s30, v7;
	v8 =	vadd.s32 s30, v2;
	s30 =	sadd.s32 $0x1C00, s29;
	v18 =	vld.idx.msk [tilespmem:v13+s14+$0x0], $0xffff  }
0x32b: {  	s28 =	smov.u32 s29;
	s29 =	sadd.s32 $0x2000, s29;
	v23 =	vadd.s32 s30, v0;
	v19 =	vld.idx.msk [tilespmem:v9+s14+$0x0], $0xffff  }
0x32c: {  	_ =	sdelay $0x3  }
0x32d: {  	v6 =	vld.idx.msk [tilespmem:v21+s14+$0x0], $0xffff  }
0x32e: {  	v0 =	vld [tilespmem:$0x1FDF0]  }
0x32f: {  	v9 =	vld.idx.msk [tilespmem:v20+s14+$0x0], $0xffff  }
0x330: {  	v13 =	vld [tilespmem:$0x1FD90]  }
0x331: {  	v20 =	vld [tilespmem:$0x1FDA0]  }
0x332: {  	v10 =	vld.idx.msk [tilespmem:v22+s14+$0x0], $0xffff  }
0x333: {  	v21 =	vld [tilespmem:$0x1FDB0]  }
0x334: {  	v11 =	vld.idx.msk [tilespmem:v23+s14+$0x0], $0xffff  }
0x335: {  	v22 =	vld [tilespmem:$0x1FDC0]  }
0x336: {  	v1 =	vld [tilespmem:$0x1FDD0];
	v7 =	vadd.s32 s30, v0  }
0x337: {  	v23 =	vld [tilespmem:$0x1FDE0];
	v5 =	vadd.s32 s30, v13  }
0x338: {  	v4 =	vadd.s32 s30, v20  }
0x339: {  	v2 =	vadd.s32 s30, v21  }
0x33a: {  	v8 =	vld.idx.msk [tilespmem:v8+s14+$0x0], $0xffff;
	v0 =	vadd.s32 s30, v22  }
0x33b: {  	v3 =	vadd.s32 s30, v1;
	v7 =	vld.idx.msk [tilespmem:v7+s14+$0x0], $0xffff  }
0x33c: {  	v1 =	vadd.s32 s30, v23;
	v5 =	vld.idx.msk [tilespmem:v5+s14+$0x0], $0xffff  }
0x33d: {  	v4 =	vld.idx.msk [tilespmem:v4+s14+$0x0], $0xffff  }
0x33e: {  	v2 =	vld.idx.msk [tilespmem:v2+s14+$0x0], $0xffff  }
0x33f: {  	v0 =	vld.idx.msk [tilespmem:v0+s14+$0x0], $0xffff  }
0x340: {  	s26 =	sadd.s32 $0x400, s26;
	v3 =	vld.idx.msk [tilespmem:v3+s14+$0x0], $0xffff  }
0x341: {  	v1 =	vld.idx.msk [tilespmem:v1+s14+$0x0], $0xffff;
	[tilespmem:s26+$0xFFFFFC90] =	vst v24  }
0x342: {  	[tilespmem:s26+$0xFFFFFCA0] =	vst v25  }
0x343: {  	[tilespmem:s26+$0xFFFFFCB0] =	vst v26  }
0x344: {  	[tilespmem:s26+$0xFFFFFCC0] =	vst v27  }
0x345: {  	[tilespmem:s26+$0xFFFFFCD0] =	vst v28  }
0x346: {  	[tilespmem:s26+$0xFFFFFCE0] =	vst v29  }
0x347: {  	[tilespmem:s26+$0xFFFFFCF0] =	vst v30  }
0x348: {  	[tilespmem:s26+$0xFFFFFD00] =	vst v31  }
0x349: {  	[tilespmem:s26+$0xFFFFFD10] =	vst v32  }
0x34a: {  	[tilespmem:s26+$0xFFFFFD20] =	vst v33  }
0x34b: {  	[tilespmem:s26+$0xFFFFFD30] =	vst v34  }
0x34c: {  	[tilespmem:s26+$0xFFFFFD40] =	vst v35  }
0x34d: {  	[tilespmem:s26+$0xFFFFFD50] =	vst v36  }
0x34e: {  	[tilespmem:s26+$0xFFFFFD60] =	vst v37  }
0x34f: {  	[tilespmem:s26+$0xFFFFFD70] =	vst v38  }
0x350: {  	[tilespmem:s26+$0xFFFFFD80] =	vst v39  }
0x351: {  	[tilespmem:s26+$0xFFFFFD90] =	vst v40  }
0x352: {  	[tilespmem:s26+$0xFFFFFDA0] =	vst v41  }
0x353: {  	[tilespmem:s26+$0xFFFFFDB0] =	vst v42  }
0x354: {  	[tilespmem:s26+$0xFFFFFDC0] =	vst v43  }
0x355: {  	[tilespmem:s26+$0xFFFFFDD0] =	vst v44  }
0x356: {  	[tilespmem:s26+$0xFFFFFDE0] =	vst v45  }
0x357: {  	[tilespmem:s26+$0xFFFFFDF0] =	vst v46  }
0x358: {  	[tilespmem:s26+$0xFFFFFE00] =	vst v47  }
0x359: {  	[tilespmem:s26+$0xFFFFFE10] =	vst v48  }
0x35a: {  	[tilespmem:s26+$0xFFFFFE20] =	vst v49  }
0x35b: {  	[tilespmem:s26+$0xFFFFFE30] =	vst v50  }
0x35c: {  	[tilespmem:s26+$0xFFFFFE40] =	vst v51  }
0x35d: {  	[tilespmem:s26+$0xFFFFFE50] =	vst v52  }
0x35e: {  	[tilespmem:s26+$0xFFFFFE60] =	vst v53  }
0x35f: {  	[tilespmem:s26+$0xFFFFFE70] =	vst v54  }
0x360: {  	[tilespmem:s26+$0xFFFFFE80] =	vst v55  }
0x361: {  	[tilespmem:s26+$0xFFFFFE90] =	vst v56  }
0x362: {  	[tilespmem:s26+$0xFFFFFEA0] =	vst v57  }
0x363: {  	[tilespmem:s26+$0xFFFFFEB0] =	vst v58  }
0x364: {  	[tilespmem:s26+$0xFFFFFEC0] =	vst v59  }
0x365: {  	[tilespmem:s26+$0xFFFFFED0] =	vst v60  }
0x366: {  	[tilespmem:s26+$0xFFFFFEE0] =	vst v61  }
0x367: {  	[tilespmem:s26+$0xFFFFFEF0] =	vst v62  }
0x368: {  	[tilespmem:s26+$0xFFFFFF00] =	vst v63  }
0x369: {  	[tilespmem:s26+$0xFFFFFF10] =	vst v16  }
0x36a: {  	[tilespmem:s26+$0xFFFFFF20] =	vst v17  }
0x36b: {  	[tilespmem:s26+$0xFFFFFF30] =	vst v18  }
0x36c: {  	[tilespmem:s26+$0xFFFFFF40] =	vst v19  }
0x36d: {  	[tilespmem:s26+$0xFFFFFF50] =	vst v6  }
0x36e: {  	[tilespmem:s26+$0xFFFFFF60] =	vst v9  }
0x36f: {  	[tilespmem:s26+$0xFFFFFF70] =	vst v8  }
0x370: {  	[tilespmem:s26+$0xFFFFFF80] =	vst v10  }
0x371: {  	[tilespmem:s26+$0xFFFFFF90] =	vst v11  }
0x372: {  	[tilespmem:s26+$0xFFFFFC70] =	vst v14  }
0x373: {  	[tilespmem:s26+$0xFFFFFC80] =	vst v15  }
0x374: {  	[tilespmem:s26+$0x0] =	vst v7  }
0x375: {  	[tilespmem:s26+$0xFFFFFFA0] =	vst v5  }
0x376: {  	v58 =	vld [tilespmem:$0x1FD00];
	[tilespmem:s26+$0xFFFFFFB0] =	vst v4  }
0x377: {  	v59 =	vld [tilespmem:$0x1FD20];
	[tilespmem:s26+$0xFFFFFFC0] =	vst v2  }
0x378: {  	v60 =	vld [tilespmem:$0x1FD40];
	[tilespmem:s26+$0xFFFFFFD0] =	vst v0  }
0x379: {  	v61 =	vld [tilespmem:$0x1FD60];
	[tilespmem:s26+$0xFFFFFFE0] =	vst v3  }
0x37a: {  	v62 =	vld [tilespmem:$0x1FD70];
	[tilespmem:s26+$0xFFFFFFF0] =	vst v1  }
0x37b: {  	s24 =	sadd.s32 $0x1, s24;
	v63 =	vld [tilespmem:$0x1FD80];
	[tilespmem:s26+$0xFFFFFC10] =	vst v58  }
0x37c: {  	s25 =	smul.u32 $0xFA000, s25;
	p0 =	sne.s32 s24, $0x19;
	[tilespmem:s26+$0xFFFFFC20] =	vst v59  }
.Ltmp2:
0x37d: {  	[tilespmem:s26+$0xFFFFFC30] =	vst v60;
	(pc) =	sbr.rel @p0 .LBB2_3-.Ltmp2, $4  }
0x37e: {  	s25 =	sadd.s32 s23, s25;
	[tilespmem:s26+$0xFFFFFC40] =	vst v61  }
0x37f: {  	s25 =	sshrl.u32 s25, $0x3;
	[tilespmem:s26+$0xFFFFFC50] =	vst v62  }
0x380: {  	s25 =	sadd.s32 s2, s25;
	[tilespmem:s26+$0xFFFFFC60] =	vst v63  }
0x381: {  	[hbm4b:s25+s10] =	stream.strided.scatter [tilespmem:s16], [sflag:$0x2], $0x2000, s11, s10, $0x38;
	[tilespmem:$0x15C00] =	vst v63  }
0x382: {  	s20 =	sadd.s32 $0x1, s20  }
0x383: {  	p0 =	sne.s32 s20, $0x4  }
.Ltmp3:
0x384: {  	_ = 	snop;
	(pc) =	sbr.rel @p0 .LBB2_2-.Ltmp3, $1  }
0x385: {  	_ =	sdelay $0x3  }
0x386: {  	s19 =	sadd.s32 $0x1, s19  }
0x387: {  	_ =	swait.ge [sflag:s17], $0x2000;
	p0 =	sne.s32 s19, s9  }
.Ltmp4:
0x388: {  	[sflag:s17] =	ssyncset.done $0x0;
	(pc) =	sbr.rel @p0 .LBB2_1-.Ltmp4, $4  }
0x389: {  	[sflag:s17] =	ssyncadd.s32 $0xFFFFE000  }
0x38a: {  	_ =	swait.ge [sflag:s18], $0x2000  }
0x38b: {  	[sflag:s18] =	ssyncset.done $0x0  }
0x38c: {  	[sflag:s18] =	ssyncadd.s32 $0xFFFFE000  }
0x38d: {  	_ =	sfence.sel $0x180000  }
0x38e: {  	[bflag:$0x0] =	sbarrier.arrive $0xFFFF  }
0x38f: {  	p0 =	sne.s32 s1, $0x0;
	_ =	strace $0x90000047  }
0x390: {  	s0 =	sadd.s32 @!p0 $0x100000, s0;
	[bflag:$0x2] =	sbarrier.arrive $0xFFFF  }
0x391: {  	[sflag:s0] =	ssyncadd.tile.s32 @!p0 $0x1;
	_ =	shalt  }
.Lfunc_end2:
_tile_overlayer_lowered:
.L_overlay_start_2:
0x392: {  	(tag) =	ssettag $0x2  }
0x393: {  	s0 =	rddreg [dreg:$0x0];
	s2 =	stileid.u32  }
0x394: {  	s1 =	rddreg [dreg:$0x1];
	p0 =	sne.s32 s2, $0x0  }
0x395: {  	s3 =	rddreg [dreg:$0x2];
	[bflag:$0x3] =	sbarrier.arrive $0xFFFF;
	s2 =	simm.s32 @!p0 $0x1C03  }
0x396: {  	[timem:s3], [sflag:s2] =	dma.local @!p0 [hbm:s0], s1  }
0x397: {  	s0 =	simm.s32 @!p0 $0x3  }
0x398: {  	_ =	swait.ge @!p0 [sflag:s0], s1  }
0x399: {  	s1 =	ssub.s32 @!p0 $0x0, s1;
	[sflag:s0] =	ssyncset.done @!p0 $0x0  }
0x39a: {  	[sflag:s0] =	ssyncadd.s32 @!p0 s1  }
0x39b: {  	[bflag:$0x3] =	sbarrier.arrive $0xFFFF  }
0x39c: {  	_ =	shalt  }

</sc_bundles>
